<compile_context>
chip_gen: v7x
topology: tpu7x:2x2x1
jax: 0.10.2.dev20260603
libtpu: 0.0.44.dev20260713+nightly
codegen_flags: <defaults>
</compile_context>

<pallas_src>
import functools

import jax
import jax.numpy as jnp
from jax import lax
from jax.experimental import pallas as pl
from jax.experimental.pallas import tpu as pltpu
from jax.experimental.pallas import tpu_sc as plsc

NC = 2
NS = 16
NW = NC * NS
L = 16
G = 64
NH = 2

_HIGH = jax.lax.Precision.HIGHEST



def _sc_mesh():
  return plsc.VectorSubcoreMesh(
      core_axis_name="c", subcore_axis_name="s",
      num_cores=NC, num_subcores=NS)


@functools.lru_cache(maxsize=None)
def _make_deg(NP, CH, K):
  RPT = NP // NS
  RB = 128
  assert RPT % RB == 0

  @functools.partial(
      pl.kernel,
      out_type=jax.ShapeDtypeStruct((NC, NP, L), jnp.float32),
      mesh=_sc_mesh(),
      compiler_params=pltpu.CompilerParams(use_tc_tiling_on_sc=False),
      scratch_types=[
          pltpu.VMEM((CH, K), jnp.int32),
          pltpu.VMEM((K, L), jnp.float32),
          pltpu.VMEM((RB, L), jnp.float32),
          pltpu.VMEM_SHARED((NP, L), jnp.float32),
      ],
  )
  def deg_k(dstm, out, idx_v, ones_v, stage_v, acc):
    c = lax.axis_index("c")
    s = lax.axis_index("s")
    ones16 = jnp.ones((L,), jnp.float32)
    z16 = jnp.zeros((L,), jnp.float32)

    def fill_ones(r, carry):
      ones_v[r, :] = ones16
      return carry
    lax.fori_loop(0, K, fill_ones, 0)

    def fill_zero(r, carry):
      stage_v[r, :] = z16
      return carry
    lax.fori_loop(0, RB, fill_zero, 0)

    row0 = s * RPT
    def zero_chunk(t, carry):
      pltpu.sync_copy(stage_v, acc.at[pl.ds(row0 + t * RB, RB)])
      return carry
    lax.fori_loop(0, RPT // RB, zero_chunk, 0)
    plsc.subcore_barrier()

    pltpu.sync_copy(dstm.at[c, s], idx_v)
    def chunk(j, carry):
      pltpu.sync_copy(ones_v, acc.at[idx_v.at[j]], add=True)
      return carry
    lax.fori_loop(0, CH, chunk, 0)
    plsc.subcore_barrier()

    def readout(t, carry):
      r = row0 + t * RB
      pltpu.sync_copy(acc.at[pl.ds(r, RB)], stage_v)
      pltpu.sync_copy(stage_v, out.at[c, pl.ds(r, RB)])
      return carry
    lax.fori_loop(0, RPT // RB, readout, 0)

  return deg_k


@functools.lru_cache(maxsize=None)
def _make_prop(N, NP, HH, CH, K):
  RPT = NP // NS
  RB = 128
  assert RPT % RB == 0
  assert HH % L == 0 and (HH * 4) % 64 == 0
  assert CH % 2 == 0

  @functools.partial(
      pl.kernel,
      out_type=[jax.ShapeDtypeStruct((NC, NP, HH), jnp.float32)] * NH,
      mesh=_sc_mesh(),
      compiler_params=pltpu.CompilerParams(use_tc_tiling_on_sc=False),
      scratch_types=[
          pltpu.VMEM((CH, K), jnp.int32),
          pltpu.VMEM((CH, K), jnp.int32),
          pltpu.VMEM((K, HH), jnp.float32),
          pltpu.VMEM((K, HH), jnp.float32),
          pltpu.VMEM((RB, HH), jnp.float32),
          pltpu.VMEM((RB, HH), jnp.float32),
          pltpu.VMEM_SHARED((NP, HH), jnp.float32),
          pltpu.SemaphoreType.DMA,
          pltpu.SemaphoreType.DMA,
      ],
  )
  def prop_k(h0, h1, srcm, dstm, out0, out1, idx_s, idx_d, rows0, rows1,
             zero_v, stage_v, acc, sem0, sem1):
    tables = (h0, h1)
    outs = (out0, out1)
    c = lax.axis_index("c")
    s = lax.axis_index("s")
    z16 = jnp.zeros((L,), jnp.float32)

    def fill_zero(r, carry):
      for q in range(HH // L):
        zero_v[r, pl.ds(q * L, L)] = z16
      return carry
    lax.fori_loop(0, RB, fill_zero, 0)

    pltpu.sync_copy(srcm.at[c, s], idx_s)
    pltpu.sync_copy(dstm.at[c, s], idx_d)

    row0 = s * RPT
    for hh in range(NH):
      def zero_chunk(t, carry):
        pltpu.sync_copy(zero_v, acc.at[pl.ds(row0 + t * RB, RB)])
        return carry
      lax.fori_loop(0, RPT // RB, zero_chunk, 0)
      plsc.subcore_barrier()

      table = tables[hh]
      pltpu.async_copy(table.at[idx_s.at[0]], rows0, sem0)

      def pair(t, carry):
        j0 = 2 * t
        pltpu.async_copy(table.at[idx_s.at[j0 + 1]], rows1, sem1)
        pltpu.make_async_copy(table.at[idx_s.at[j0]], rows0, sem0).wait()
        pltpu.sync_copy(rows0, acc.at[idx_d.at[j0]], add=True)

        @pl.when(j0 + 2 < CH)
        def _():
          pltpu.async_copy(table.at[idx_s.at[j0 + 2]], rows0, sem0)
        pltpu.make_async_copy(table.at[idx_s.at[j0 + 1]], rows1, sem1).wait()
        pltpu.sync_copy(rows1, acc.at[idx_d.at[j0 + 1]], add=True)
        return carry
      lax.fori_loop(0, CH // 2, pair, 0)
      plsc.subcore_barrier()

      def readout(t, carry):
        r = row0 + t * RB
        pltpu.sync_copy(acc.at[pl.ds(r, RB)], stage_v)
        pltpu.sync_copy(stage_v, outs[hh].at[c, pl.ds(r, RB)])
        return carry
      lax.fori_loop(0, RPT // RB, readout, 0)

  return prop_k



def _tc1_body(x_ref, w0_ref, w1_ref, degc_ref, o0_ref, o1_ref, dis_ref):
  n = x_ref.shape[0]
  deg = 1.0 + degc_ref[0, :n] + degc_ref[1, :n]
  dis = lax.rsqrt(jnp.maximum(deg, 1.0))
  dis_ref[:] = dis
  for w_ref, o_ref in ((w0_ref, o0_ref), (w1_ref, o1_ref)):
    h = jnp.dot(x_ref[:, :], w_ref[:, :],
                preferred_element_type=jnp.float32)
    o_ref[:, :] = h * dis[:, None]


def _onehot_blk(batch_blk):
  n = batch_blk.shape[0]
  ids = lax.broadcasted_iota(jnp.int32, (n, G), 1)
  return (batch_blk[:, None] == ids).astype(jnp.float32)


def _gn_stats(onehot, x, st_ref):
  sx = jnp.concatenate([x, x * x], axis=1)
  st_ref[:, :] += lax.dot_general(onehot, sx, (((0,), (0,)), ((), ())),
                                  preferred_element_type=jnp.float32,
                                  precision=_HIGH)


def _gn_apply(onehot, x, st, inv_cnt, gw, gb, ga):
  hh = x.shape[1]
  seg = st * inv_cnt[:, None]
  mean = seg[:, :hh]
  ex2 = seg[:, hh:]
  var = ex2 - (2.0 * ga - ga * ga) * mean * mean
  istd = lax.rsqrt(var + 1e-5)
  bc = jnp.dot(onehot, jnp.concatenate([mean * ga, istd], axis=1),
               preferred_element_type=jnp.float32, precision=_HIGH)
  xm = x - bc[:, :hh]
  return jax.nn.relu(gw * xm * bc[:, hh:] + gb)


def _block_x(s_ref, ht_ref, dis, b_ref, q):
  hh = ht_ref.shape[1]
  return ((s_ref[0] + s_ref[1] + ht_ref[:, :]) * dis[:, None]
          + b_ref[pl.ds(q * hh, hh)])


def _conv_tail_body(s0_ref, s1_ref, ht0_ref, ht1_ref, dis_ref, batch_ref,
                    b_ref, gw_ref, gb_ref, ga_ref, w2_ref, o0_ref, o1_ref,
                    st0_ref, st1_ref, cnt_ref):
  ph = pl.program_id(0)
  i = pl.program_id(1)
  n, hh = ht0_ref.shape
  dis = dis_ref[0, 0, :]
  onehot = _onehot_blk(batch_ref[0, 0, :])
  xs = [_block_x(s0_ref, ht0_ref, dis, b_ref, 0),
        _block_x(s1_ref, ht1_ref, dis, b_ref, 1)]

  @pl.when(ph == 0)
  def _():
    @pl.when(i == 0)
    def _():
      st0_ref[:, :] = jnp.zeros_like(st0_ref)
      st1_ref[:, :] = jnp.zeros_like(st1_ref)
      cnt_ref[:] = jnp.zeros_like(cnt_ref)
    cnt_ref[:] += jnp.sum(onehot, axis=0)
    _gn_stats(onehot, xs[0], st0_ref)
    _gn_stats(onehot, xs[1], st1_ref)

  @pl.when(ph == 1)
  def _():
    inv_cnt = 1.0 / jnp.maximum(cnt_ref[:], 1.0)
    gs = [_gn_apply(onehot, xs[q], st_ref[:, :], inv_cnt,
                    gw_ref[pl.ds(q * hh, hh)], gb_ref[pl.ds(q * hh, hh)],
                    ga_ref[pl.ds(q * hh, hh)])
          for q, st_ref in ((0, st0_ref), (1, st1_ref))]
    for q, o_ref in ((0, o0_ref), (1, o1_ref)):
      acc = jnp.dot(gs[0], w2_ref[:hh, q * hh:(q + 1) * hh],
                    preferred_element_type=jnp.float32)
      acc = acc + jnp.dot(gs[1], w2_ref[hh:, q * hh:(q + 1) * hh],
                          preferred_element_type=jnp.float32)
      o_ref[:, :] = acc * dis[:, None]


def _final_body(s0_ref, s1_ref, ht0_ref, ht1_ref, dis_ref, batch_ref,
                b_ref, gw_ref, gb_ref, ga_ref, f1w_ref, f1b_ref, f2w_ref,
                f2b_ref, o_ref, st0_ref, st1_ref, cnt_ref, pool_ref):
  ph = pl.program_id(0)
  i = pl.program_id(1)
  nb = pl.num_programs(1)
  n, hh = ht0_ref.shape
  dis = dis_ref[0, 0, :]
  onehot = _onehot_blk(batch_ref[0, 0, :])
  xs = [_block_x(s0_ref, ht0_ref, dis, b_ref, 0),
        _block_x(s1_ref, ht1_ref, dis, b_ref, 1)]

  @pl.when(ph == 0)
  def _():
    @pl.when(i == 0)
    def _():
      st0_ref[:, :] = jnp.zeros_like(st0_ref)
      st1_ref[:, :] = jnp.zeros_like(st1_ref)
      cnt_ref[:] = jnp.zeros_like(cnt_ref)
      pool_ref[:, :] = jnp.zeros_like(pool_ref)
    cnt_ref[:] += jnp.sum(onehot, axis=0)
    _gn_stats(onehot, xs[0], st0_ref)
    _gn_stats(onehot, xs[1], st1_ref)

  @pl.when(ph == 1)
  def _():
    inv_cnt = 1.0 / jnp.maximum(cnt_ref[:], 1.0)
    for q, st_ref in ((0, st0_ref), (1, st1_ref)):
      gq = _gn_apply(onehot, xs[q], st_ref[:, :], inv_cnt,
                     gw_ref[pl.ds(q * hh, hh)], gb_ref[pl.ds(q * hh, hh)],
                     ga_ref[pl.ds(q * hh, hh)])
      pool_ref[:, pl.ds(q * hh, hh)] += lax.dot_general(
          onehot, gq, (((0,), (0,)), ((), ())),
          preferred_element_type=jnp.float32, precision=_HIGH)

    @pl.when(i == nb - 1)
    def _():
      g = pool_ref[:, :] * inv_cnt[:, None]
      g = jax.nn.relu(jnp.dot(g, f1w_ref[:, :],
                              preferred_element_type=jnp.float32)
                      + f1b_ref[:])
      o_ref[:, :] = jnp.dot(g, f2w_ref[:, :],
                            preferred_element_type=jnp.float32) + f2b_ref[:]



def kernel(x, edge_index, batch, W1, b1, gn1_w, gn1_b, gn1_a,
           W2, b2, gn2_w, gn2_b, gn2_a, fc1_W, fc1_b, fc2_W, fc2_b):
  N, _ = x.shape
  H = W1.shape[1]
  HH = H // NH
  E = edge_index.shape[1]
  per = E // NW
  assert E % NW == 0 and H % NH == 0
  K = 125
  assert per % K == 0
  CH = per // K
  NP = NS * 128 * ((N + NS * 128 - 1) // (NS * 128))

  srcm = edge_index[0].reshape(NC, NS, CH, K)
  dstm = edge_index[1].reshape(NC, NS, CH, K)

  degp = _make_deg(NP, CH, K)(dstm)
  degc = degp[:, :, 0]

  prop = _make_prop(N, NP, HH, CH, K)

  ht1a, ht1b, dis = pl.pallas_call(
      _tc1_body,
      out_shape=[jax.ShapeDtypeStruct((N, HH), jnp.float32)] * NH
      + [jax.ShapeDtypeStruct((N,), jnp.float32)],
  )(x, W1[:, :HH], W1[:, HH:], degc)

  s1a, s1b = prop(ht1a, ht1b, srcm, dstm)

  BR = 1000
  NB = N // BR
  assert N % BR == 0
  dis3 = dis.reshape(NB, 1, BR)
  batch3 = batch.reshape(NB, 1, BR)
  s_spec = pl.BlockSpec((NC, BR, HH), lambda p, i: (0, i, 0))
  h_spec = pl.BlockSpec((BR, HH), lambda p, i: (i, 0))
  v_spec = pl.BlockSpec((1, 1, BR), lambda p, i: (i, 0, 0))
  p_spec = pl.BlockSpec((H,), lambda p, i: (0,))
  w_spec = pl.BlockSpec((H, H), lambda p, i: (0, 0))
  stats_t = [pltpu.VMEM((G, 2 * HH), jnp.float32),
             pltpu.VMEM((G, 2 * HH), jnp.float32),
             pltpu.VMEM((G,), jnp.float32)]

  ht2a, ht2b = pl.pallas_call(
      _conv_tail_body,
      grid=(2, NB),
      in_specs=[s_spec, s_spec, h_spec, h_spec, v_spec, v_spec,
                p_spec, p_spec, p_spec, p_spec, w_spec],
      out_specs=[h_spec, h_spec],
      out_shape=[jax.ShapeDtypeStruct((N, HH), jnp.float32)] * NH,
      scratch_shapes=stats_t,
  )(s1a, s1b, ht1a, ht1b, dis3, batch3, b1, gn1_w, gn1_b, gn1_a, W2)

  s2a, s2b = prop(ht2a, ht2b, srcm, dstm)

  C = fc2_W.shape[1]
  out = pl.pallas_call(
      _final_body,
      grid=(2, NB),
      in_specs=[s_spec, s_spec, h_spec, h_spec, v_spec, v_spec,
                p_spec, p_spec, p_spec, p_spec,
                pl.BlockSpec(fc1_W.shape, lambda p, i: (0, 0)),
                pl.BlockSpec(fc1_b.shape, lambda p, i: (0,)),
                pl.BlockSpec(fc2_W.shape, lambda p, i: (0, 0)),
                pl.BlockSpec(fc2_b.shape, lambda p, i: (0,))],
      out_specs=pl.BlockSpec((G, C), lambda p, i: (0, 0)),
      out_shape=jax.ShapeDtypeStruct((G, C), jnp.float32),
      scratch_shapes=stats_t + [pltpu.VMEM((G, H), jnp.float32)],
  )(s2a, s2b, ht2a, ht2b, dis3, batch3, b2, gn2_w, gn2_b, gn2_a,
    fc1_W, fc1_b, fc2_W, fc2_b)
  return out

# --- scband reference (transcript-rebuilt; emitter-appended) ---
"""Pipeline reference for scband-gcnmodel-45595372814387 (READ-ONLY COPY).

The authoritative reference and input builder live on the scoring server;
editing this copy changes nothing except your own understanding.
"""

import jax, jax.numpy as jnp
import numpy as np

N = 10000
E = 320000
NUM_GRAPHS = 64
IN_CH = 128
HID = 192
NUM_CLASSES = 4


def setup_inputs(seed: int = 0) -> dict:
    key = jax.random.key(seed)
    ks = jax.random.split(key, 16)
    x = jax.random.normal(ks[0], (N, IN_CH), dtype=jnp.float32)
    edge_index = jax.random.randint(ks[1], (2, E), 0, N, dtype=jnp.int32)
    batch = jnp.sort(jax.random.randint(ks[2], (N,), 0, NUM_GRAPHS, dtype=jnp.int32))
    W1 = jax.random.normal(ks[3], (IN_CH, HID), dtype=jnp.float32) / np.sqrt(IN_CH)
    b1 = jnp.zeros((HID,), jnp.float32)
    gn1_w = jnp.ones((HID,), jnp.float32)
    gn1_b = jnp.zeros((HID,), jnp.float32)
    gn1_a = jnp.ones((HID,), jnp.float32)
    W2 = jax.random.normal(ks[4], (HID, HID), dtype=jnp.float32) / np.sqrt(HID)
    b2 = jnp.zeros((HID,), jnp.float32)
    gn2_w = jnp.ones((HID,), jnp.float32)
    gn2_b = jnp.zeros((HID,), jnp.float32)
    gn2_a = jnp.ones((HID,), jnp.float32)
    fc1_W = jax.random.normal(ks[5], (HID, HID // 2), dtype=jnp.float32) / np.sqrt(HID)
    fc1_b = jnp.zeros((HID // 2,), jnp.float32)
    fc2_W = jax.random.normal(ks[6], (HID // 2, NUM_CLASSES), dtype=jnp.float32) / np.sqrt(HID // 2)
    fc2_b = jnp.zeros((NUM_CLASSES,), jnp.float32)
    return {"x": x, "edge_index": edge_index, "batch": batch,
            "W1": W1, "b1": b1, "gn1_w": gn1_w, "gn1_b": gn1_b, "gn1_a": gn1_a,
            "W2": W2, "b2": b2, "gn2_w": gn2_w, "gn2_b": gn2_b, "gn2_a": gn2_a,
            "fc1_W": fc1_W, "fc1_b": fc1_b, "fc2_W": fc2_W, "fc2_b": fc2_b}


def gcn_conv(x, edge_index, W, b):
    n = x.shape[0]
    loop = jnp.arange(n, dtype=edge_index.dtype)
    src = jnp.concatenate([edge_index[0], loop])
    dst = jnp.concatenate([edge_index[1], loop])
    deg = jnp.zeros((n,), x.dtype).at[dst].add(1.0)
    dis = jax.lax.rsqrt(jnp.maximum(deg, 1.0))
    norm = dis[src] * dis[dst]
    h = x @ W
    msg = h[src] * norm[:, None]
    out = jnp.zeros((n, W.shape[1]), x.dtype).at[dst].add(msg)
    return out + b


def graph_norm(x, batch, weight, bias, mean_scale, num_graphs):
    ones = jnp.ones((x.shape[0],), x.dtype)
    cnt = jnp.maximum(jax.ops.segment_sum(ones, batch, num_segments=num_graphs), 1.0)
    mean = jax.ops.segment_sum(x, batch, num_segments=num_graphs) / cnt[:, None]
    out = x - mean[batch] * mean_scale
    var = jax.ops.segment_sum(out * out, batch, num_segments=num_graphs) / cnt[:, None]
    std = jnp.sqrt(var + 1e-5)
    return weight * out / std[batch] + bias


def global_mean_pool(x, batch, num_graphs):
    ones = jnp.ones((x.shape[0],), x.dtype)
    cnt = jnp.maximum(jax.ops.segment_sum(ones, batch, num_segments=num_graphs), 1.0)
    return jax.ops.segment_sum(x, batch, num_segments=num_graphs) / cnt[:, None]


def reference(x, edge_index, batch, W1, b1, gn1_w, gn1_b, gn1_a, W2, b2, gn2_w, gn2_b, gn2_a, fc1_W, fc1_b, fc2_W, fc2_b):
    h = gcn_conv(x, edge_index, W1, b1)
    h = jax.nn.relu(graph_norm(h, batch, gn1_w, gn1_b, gn1_a, NUM_GRAPHS))
    # dropout is identity in eval mode
    h = gcn_conv(h, edge_index, W2, b2)
    h = jax.nn.relu(graph_norm(h, batch, gn2_w, gn2_b, gn2_a, NUM_GRAPHS))
    g = global_mean_pool(h, batch, NUM_GRAPHS)
    g = jax.nn.relu(g @ fc1_W + fc1_b)
    return g @ fc2_W + fc2_b

if __name__ == "__main__":
    import jax
    _d = setup_inputs()
    print(jax.jit(kernel)(*tuple(_d.values())))

</pallas_src>

<mosaic_0001>
#map = affine_map<(d0, d1) -> (0, 0, 0, 0)>
#map1 = affine_map<(d0, d1) -> (0, 0, 0)>
module attributes {stable_mosaic.version = 14 : i64} {
  func.func @deg_k(%arg0: i32, %arg1: i32, %arg2: memref<2x16x80x125xi32, #tpu.memory_space<hbm>>, %arg3: memref<2x10240x16xf32, #tpu.memory_space<hbm>>, %arg4: memref<80x125xi32, #tpu.memory_space<vmem>>, %arg5: memref<125x16xf32, #tpu.memory_space<vmem>>, %arg6: memref<128x16xf32, #tpu.memory_space<vmem>>, %arg7: memref<10240x16xf32, #tpu.memory_space<vmem_shared>>) attributes {dimension_semantics = [#tpu.dimension_semantics<core_parallel>, #tpu.dimension_semantics<subcore_parallel>], iteration_bounds = array<i64: 2, 16>, scalar_prefetch = 0 : i64, scratch_operands = 4 : i64, tpu.core_type = #tpu.core_type<sc_vector_subcore>, window_params = [{transform_indices = #map}, {transform_indices = #map1}]} {
    %broadcast_in_dim3A = arith.constant 1.000000e+00 : f32
    %broadcast_in_dim3A_0 = vector.broadcast %broadcast_in_dim3A : f32 to vector<16xf32>
    %broadcast_in_dim3A_1 = arith.constant 0.000000e+00 : f32
    %broadcast_in_dim3A_2 = vector.broadcast %broadcast_in_dim3A_1 : f32 to vector<16xf32>
    %scan3A = arith.constant 0 : i32
    %scan3A_3 = arith.constant 0 : i32
    %scan3A_4 = arith.constant 125 : i32
    %scan3A_5 = arith.addi %scan3A_3, %scan3A_4 : i32
    %scan3A_6 = arith.constant 1 : i32
    scf.for %scan3A_34 = %scan3A_3 to %scan3A_5 step %scan3A_6  : i32 {
      %swap3A = arith.index_cast %scan3A_34 : i32 to index
      %swap3A_35 = arith.constant 0 : index
      %swap3A_36 = tpu.vector_load %arg5[%swap3A, %swap3A_35] {strides = array<i32>} : memref<125x16xf32, #tpu.memory_space<vmem>>, vector<1x16xf32>,
      %swap3A_37 = vector.shape_cast %swap3A_36 : vector<1x16xf32> to vector<16xf32>
      %swap3A_38 = vector.shape_cast %broadcast_in_dim3A_0 : vector<16xf32> to vector<1x16xf32>
      tpu.vector_store %arg5[%swap3A, %swap3A_35], %swap3A_38 {strides = array<i32>} : memref<125x16xf32, #tpu.memory_space<vmem>>, vector<1x16xf32>,
    }
    %scan3A_7 = arith.constant 125 : i32
    %scan3A_8 = arith.constant 0 : i32
    %scan3A_9 = arith.constant 0 : i32
    %scan3A_10 = arith.constant 128 : i32
    %scan3A_11 = arith.addi %scan3A_9, %scan3A_10 : i32
    %scan3A_12 = arith.constant 1 : i32
    scf.for %scan3A_34 = %scan3A_9 to %scan3A_11 step %scan3A_12  : i32 {
      %swap3A = arith.index_cast %scan3A_34 : i32 to index
      %swap3A_35 = arith.constant 0 : index
      %swap3A_36 = tpu.vector_load %arg6[%swap3A, %swap3A_35] {strides = array<i32>} : memref<128x16xf32, #tpu.memory_space<vmem>>, vector<1x16xf32>,
      %swap3A_37 = vector.shape_cast %swap3A_36 : vector<1x16xf32> to vector<16xf32>
      %swap3A_38 = vector.shape_cast %broadcast_in_dim3A_2 : vector<16xf32> to vector<1x16xf32>
      tpu.vector_store %arg6[%swap3A, %swap3A_35], %swap3A_38 {strides = array<i32>} : memref<128x16xf32, #tpu.memory_space<vmem>>, vector<1x16xf32>,
    }
    %scan3A_13 = arith.constant 128 : i32
    %mul3A = arith.constant 640 : i32
    %mul3A_14 = arith.muli %arg1, %mul3A : i32
    %scan3A_15 = arith.constant 0 : i32
    %scan3A_16 = arith.constant 0 : i32
    %scan3A_17 = arith.constant 5 : i32
    %scan3A_18 = arith.addi %scan3A_16, %scan3A_17 : i32
    %scan3A_19 = arith.constant 1 : i32
    scf.for %scan3A_34 = %scan3A_16 to %scan3A_18 step %scan3A_19  : i32 {
      %mul3A_35 = arith.constant 128 : i32
      %mul3A_36 = arith.muli %scan3A_34, %mul3A_35 : i32
      %add3A = arith.addi %mul3A_14, %mul3A_36 : i32
      "tpu.region"() ({
        %run_scoped3A = tpu.sem_alloc : memref<!tpu.dma_semaphore, #tpu.memory_space<semaphore_mem>>
        %dma_start3A = arith.constant 0 : i32
        %dma_start3A_37 = tpu.memref_slice %arg7[%add3A, %dma_start3A] : memref<10240x16xf32, #tpu.memory_space<vmem_shared>> -> memref<128x16xf32, #tpu.memory_space<vmem_shared>>
        %dma_start3A_38 = arith.constant 0 : i32
        %dma_start3A_39 = tpu.memref_slice %arg7[%add3A, %dma_start3A_38] : memref<10240x16xf32, #tpu.memory_space<vmem_shared>> -> memref<128x16xf32, #tpu.memory_space<vmem_shared>>
        tpu.enqueue_dma source(%arg6 : memref<128x16xf32, #tpu.memory_space<vmem>>) target(%dma_start3A_39 : memref<128x16xf32, #tpu.memory_space<vmem_shared>>) target_semaphore(%run_scoped3A : memref<!tpu.dma_semaphore, #tpu.memory_space<semaphore_mem>>)
        %dma_wait3A = arith.constant 0 : i32
        %dma_wait3A_40 = tpu.memref_slice %arg7[%add3A, %dma_wait3A] : memref<10240x16xf32, #tpu.memory_space<vmem_shared>> -> memref<128x16xf32, #tpu.memory_space<vmem_shared>>
        %dma_wait3A_41 = arith.constant 0 : i32
        %dma_wait3A_42 = tpu.memref_slice %arg7[%add3A, %dma_wait3A_41] : memref<10240x16xf32, #tpu.memory_space<vmem_shared>> -> memref<128x16xf32, #tpu.memory_space<vmem_shared>>
        tpu.wait_dma2 semaphore(%run_scoped3A : memref<!tpu.dma_semaphore, #tpu.memory_space<semaphore_mem>>) src(%arg6 : memref<128x16xf32, #tpu.memory_space<vmem>>) dst(%dma_wait3A_42 : memref<128x16xf32, #tpu.memory_space<vmem_shared>>)
        tpu.yield
      }) : () -> ()
    }
    %scan3A_20 = arith.constant 5 : i32
    %barrier3A = arith.constant 0 : index
    tpu.barrier barrier_id(%barrier3A)
    "tpu.region"() ({
      %run_scoped3A = tpu.sem_alloc : memref<!tpu.dma_semaphore, #tpu.memory_space<semaphore_mem>>
      %dma_start3A = arith.constant 0 : i32
      %dma_start3A_34 = arith.constant 0 : i32
      %dma_start3A_35 = tpu.memref_slice %arg2[%arg0, %arg1, %dma_start3A, %dma_start3A_34] : memref<2x16x80x125xi32, #tpu.memory_space<hbm>> -> memref<1x1x80x125xi32, #tpu.memory_space<hbm>>
      %dma_start3A_36 = tpu.memref_squeeze %dma_start3A_35 : memref<1x1x80x125xi32, #tpu.memory_space<hbm>> -> memref<80x125xi32, #tpu.memory_space<hbm>>
      %dma_start3A_37 = arith.constant 0 : i32
      %dma_start3A_38 = arith.constant 0 : i32
      %dma_start3A_39 = tpu.memref_slice %arg2[%arg0, %arg1, %dma_start3A_37, %dma_start3A_38] : memref<2x16x80x125xi32, #tpu.memory_space<hbm>> -> memref<1x1x80x125xi32, #tpu.memory_space<hbm>>
      %dma_start3A_40 = tpu.memref_squeeze %dma_start3A_39 : memref<1x1x80x125xi32, #tpu.memory_space<hbm>> -> memref<80x125xi32, #tpu.memory_space<hbm>>
      tpu.enqueue_dma source(%dma_start3A_40 : memref<80x125xi32, #tpu.memory_space<hbm>>) target(%arg4 : memref<80x125xi32, #tpu.memory_space<vmem>>) target_semaphore(%run_scoped3A : memref<!tpu.dma_semaphore, #tpu.memory_space<semaphore_mem>>)
      %dma_wait3A = arith.constant 0 : i32
      %dma_wait3A_41 = arith.constant 0 : i32
      %dma_wait3A_42 = tpu.memref_slice %arg2[%arg0, %arg1, %dma_wait3A, %dma_wait3A_41] : memref<2x16x80x125xi32, #tpu.memory_space<hbm>> -> memref<1x1x80x125xi32, #tpu.memory_space<hbm>>
      %dma_wait3A_43 = tpu.memref_squeeze %dma_wait3A_42 : memref<1x1x80x125xi32, #tpu.memory_space<hbm>> -> memref<80x125xi32, #tpu.memory_space<hbm>>
      %dma_wait3A_44 = arith.constant 0 : i32
      %dma_wait3A_45 = arith.constant 0 : i32
      %dma_wait3A_46 = tpu.memref_slice %arg2[%arg0, %arg1, %dma_wait3A_44, %dma_wait3A_45] : memref<2x16x80x125xi32, #tpu.memory_space<hbm>> -> memref<1x1x80x125xi32, #tpu.memory_space<hbm>>
      %dma_wait3A_47 = tpu.memref_squeeze %dma_wait3A_46 : memref<1x1x80x125xi32, #tpu.memory_space<hbm>> -> memref<80x125xi32, #tpu.memory_space<hbm>>
      tpu.wait_dma2 semaphore(%run_scoped3A : memref<!tpu.dma_semaphore, #tpu.memory_space<semaphore_mem>>) src(%dma_wait3A_47 : memref<80x125xi32, #tpu.memory_space<hbm>>) dst(%arg4 : memref<80x125xi32, #tpu.memory_space<vmem>>)
      tpu.yield
    }) : () -> ()
    %scan3A_21 = arith.constant 0 : i32
    %scan3A_22 = arith.constant 0 : i32
    %scan3A_23 = arith.constant 80 : i32
    %scan3A_24 = arith.addi %scan3A_22, %scan3A_23 : i32
    %scan3A_25 = arith.constant 1 : i32
    scf.for %scan3A_34 = %scan3A_22 to %scan3A_24 step %scan3A_25  : i32 {
      "tpu.region"() ({
        %run_scoped3A = tpu.sem_alloc : memref<!tpu.dma_semaphore, #tpu.memory_space<semaphore_mem>>
        %dma_start3A = arith.constant 0 : i32
        %dma_start3A_35 = tpu.memref_slice %arg4[%scan3A_34, %dma_start3A] : memref<80x125xi32, #tpu.memory_space<vmem>> -> memref<1x125xi32, #tpu.memory_space<vmem>>
        %dma_start3A_36 = tpu.memref_squeeze %dma_start3A_35 : memref<1x125xi32, #tpu.memory_space<vmem>> -> memref<125xi32, #tpu.memory_space<vmem>>
        %dma_start3A_37 = arith.constant 0 : i32
        %dma_start3A_38 = arith.constant 0 : i32
        %dma_start3A_39 = tpu.memref_slice %arg7[%dma_start3A_37, %dma_start3A_38] : memref<10240x16xf32, #tpu.memory_space<vmem_shared>> -> memref<10240x16xf32, #tpu.memory_space<vmem_shared>>
        tpu.enqueue_indirect_dma source(%arg5 : memref<125x16xf32, #tpu.memory_space<vmem>>) target(%dma_start3A_39 : memref<10240x16xf32, #tpu.memory_space<vmem_shared>>) offsets(%dma_start3A_36 : memref<125xi32, #tpu.memory_space<vmem>>) semaphore(%run_scoped3A : memref<!tpu.dma_semaphore, #tpu.memory_space<semaphore_mem>>) {add = true}
        %dma_wait3A = arith.constant 0 : i32
        %dma_wait3A_40 = tpu.memref_slice %arg4[%scan3A_34, %dma_wait3A] : memref<80x125xi32, #tpu.memory_space<vmem>> -> memref<1x125xi32, #tpu.memory_space<vmem>>
        %dma_wait3A_41 = tpu.memref_squeeze %dma_wait3A_40 : memref<1x125xi32, #tpu.memory_space<vmem>> -> memref<125xi32, #tpu.memory_space<vmem>>
        %dma_wait3A_42 = arith.constant 0 : i32
        %dma_wait3A_43 = arith.constant 0 : i32
        %dma_wait3A_44 = tpu.memref_slice %arg7[%dma_wait3A_42, %dma_wait3A_43] : memref<10240x16xf32, #tpu.memory_space<vmem_shared>> -> memref<10240x16xf32, #tpu.memory_space<vmem_shared>>
        tpu.wait_indirect_dma semaphore(%run_scoped3A : memref<!tpu.dma_semaphore, #tpu.memory_space<semaphore_mem>>) src(%arg5 : memref<125x16xf32, #tpu.memory_space<vmem>>) dst(%dma_wait3A_44 : memref<10240x16xf32, #tpu.memory_space<vmem_shared>>)
        tpu.yield
      }) : () -> ()
    }
    %scan3A_26 = arith.constant 80 : i32
    %barrier3A_27 = arith.constant 0 : index
    tpu.barrier barrier_id(%barrier3A_27)
    %scan3A_28 = arith.constant 0 : i32
    %scan3A_29 = arith.constant 0 : i32
    %scan3A_30 = arith.constant 5 : i32
    %scan3A_31 = arith.addi %scan3A_29, %scan3A_30 : i32
    %scan3A_32 = arith.constant 1 : i32
    scf.for %scan3A_34 = %scan3A_29 to %scan3A_31 step %scan3A_32  : i32 {
      %mul3A_35 = arith.constant 128 : i32
      %mul3A_36 = arith.muli %scan3A_34, %mul3A_35 : i32
      %add3A = arith.addi %mul3A_14, %mul3A_36 : i32
      "tpu.region"() ({
        %run_scoped3A = tpu.sem_alloc : memref<!tpu.dma_semaphore, #tpu.memory_space<semaphore_mem>>
        %dma_start3A = arith.constant 0 : i32
        %dma_start3A_37 = tpu.memref_slice %arg7[%add3A, %dma_start3A] : memref<10240x16xf32, #tpu.memory_space<vmem_shared>> -> memref<128x16xf32, #tpu.memory_space<vmem_shared>>
        %dma_start3A_38 = arith.constant 0 : i32
        %dma_start3A_39 = tpu.memref_slice %arg7[%add3A, %dma_start3A_38] : memref<10240x16xf32, #tpu.memory_space<vmem_shared>> -> memref<128x16xf32, #tpu.memory_space<vmem_shared>>
        tpu.enqueue_dma source(%dma_start3A_39 : memref<128x16xf32, #tpu.memory_space<vmem_shared>>) target(%arg6 : memref<128x16xf32, #tpu.memory_space<vmem>>) target_semaphore(%run_scoped3A : memref<!tpu.dma_semaphore, #tpu.memory_space<semaphore_mem>>)
        %dma_wait3A = arith.constant 0 : i32
        %dma_wait3A_40 = tpu.memref_slice %arg7[%add3A, %dma_wait3A] : memref<10240x16xf32, #tpu.memory_space<vmem_shared>> -> memref<128x16xf32, #tpu.memory_space<vmem_shared>>
        %dma_wait3A_41 = arith.constant 0 : i32
        %dma_wait3A_42 = tpu.memref_slice %arg7[%add3A, %dma_wait3A_41] : memref<10240x16xf32, #tpu.memory_space<vmem_shared>> -> memref<128x16xf32, #tpu.memory_space<vmem_shared>>
        tpu.wait_dma2 semaphore(%run_scoped3A : memref<!tpu.dma_semaphore, #tpu.memory_space<semaphore_mem>>) src(%dma_wait3A_42 : memref<128x16xf32, #tpu.memory_space<vmem_shared>>) dst(%arg6 : memref<128x16xf32, #tpu.memory_space<vmem>>)
        tpu.yield
      }) : () -> ()
      "tpu.region"() ({
        %run_scoped3A = tpu.sem_alloc : memref<!tpu.dma_semaphore, #tpu.memory_space<semaphore_mem>>
        %dma_start3A = arith.constant 0 : i32
        %dma_start3A_37 = tpu.memref_slice %arg3[%arg0, %add3A, %dma_start3A] : memref<2x10240x16xf32, #tpu.memory_space<hbm>> -> memref<1x128x16xf32, #tpu.memory_space<hbm>>
        %dma_start3A_38 = tpu.memref_squeeze %dma_start3A_37 : memref<1x128x16xf32, #tpu.memory_space<hbm>> -> memref<128x16xf32, #tpu.memory_space<hbm>>
        %dma_start3A_39 = arith.constant 0 : i32
        %dma_start3A_40 = tpu.memref_slice %arg3[%arg0, %add3A, %dma_start3A_39] : memref<2x10240x16xf32, #tpu.memory_space<hbm>> -> memref<1x128x16xf32, #tpu.memory_space<hbm>>
        %dma_start3A_41 = tpu.memref_squeeze %dma_start3A_40 : memref<1x128x16xf32, #tpu.memory_space<hbm>> -> memref<128x16xf32, #tpu.memory_space<hbm>>
        tpu.enqueue_dma source(%arg6 : memref<128x16xf32, #tpu.memory_space<vmem>>) target(%dma_start3A_41 : memref<128x16xf32, #tpu.memory_space<hbm>>) target_semaphore(%run_scoped3A : memref<!tpu.dma_semaphore, #tpu.memory_space<semaphore_mem>>)
        %dma_wait3A = arith.constant 0 : i32
        %dma_wait3A_42 = tpu.memref_slice %arg3[%arg0, %add3A, %dma_wait3A] : memref<2x10240x16xf32, #tpu.memory_space<hbm>> -> memref<1x128x16xf32, #tpu.memory_space<hbm>>
        %dma_wait3A_43 = tpu.memref_squeeze %dma_wait3A_42 : memref<1x128x16xf32, #tpu.memory_space<hbm>> -> memref<128x16xf32, #tpu.memory_space<hbm>>
        %dma_wait3A_44 = arith.constant 0 : i32
        %dma_wait3A_45 = tpu.memref_slice %arg3[%arg0, %add3A, %dma_wait3A_44] : memref<2x10240x16xf32, #tpu.memory_space<hbm>> -> memref<1x128x16xf32, #tpu.memory_space<hbm>>
        %dma_wait3A_46 = tpu.memref_squeeze %dma_wait3A_45 : memref<1x128x16xf32, #tpu.memory_space<hbm>> -> memref<128x16xf32, #tpu.memory_space<hbm>>
        tpu.wait_dma2 semaphore(%run_scoped3A : memref<!tpu.dma_semaphore, #tpu.memory_space<semaphore_mem>>) src(%arg6 : memref<128x16xf32, #tpu.memory_space<vmem>>) dst(%dma_wait3A_46 : memref<128x16xf32, #tpu.memory_space<hbm>>)
        tpu.yield
      }) : () -> ()
    }
    %scan3A_33 = arith.constant 5 : i32
    return
  }
}

#map = affine_map<(d0, d1) -> (0, 0)>
#map1 = affine_map<(d0, d1) -> (0, 0, 0, 0)>
#map2 = affine_map<(d0, d1) -> (0, 0, 0)>
module attributes {stable_mosaic.version = 14 : i64} {
  func.func @prop_k(%arg0: i32, %arg1: i32, %arg2: memref<10000x96xf32, #tpu.memory_space<hbm>>, %arg3: memref<10000x96xf32, #tpu.memory_space<hbm>>, %arg4: memref<2x16x80x125xi32, #tpu.memory_space<hbm>>, %arg5: memref<2x16x80x125xi32, #tpu.memory_space<hbm>>, %arg6: memref<2x10240x96xf32, #tpu.memory_space<hbm>>, %arg7: memref<2x10240x96xf32, #tpu.memory_space<hbm>>, %arg8: memref<80x125xi32, #tpu.memory_space<vmem>>, %arg9: memref<80x125xi32, #tpu.memory_space<vmem>>, %arg10: memref<125x96xf32, #tpu.memory_space<vmem>>, %arg11: memref<125x96xf32, #tpu.memory_space<vmem>>, %arg12: memref<128x96xf32, #tpu.memory_space<vmem>>, %arg13: memref<128x96xf32, #tpu.memory_space<vmem>>, %arg14: memref<10240x96xf32, #tpu.memory_space<vmem_shared>>, %arg15: memref<!tpu.dma_semaphore, #tpu.memory_space<semaphore_mem>>, %arg16: memref<!tpu.dma_semaphore, #tpu.memory_space<semaphore_mem>>) attributes {dimension_semantics = [#tpu.dimension_semantics<core_parallel>, #tpu.dimension_semantics<subcore_parallel>], iteration_bounds = array<i64: 2, 16>, scalar_prefetch = 0 : i64, scratch_operands = 9 : i64, tpu.core_type = #tpu.core_type<sc_vector_subcore>, window_params = [{transform_indices = #map}, {transform_indices = #map}, {transform_indices = #map1}, {transform_indices = #map1}, {transform_indices = #map2}, {transform_indices = #map2}]} {
    %broadcast_in_dim3A = arith.constant 0.000000e+00 : f32
    %broadcast_in_dim3A_0 = vector.broadcast %broadcast_in_dim3A : f32 to vector<16xf32>
    %scan3A = arith.constant 0 : i32
    %scan3A_1 = arith.constant 0 : i32
    %scan3A_2 = arith.constant 128 : i32
    %scan3A_3 = arith.addi %scan3A_1, %scan3A_2 : i32
    %scan3A_4 = arith.constant 1 : i32
    scf.for %scan3A_59 = %scan3A_1 to %scan3A_3 step %scan3A_4  : i32 {
      %swap3A = arith.index_cast %scan3A_59 : i32 to index
      %swap3A_60 = arith.constant 0 : index
      %swap3A_61 = tpu.vector_load %arg12[%swap3A, %swap3A_60] {strides = array<i32>} : memref<128x96xf32, #tpu.memory_space<vmem>>, vector<1x16xf32>,
      %swap3A_62 = vector.shape_cast %swap3A_61 : vector<1x16xf32> to vector<16xf32>
      %swap3A_63 = vector.shape_cast %broadcast_in_dim3A_0 : vector<16xf32> to vector<1x16xf32>
      tpu.vector_store %arg12[%swap3A, %swap3A_60], %swap3A_63 {strides = array<i32>} : memref<128x96xf32, #tpu.memory_space<vmem>>, vector<1x16xf32>,
      %swap3A_64 = arith.index_cast %scan3A_59 : i32 to index
      %swap3A_65 = arith.constant 16 : index
      %swap3A_66 = tpu.vector_load %arg12[%swap3A_64, %swap3A_65] {strides = array<i32>} : memref<128x96xf32, #tpu.memory_space<vmem>>, vector<1x16xf32>,
      %swap3A_67 = vector.shape_cast %swap3A_66 : vector<1x16xf32> to vector<16xf32>
      %swap3A_68 = vector.shape_cast %broadcast_in_dim3A_0 : vector<16xf32> to vector<1x16xf32>
      tpu.vector_store %arg12[%swap3A_64, %swap3A_65], %swap3A_68 {strides = array<i32>} : memref<128x96xf32, #tpu.memory_space<vmem>>, vector<1x16xf32>,
      %swap3A_69 = arith.index_cast %scan3A_59 : i32 to index
      %swap3A_70 = arith.constant 32 : index
      %swap3A_71 = tpu.vector_load %arg12[%swap3A_69, %swap3A_70] {strides = array<i32>} : memref<128x96xf32, #tpu.memory_space<vmem>>, vector<1x16xf32>,
      %swap3A_72 = vector.shape_cast %swap3A_71 : vector<1x16xf32> to vector<16xf32>
      %swap3A_73 = vector.shape_cast %broadcast_in_dim3A_0 : vector<16xf32> to vector<1x16xf32>
      tpu.vector_store %arg12[%swap3A_69, %swap3A_70], %swap3A_73 {strides = array<i32>} : memref<128x96xf32, #tpu.memory_space<vmem>>, vector<1x16xf32>,
      %swap3A_74 = arith.index_cast %scan3A_59 : i32 to index
      %swap3A_75 = arith.constant 48 : index
      %swap3A_76 = tpu.vector_load %arg12[%swap3A_74, %swap3A_75] {strides = array<i32>} : memref<128x96xf32, #tpu.memory_space<vmem>>, vector<1x16xf32>,
      %swap3A_77 = vector.shape_cast %swap3A_76 : vector<1x16xf32> to vector<16xf32>
      %swap3A_78 = vector.shape_cast %broadcast_in_dim3A_0 : vector<16xf32> to vector<1x16xf32>
      tpu.vector_store %arg12[%swap3A_74, %swap3A_75], %swap3A_78 {strides = array<i32>} : memref<128x96xf32, #tpu.memory_space<vmem>>, vector<1x16xf32>,
      %swap3A_79 = arith.index_cast %scan3A_59 : i32 to index
      %swap3A_80 = arith.constant 64 : index
      %swap3A_81 = tpu.vector_load %arg12[%swap3A_79, %swap3A_80] {strides = array<i32>} : memref<128x96xf32, #tpu.memory_space<vmem>>, vector<1x16xf32>,
      %swap3A_82 = vector.shape_cast %swap3A_81 : vector<1x16xf32> to vector<16xf32>
      %swap3A_83 = vector.shape_cast %broadcast_in_dim3A_0 : vector<16xf32> to vector<1x16xf32>
      tpu.vector_store %arg12[%swap3A_79, %swap3A_80], %swap3A_83 {strides = array<i32>} : memref<128x96xf32, #tpu.memory_space<vmem>>, vector<1x16xf32>,
      %swap3A_84 = arith.index_cast %scan3A_59 : i32 to index
      %swap3A_85 = arith.constant 80 : index
      %swap3A_86 = tpu.vector_load %arg12[%swap3A_84, %swap3A_85] {strides = array<i32>} : memref<128x96xf32, #tpu.memory_space<vmem>>, vector<1x16xf32>,
      %swap3A_87 = vector.shape_cast %swap3A_86 : vector<1x16xf32> to vector<16xf32>
      %swap3A_88 = vector.shape_cast %broadcast_in_dim3A_0 : vector<16xf32> to vector<1x16xf32>
      tpu.vector_store %arg12[%swap3A_84, %swap3A_85], %swap3A_88 {strides = array<i32>} : memref<128x96xf32, #tpu.memory_space<vmem>>, vector<1x16xf32>,
    }
    %scan3A_5 = arith.constant 128 : i32
    "tpu.region"() ({
      %run_scoped3A = tpu.sem_alloc : memref<!tpu.dma_semaphore, #tpu.memory_space<semaphore_mem>>
      %dma_start3A_59 = arith.constant 0 : i32
      %dma_start3A_60 = arith.constant 0 : i32
      %dma_start3A_61 = tpu.memref_slice %arg4[%arg0, %arg1, %dma_start3A_59, %dma_start3A_60] : memref<2x16x80x125xi32, #tpu.memory_space<hbm>> -> memref<1x1x80x125xi32, #tpu.memory_space<hbm>>
      %dma_start3A_62 = tpu.memref_squeeze %dma_start3A_61 : memref<1x1x80x125xi32, #tpu.memory_space<hbm>> -> memref<80x125xi32, #tpu.memory_space<hbm>>
      %dma_start3A_63 = arith.constant 0 : i32
      %dma_start3A_64 = arith.constant 0 : i32
      %dma_start3A_65 = tpu.memref_slice %arg4[%arg0, %arg1, %dma_start3A_63, %dma_start3A_64] : memref<2x16x80x125xi32, #tpu.memory_space<hbm>> -> memref<1x1x80x125xi32, #tpu.memory_space<hbm>>
      %dma_start3A_66 = tpu.memref_squeeze %dma_start3A_65 : memref<1x1x80x125xi32, #tpu.memory_space<hbm>> -> memref<80x125xi32, #tpu.memory_space<hbm>>
      tpu.enqueue_dma source(%dma_start3A_66 : memref<80x125xi32, #tpu.memory_space<hbm>>) target(%arg8 : memref<80x125xi32, #tpu.memory_space<vmem>>) target_semaphore(%run_scoped3A : memref<!tpu.dma_semaphore, #tpu.memory_space<semaphore_mem>>)
      %dma_wait3A = arith.constant 0 : i32
      %dma_wait3A_67 = arith.constant 0 : i32
      %dma_wait3A_68 = tpu.memref_slice %arg4[%arg0, %arg1, %dma_wait3A, %dma_wait3A_67] : memref<2x16x80x125xi32, #tpu.memory_space<hbm>> -> memref<1x1x80x125xi32, #tpu.memory_space<hbm>>
      %dma_wait3A_69 = tpu.memref_squeeze %dma_wait3A_68 : memref<1x1x80x125xi32, #tpu.memory_space<hbm>> -> memref<80x125xi32, #tpu.memory_space<hbm>>
      %dma_wait3A_70 = arith.constant 0 : i32
      %dma_wait3A_71 = arith.constant 0 : i32
      %dma_wait3A_72 = tpu.memref_slice %arg4[%arg0, %arg1, %dma_wait3A_70, %dma_wait3A_71] : memref<2x16x80x125xi32, #tpu.memory_space<hbm>> -> memref<1x1x80x125xi32, #tpu.memory_space<hbm>>
      %dma_wait3A_73 = tpu.memref_squeeze %dma_wait3A_72 : memref<1x1x80x125xi32, #tpu.memory_space<hbm>> -> memref<80x125xi32, #tpu.memory_space<hbm>>
      tpu.wait_dma2 semaphore(%run_scoped3A : memref<!tpu.dma_semaphore, #tpu.memory_space<semaphore_mem>>) src(%dma_wait3A_73 : memref<80x125xi32, #tpu.memory_space<hbm>>) dst(%arg8 : memref<80x125xi32, #tpu.memory_space<vmem>>)
      tpu.yield
    }) : () -> ()
    "tpu.region"() ({
      %run_scoped3A = tpu.sem_alloc : memref<!tpu.dma_semaphore, #tpu.memory_space<semaphore_mem>>
      %dma_start3A_59 = arith.constant 0 : i32
      %dma_start3A_60 = arith.constant 0 : i32
      %dma_start3A_61 = tpu.memref_slice %arg5[%arg0, %arg1, %dma_start3A_59, %dma_start3A_60] : memref<2x16x80x125xi32, #tpu.memory_space<hbm>> -> memref<1x1x80x125xi32, #tpu.memory_space<hbm>>
      %dma_start3A_62 = tpu.memref_squeeze %dma_start3A_61 : memref<1x1x80x125xi32, #tpu.memory_space<hbm>> -> memref<80x125xi32, #tpu.memory_space<hbm>>
      %dma_start3A_63 = arith.constant 0 : i32
      %dma_start3A_64 = arith.constant 0 : i32
      %dma_start3A_65 = tpu.memref_slice %arg5[%arg0, %arg1, %dma_start3A_63, %dma_start3A_64] : memref<2x16x80x125xi32, #tpu.memory_space<hbm>> -> memref<1x1x80x125xi32, #tpu.memory_space<hbm>>
      %dma_start3A_66 = tpu.memref_squeeze %dma_start3A_65 : memref<1x1x80x125xi32, #tpu.memory_space<hbm>> -> memref<80x125xi32, #tpu.memory_space<hbm>>
      tpu.enqueue_dma source(%dma_start3A_66 : memref<80x125xi32, #tpu.memory_space<hbm>>) target(%arg9 : memref<80x125xi32, #tpu.memory_space<vmem>>) target_semaphore(%run_scoped3A : memref<!tpu.dma_semaphore, #tpu.memory_space<semaphore_mem>>)
      %dma_wait3A = arith.constant 0 : i32
      %dma_wait3A_67 = arith.constant 0 : i32
      %dma_wait3A_68 = tpu.memref_slice %arg5[%arg0, %arg1, %dma_wait3A, %dma_wait3A_67] : memref<2x16x80x125xi32, #tpu.memory_space<hbm>> -> memref<1x1x80x125xi32, #tpu.memory_space<hbm>>
      %dma_wait3A_69 = tpu.memref_squeeze %dma_wait3A_68 : memref<1x1x80x125xi32, #tpu.memory_space<hbm>> -> memref<80x125xi32, #tpu.memory_space<hbm>>
      %dma_wait3A_70 = arith.constant 0 : i32
      %dma_wait3A_71 = arith.constant 0 : i32
      %dma_wait3A_72 = tpu.memref_slice %arg5[%arg0, %arg1, %dma_wait3A_70, %dma_wait3A_71] : memref<2x16x80x125xi32, #tpu.memory_space<hbm>> -> memref<1x1x80x125xi32, #tpu.memory_space<hbm>>
      %dma_wait3A_73 = tpu.memref_squeeze %dma_wait3A_72 : memref<1x1x80x125xi32, #tpu.memory_space<hbm>> -> memref<80x125xi32, #tpu.memory_space<hbm>>
      tpu.wait_dma2 semaphore(%run_scoped3A : memref<!tpu.dma_semaphore, #tpu.memory_space<semaphore_mem>>) src(%dma_wait3A_73 : memref<80x125xi32, #tpu.memory_space<hbm>>) dst(%arg9 : memref<80x125xi32, #tpu.memory_space<vmem>>)
      tpu.yield
    }) : () -> ()
    %mul3A = arith.constant 640 : i32
    %mul3A_6 = arith.muli %arg1, %mul3A : i32
    %scan3A_7 = arith.constant 0 : i32
    %scan3A_8 = arith.constant 0 : i32
    %scan3A_9 = arith.constant 5 : i32
    %scan3A_10 = arith.addi %scan3A_8, %scan3A_9 : i32
    %scan3A_11 = arith.constant 1 : i32
    scf.for %scan3A_59 = %scan3A_8 to %scan3A_10 step %scan3A_11  : i32 {
      %mul3A_60 = arith.constant 128 : i32
      %mul3A_61 = arith.muli %scan3A_59, %mul3A_60 : i32
      %add3A = arith.addi %mul3A_6, %mul3A_61 : i32
      "tpu.region"() ({
        %run_scoped3A = tpu.sem_alloc : memref<!tpu.dma_semaphore, #tpu.memory_space<semaphore_mem>>
        %dma_start3A_62 = arith.constant 0 : i32
        %dma_start3A_63 = tpu.memref_slice %arg14[%add3A, %dma_start3A_62] : memref<10240x96xf32, #tpu.memory_space<vmem_shared>> -> memref<128x96xf32, #tpu.memory_space<vmem_shared>>
        %dma_start3A_64 = arith.constant 0 : i32
        %dma_start3A_65 = tpu.memref_slice %arg14[%add3A, %dma_start3A_64] : memref<10240x96xf32, #tpu.memory_space<vmem_shared>> -> memref<128x96xf32, #tpu.memory_space<vmem_shared>>
        tpu.enqueue_dma source(%arg12 : memref<128x96xf32, #tpu.memory_space<vmem>>) target(%dma_start3A_65 : memref<128x96xf32, #tpu.memory_space<vmem_shared>>) target_semaphore(%run_scoped3A : memref<!tpu.dma_semaphore, #tpu.memory_space<semaphore_mem>>)
        %dma_wait3A = arith.constant 0 : i32
        %dma_wait3A_66 = tpu.memref_slice %arg14[%add3A, %dma_wait3A] : memref<10240x96xf32, #tpu.memory_space<vmem_shared>> -> memref<128x96xf32, #tpu.memory_space<vmem_shared>>
        %dma_wait3A_67 = arith.constant 0 : i32
        %dma_wait3A_68 = tpu.memref_slice %arg14[%add3A, %dma_wait3A_67] : memref<10240x96xf32, #tpu.memory_space<vmem_shared>> -> memref<128x96xf32, #tpu.memory_space<vmem_shared>>
        tpu.wait_dma2 semaphore(%run_scoped3A : memref<!tpu.dma_semaphore, #tpu.memory_space<semaphore_mem>>) src(%arg12 : memref<128x96xf32, #tpu.memory_space<vmem>>) dst(%dma_wait3A_68 : memref<128x96xf32, #tpu.memory_space<vmem_shared>>)
        tpu.yield
      }) : () -> ()
    }
    %scan3A_12 = arith.constant 5 : i32
    %barrier3A = arith.constant 0 : index
    tpu.barrier barrier_id(%barrier3A)
    %dma_start3A = arith.constant 0 : i32
    %dma_start3A_13 = arith.constant 0 : i32
    %dma_start3A_14 = tpu.memref_slice %arg8[%dma_start3A, %dma_start3A_13] : memref<80x125xi32, #tpu.memory_space<vmem>> -> memref<1x125xi32, #tpu.memory_space<vmem>>
    %dma_start3A_15 = tpu.memref_squeeze %dma_start3A_14 : memref<1x125xi32, #tpu.memory_space<vmem>> -> memref<125xi32, #tpu.memory_space<vmem>>
    %dma_start3A_16 = arith.constant 0 : i32
    %dma_start3A_17 = arith.constant 0 : i32
    %dma_start3A_18 = tpu.memref_slice %arg2[%dma_start3A_16, %dma_start3A_17] : memref<10000x96xf32, #tpu.memory_space<hbm>> -> memref<10000x96xf32, #tpu.memory_space<hbm>>
    tpu.enqueue_indirect_dma source(%dma_start3A_18 : memref<10000x96xf32, #tpu.memory_space<hbm>>) target(%arg10 : memref<125x96xf32, #tpu.memory_space<vmem>>) offsets(%dma_start3A_15 : memref<125xi32, #tpu.memory_space<vmem>>) semaphore(%arg15 : memref<!tpu.dma_semaphore, #tpu.memory_space<semaphore_mem>>)
    %scan3A_19 = arith.constant 0 : i32
    %scan3A_20 = arith.constant 0 : i32
    %scan3A_21 = arith.constant 40 : i32
    %scan3A_22 = arith.addi %scan3A_20, %scan3A_21 : i32
    %scan3A_23 = arith.constant 1 : i32
    scf.for %scan3A_59 = %scan3A_20 to %scan3A_22 step %scan3A_23  : i32 {
      %mul3A_60 = arith.constant 2 : i32
      %mul3A_61 = arith.muli %mul3A_60, %scan3A_59 : i32
      %add3A = arith.constant 1 : i32
      %add3A_62 = arith.addi %mul3A_61, %add3A : i32
      %dma_start3A_63 = arith.constant 0 : i32
      %dma_start3A_64 = tpu.memref_slice %arg8[%add3A_62, %dma_start3A_63] : memref<80x125xi32, #tpu.memory_space<vmem>> -> memref<1x125xi32, #tpu.memory_space<vmem>>
      %dma_start3A_65 = tpu.memref_squeeze %dma_start3A_64 : memref<1x125xi32, #tpu.memory_space<vmem>> -> memref<125xi32, #tpu.memory_space<vmem>>
      %dma_start3A_66 = arith.constant 0 : i32
      %dma_start3A_67 = arith.constant 0 : i32
      %dma_start3A_68 = tpu.memref_slice %arg2[%dma_start3A_66, %dma_start3A_67] : memref<10000x96xf32, #tpu.memory_space<hbm>> -> memref<10000x96xf32, #tpu.memory_space<hbm>>
      tpu.enqueue_indirect_dma source(%dma_start3A_68 : memref<10000x96xf32, #tpu.memory_space<hbm>>) target(%arg11 : memref<125x96xf32, #tpu.memory_space<vmem>>) offsets(%dma_start3A_65 : memref<125xi32, #tpu.memory_space<vmem>>) semaphore(%arg16 : memref<!tpu.dma_semaphore, #tpu.memory_space<semaphore_mem>>)
      %dma_wait3A = arith.constant 0 : i32
      %dma_wait3A_69 = tpu.memref_slice %arg8[%mul3A_61, %dma_wait3A] : memref<80x125xi32, #tpu.memory_space<vmem>> -> memref<1x125xi32, #tpu.memory_space<vmem>>
      %dma_wait3A_70 = tpu.memref_squeeze %dma_wait3A_69 : memref<1x125xi32, #tpu.memory_space<vmem>> -> memref<125xi32, #tpu.memory_space<vmem>>
      %dma_wait3A_71 = arith.constant 0 : i32
      %dma_wait3A_72 = arith.constant 0 : i32
      %dma_wait3A_73 = tpu.memref_slice %arg2[%dma_wait3A_71, %dma_wait3A_72] : memref<10000x96xf32, #tpu.memory_space<hbm>> -> memref<10000x96xf32, #tpu.memory_space<hbm>>
      tpu.wait_indirect_dma semaphore(%arg15 : memref<!tpu.dma_semaphore, #tpu.memory_space<semaphore_mem>>) src(%dma_wait3A_73 : memref<10000x96xf32, #tpu.memory_space<hbm>>) dst(%arg10 : memref<125x96xf32, #tpu.memory_space<vmem>>)
      "tpu.region"() ({
        %run_scoped3A = tpu.sem_alloc : memref<!tpu.dma_semaphore, #tpu.memory_space<semaphore_mem>>
        %dma_start3A_88 = arith.constant 0 : i32
        %dma_start3A_89 = tpu.memref_slice %arg9[%mul3A_61, %dma_start3A_88] : memref<80x125xi32, #tpu.memory_space<vmem>> -> memref<1x125xi32, #tpu.memory_space<vmem>>
        %dma_start3A_90 = tpu.memref_squeeze %dma_start3A_89 : memref<1x125xi32, #tpu.memory_space<vmem>> -> memref<125xi32, #tpu.memory_space<vmem>>
        %dma_start3A_91 = arith.constant 0 : i32
        %dma_start3A_92 = arith.constant 0 : i32
        %dma_start3A_93 = tpu.memref_slice %arg14[%dma_start3A_91, %dma_start3A_92] : memref<10240x96xf32, #tpu.memory_space<vmem_shared>> -> memref<10240x96xf32, #tpu.memory_space<vmem_shared>>
        tpu.enqueue_indirect_dma source(%arg10 : memref<125x96xf32, #tpu.memory_space<vmem>>) target(%dma_start3A_93 : memref<10240x96xf32, #tpu.memory_space<vmem_shared>>) offsets(%dma_start3A_90 : memref<125xi32, #tpu.memory_space<vmem>>) semaphore(%run_scoped3A : memref<!tpu.dma_semaphore, #tpu.memory_space<semaphore_mem>>) {add = true}
        %dma_wait3A_94 = arith.constant 0 : i32
        %dma_wait3A_95 = tpu.memref_slice %arg9[%mul3A_61, %dma_wait3A_94] : memref<80x125xi32, #tpu.memory_space<vmem>> -> memref<1x125xi32, #tpu.memory_space<vmem>>
        %dma_wait3A_96 = tpu.memref_squeeze %dma_wait3A_95 : memref<1x125xi32, #tpu.memory_space<vmem>> -> memref<125xi32, #tpu.memory_space<vmem>>
        %dma_wait3A_97 = arith.constant 0 : i32
        %dma_wait3A_98 = arith.constant 0 : i32
        %dma_wait3A_99 = tpu.memref_slice %arg14[%dma_wait3A_97, %dma_wait3A_98] : memref<10240x96xf32, #tpu.memory_space<vmem_shared>> -> memref<10240x96xf32, #tpu.memory_space<vmem_shared>>
        tpu.wait_indirect_dma semaphore(%run_scoped3A : memref<!tpu.dma_semaphore, #tpu.memory_space<semaphore_mem>>) src(%arg10 : memref<125x96xf32, #tpu.memory_space<vmem>>) dst(%dma_wait3A_99 : memref<10240x96xf32, #tpu.memory_space<vmem_shared>>)
        tpu.yield
      }) : () -> ()
      %add3A_74 = arith.constant 2 : i32
      %add3A_75 = arith.addi %mul3A_61, %add3A_74 : i32
      %lt3A = arith.constant 80 : i32
      %lt3A_76 = arith.cmpi slt, %add3A_75, %lt3A : i32
      %convert_element_type3A = arith.extui %lt3A_76 : i1 to i32
      %cond3A = arith.constant 0 : i32
      %cond3A_77 = arith.cmpi ne, %convert_element_type3A, %cond3A : i32
      scf.if %cond3A_77 {
        %add3A_88 = arith.constant 2 : i32
        %add3A_89 = arith.addi %mul3A_61, %add3A_88 : i32
        %dma_start3A_90 = arith.constant 0 : i32
        %dma_start3A_91 = tpu.memref_slice %arg8[%add3A_89, %dma_start3A_90] : memref<80x125xi32, #tpu.memory_space<vmem>> -> memref<1x125xi32, #tpu.memory_space<vmem>>
        %dma_start3A_92 = tpu.memref_squeeze %dma_start3A_91 : memref<1x125xi32, #tpu.memory_space<vmem>> -> memref<125xi32, #tpu.memory_space<vmem>>
        %dma_start3A_93 = arith.constant 0 : i32
        %dma_start3A_94 = arith.constant 0 : i32
        %dma_start3A_95 = tpu.memref_slice %arg2[%dma_start3A_93, %dma_start3A_94] : memref<10000x96xf32, #tpu.memory_space<hbm>> -> memref<10000x96xf32, #tpu.memory_space<hbm>>
        tpu.enqueue_indirect_dma source(%dma_start3A_95 : memref<10000x96xf32, #tpu.memory_space<hbm>>) target(%arg10 : memref<125x96xf32, #tpu.memory_space<vmem>>) offsets(%dma_start3A_92 : memref<125xi32, #tpu.memory_space<vmem>>) semaphore(%arg15 : memref<!tpu.dma_semaphore, #tpu.memory_space<semaphore_mem>>)
      } else {
      }
      %add3A_78 = arith.constant 1 : i32
      %add3A_79 = arith.addi %mul3A_61, %add3A_78 : i32
      %dma_wait3A_80 = arith.constant 0 : i32
      %dma_wait3A_81 = tpu.memref_slice %arg8[%add3A_79, %dma_wait3A_80] : memref<80x125xi32, #tpu.memory_space<vmem>> -> memref<1x125xi32, #tpu.memory_space<vmem>>
      %dma_wait3A_82 = tpu.memref_squeeze %dma_wait3A_81 : memref<1x125xi32, #tpu.memory_space<vmem>> -> memref<125xi32, #tpu.memory_space<vmem>>
      %dma_wait3A_83 = arith.constant 0 : i32
      %dma_wait3A_84 = arith.constant 0 : i32
      %dma_wait3A_85 = tpu.memref_slice %arg2[%dma_wait3A_83, %dma_wait3A_84] : memref<10000x96xf32, #tpu.memory_space<hbm>> -> memref<10000x96xf32, #tpu.memory_space<hbm>>
      tpu.wait_indirect_dma semaphore(%arg16 : memref<!tpu.dma_semaphore, #tpu.memory_space<semaphore_mem>>) src(%dma_wait3A_85 : memref<10000x96xf32, #tpu.memory_space<hbm>>) dst(%arg11 : memref<125x96xf32, #tpu.memory_space<vmem>>)
      %add3A_86 = arith.constant 1 : i32
      %add3A_87 = arith.addi %mul3A_61, %add3A_86 : i32
      "tpu.region"() ({
        %run_scoped3A = tpu.sem_alloc : memref<!tpu.dma_semaphore, #tpu.memory_space<semaphore_mem>>
        %dma_start3A_88 = arith.constant 0 : i32
        %dma_start3A_89 = tpu.memref_slice %arg9[%add3A_87, %dma_start3A_88] : memref<80x125xi32, #tpu.memory_space<vmem>> -> memref<1x125xi32, #tpu.memory_space<vmem>>
        %dma_start3A_90 = tpu.memref_squeeze %dma_start3A_89 : memref<1x125xi32, #tpu.memory_space<vmem>> -> memref<125xi32, #tpu.memory_space<vmem>>
        %dma_start3A_91 = arith.constant 0 : i32
        %dma_start3A_92 = arith.constant 0 : i32
        %dma_start3A_93 = tpu.memref_slice %arg14[%dma_start3A_91, %dma_start3A_92] : memref<10240x96xf32, #tpu.memory_space<vmem_shared>> -> memref<10240x96xf32, #tpu.memory_space<vmem_shared>>
        tpu.enqueue_indirect_dma source(%arg11 : memref<125x96xf32, #tpu.memory_space<vmem>>) target(%dma_start3A_93 : memref<10240x96xf32, #tpu.memory_space<vmem_shared>>) offsets(%dma_start3A_90 : memref<125xi32, #tpu.memory_space<vmem>>) semaphore(%run_scoped3A : memref<!tpu.dma_semaphore, #tpu.memory_space<semaphore_mem>>) {add = true}
        %dma_wait3A_94 = arith.constant 0 : i32
        %dma_wait3A_95 = tpu.memref_slice %arg9[%add3A_87, %dma_wait3A_94] : memref<80x125xi32, #tpu.memory_space<vmem>> -> memref<1x125xi32, #tpu.memory_space<vmem>>
        %dma_wait3A_96 = tpu.memref_squeeze %dma_wait3A_95 : memref<1x125xi32, #tpu.memory_space<vmem>> -> memref<125xi32, #tpu.memory_space<vmem>>
        %dma_wait3A_97 = arith.constant 0 : i32
        %dma_wait3A_98 = arith.constant 0 : i32
        %dma_wait3A_99 = tpu.memref_slice %arg14[%dma_wait3A_97, %dma_wait3A_98] : memref<10240x96xf32, #tpu.memory_space<vmem_shared>> -> memref<10240x96xf32, #tpu.memory_space<vmem_shared>>
        tpu.wait_indirect_dma semaphore(%run_scoped3A : memref<!tpu.dma_semaphore, #tpu.memory_space<semaphore_mem>>) src(%arg11 : memref<125x96xf32, #tpu.memory_space<vmem>>) dst(%dma_wait3A_99 : memref<10240x96xf32, #tpu.memory_space<vmem_shared>>)
        tpu.yield
      }) : () -> ()
    }
    %scan3A_24 = arith.constant 40 : i32
    %barrier3A_25 = arith.constant 0 : index
    tpu.barrier barrier_id(%barrier3A_25)
    %scan3A_26 = arith.constant 0 : i32
    %scan3A_27 = arith.constant 0 : i32
    %scan3A_28 = arith.constant 5 : i32
    %scan3A_29 = arith.addi %scan3A_27, %scan3A_28 : i32
    %scan3A_30 = arith.constant 1 : i32
    scf.for %scan3A_59 = %scan3A_27 to %scan3A_29 step %scan3A_30  : i32 {
      %mul3A_60 = arith.constant 128 : i32
      %mul3A_61 = arith.muli %scan3A_59, %mul3A_60 : i32
      %add3A = arith.addi %mul3A_6, %mul3A_61 : i32
      "tpu.region"() ({
        %run_scoped3A = tpu.sem_alloc : memref<!tpu.dma_semaphore, #tpu.memory_space<semaphore_mem>>
        %dma_start3A_62 = arith.constant 0 : i32
        %dma_start3A_63 = tpu.memref_slice %arg14[%add3A, %dma_start3A_62] : memref<10240x96xf32, #tpu.memory_space<vmem_shared>> -> memref<128x96xf32, #tpu.memory_space<vmem_shared>>
        %dma_start3A_64 = arith.constant 0 : i32
        %dma_start3A_65 = tpu.memref_slice %arg14[%add3A, %dma_start3A_64] : memref<10240x96xf32, #tpu.memory_space<vmem_shared>> -> memref<128x96xf32, #tpu.memory_space<vmem_shared>>
        tpu.enqueue_dma source(%dma_start3A_65 : memref<128x96xf32, #tpu.memory_space<vmem_shared>>) target(%arg13 : memref<128x96xf32, #tpu.memory_space<vmem>>) target_semaphore(%run_scoped3A : memref<!tpu.dma_semaphore, #tpu.memory_space<semaphore_mem>>)
        %dma_wait3A = arith.constant 0 : i32
        %dma_wait3A_66 = tpu.memref_slice %arg14[%add3A, %dma_wait3A] : memref<10240x96xf32, #tpu.memory_space<vmem_shared>> -> memref<128x96xf32, #tpu.memory_space<vmem_shared>>
        %dma_wait3A_67 = arith.constant 0 : i32
        %dma_wait3A_68 = tpu.memref_slice %arg14[%add3A, %dma_wait3A_67] : memref<10240x96xf32, #tpu.memory_space<vmem_shared>> -> memref<128x96xf32, #tpu.memory_space<vmem_shared>>
        tpu.wait_dma2 semaphore(%run_scoped3A : memref<!tpu.dma_semaphore, #tpu.memory_space<semaphore_mem>>) src(%dma_wait3A_68 : memref<128x96xf32, #tpu.memory_space<vmem_shared>>) dst(%arg13 : memref<128x96xf32, #tpu.memory_space<vmem>>)
        tpu.yield
      }) : () -> ()
      "tpu.region"() ({
        %run_scoped3A = tpu.sem_alloc : memref<!tpu.dma_semaphore, #tpu.memory_space<semaphore_mem>>
        %dma_start3A_62 = arith.constant 0 : i32
        %dma_start3A_63 = tpu.memref_slice %arg6[%arg0, %add3A, %dma_start3A_62] : memref<2x10240x96xf32, #tpu.memory_space<hbm>> -> memref<1x128x96xf32, #tpu.memory_space<hbm>>
        %dma_start3A_64 = tpu.memref_squeeze %dma_start3A_63 : memref<1x128x96xf32, #tpu.memory_space<hbm>> -> memref<128x96xf32, #tpu.memory_space<hbm>>
        %dma_start3A_65 = arith.constant 0 : i32
        %dma_start3A_66 = tpu.memref_slice %arg6[%arg0, %add3A, %dma_start3A_65] : memref<2x10240x96xf32, #tpu.memory_space<hbm>> -> memref<1x128x96xf32, #tpu.memory_space<hbm>>
        %dma_start3A_67 = tpu.memref_squeeze %dma_start3A_66 : memref<1x128x96xf32, #tpu.memory_space<hbm>> -> memref<128x96xf32, #tpu.memory_space<hbm>>
        tpu.enqueue_dma source(%arg13 : memref<128x96xf32, #tpu.memory_space<vmem>>) target(%dma_start3A_67 : memref<128x96xf32, #tpu.memory_space<hbm>>) target_semaphore(%run_scoped3A : memref<!tpu.dma_semaphore, #tpu.memory_space<semaphore_mem>>)
        %dma_wait3A = arith.constant 0 : i32
        %dma_wait3A_68 = tpu.memref_slice %arg6[%arg0, %add3A, %dma_wait3A] : memref<2x10240x96xf32, #tpu.memory_space<hbm>> -> memref<1x128x96xf32, #tpu.memory_space<hbm>>
        %dma_wait3A_69 = tpu.memref_squeeze %dma_wait3A_68 : memref<1x128x96xf32, #tpu.memory_space<hbm>> -> memref<128x96xf32, #tpu.memory_space<hbm>>
        %dma_wait3A_70 = arith.constant 0 : i32
        %dma_wait3A_71 = tpu.memref_slice %arg6[%arg0, %add3A, %dma_wait3A_70] : memref<2x10240x96xf32, #tpu.memory_space<hbm>> -> memref<1x128x96xf32, #tpu.memory_space<hbm>>
        %dma_wait3A_72 = tpu.memref_squeeze %dma_wait3A_71 : memref<1x128x96xf32, #tpu.memory_space<hbm>> -> memref<128x96xf32, #tpu.memory_space<hbm>>
        tpu.wait_dma2 semaphore(%run_scoped3A : memref<!tpu.dma_semaphore, #tpu.memory_space<semaphore_mem>>) src(%arg13 : memref<128x96xf32, #tpu.memory_space<vmem>>) dst(%dma_wait3A_72 : memref<128x96xf32, #tpu.memory_space<hbm>>)
        tpu.yield
      }) : () -> ()
    }
    %scan3A_31 = arith.constant 5 : i32
    %scan3A_32 = arith.constant 0 : i32
    %scan3A_33 = arith.constant 0 : i32
    %scan3A_34 = arith.constant 5 : i32
    %scan3A_35 = arith.addi %scan3A_33, %scan3A_34 : i32
    %scan3A_36 = arith.constant 1 : i32
    scf.for %scan3A_59 = %scan3A_33 to %scan3A_35 step %scan3A_36  : i32 {
      %mul3A_60 = arith.constant 128 : i32
      %mul3A_61 = arith.muli %scan3A_59, %mul3A_60 : i32
      %add3A = arith.addi %mul3A_6, %mul3A_61 : i32
      "tpu.region"() ({
        %run_scoped3A = tpu.sem_alloc : memref<!tpu.dma_semaphore, #tpu.memory_space<semaphore_mem>>
        %dma_start3A_62 = arith.constant 0 : i32
        %dma_start3A_63 = tpu.memref_slice %arg14[%add3A, %dma_start3A_62] : memref<10240x96xf32, #tpu.memory_space<vmem_shared>> -> memref<128x96xf32, #tpu.memory_space<vmem_shared>>
        %dma_start3A_64 = arith.constant 0 : i32
        %dma_start3A_65 = tpu.memref_slice %arg14[%add3A, %dma_start3A_64] : memref<10240x96xf32, #tpu.memory_space<vmem_shared>> -> memref<128x96xf32, #tpu.memory_space<vmem_shared>>
        tpu.enqueue_dma source(%arg12 : memref<128x96xf32, #tpu.memory_space<vmem>>) target(%dma_start3A_65 : memref<128x96xf32, #tpu.memory_space<vmem_shared>>) target_semaphore(%run_scoped3A : memref<!tpu.dma_semaphore, #tpu.memory_space<semaphore_mem>>)
        %dma_wait3A = arith.constant 0 : i32
        %dma_wait3A_66 = tpu.memref_slice %arg14[%add3A, %dma_wait3A] : memref<10240x96xf32, #tpu.memory_space<vmem_shared>> -> memref<128x96xf32, #tpu.memory_space<vmem_shared>>
        %dma_wait3A_67 = arith.constant 0 : i32
        %dma_wait3A_68 = tpu.memref_slice %arg14[%add3A, %dma_wait3A_67] : memref<10240x96xf32, #tpu.memory_space<vmem_shared>> -> memref<128x96xf32, #tpu.memory_space<vmem_shared>>
        tpu.wait_dma2 semaphore(%run_scoped3A : memref<!tpu.dma_semaphore, #tpu.memory_space<semaphore_mem>>) src(%arg12 : memref<128x96xf32, #tpu.memory_space<vmem>>) dst(%dma_wait3A_68 : memref<128x96xf32, #tpu.memory_space<vmem_shared>>)
        tpu.yield
      }) : () -> ()
    }
    %scan3A_37 = arith.constant 5 : i32
    %barrier3A_38 = arith.constant 0 : index
    tpu.barrier barrier_id(%barrier3A_38)
    %dma_start3A_39 = arith.constant 0 : i32
    %dma_start3A_40 = arith.constant 0 : i32
    %dma_start3A_41 = tpu.memref_slice %arg8[%dma_start3A_39, %dma_start3A_40] : memref<80x125xi32, #tpu.memory_space<vmem>> -> memref<1x125xi32, #tpu.memory_space<vmem>>
    %dma_start3A_42 = tpu.memref_squeeze %dma_start3A_41 : memref<1x125xi32, #tpu.memory_space<vmem>> -> memref<125xi32, #tpu.memory_space<vmem>>
    %dma_start3A_43 = arith.constant 0 : i32
    %dma_start3A_44 = arith.constant 0 : i32
    %dma_start3A_45 = tpu.memref_slice %arg3[%dma_start3A_43, %dma_start3A_44] : memref<10000x96xf32, #tpu.memory_space<hbm>> -> memref<10000x96xf32, #tpu.memory_space<hbm>>
    tpu.enqueue_indirect_dma source(%dma_start3A_45 : memref<10000x96xf32, #tpu.memory_space<hbm>>) target(%arg10 : memref<125x96xf32, #tpu.memory_space<vmem>>) offsets(%dma_start3A_42 : memref<125xi32, #tpu.memory_space<vmem>>) semaphore(%arg15 : memref<!tpu.dma_semaphore, #tpu.memory_space<semaphore_mem>>)
    %scan3A_46 = arith.constant 0 : i32
    %scan3A_47 = arith.constant 0 : i32
    %scan3A_48 = arith.constant 40 : i32
    %scan3A_49 = arith.addi %scan3A_47, %scan3A_48 : i32
    %scan3A_50 = arith.constant 1 : i32
    scf.for %scan3A_59 = %scan3A_47 to %scan3A_49 step %scan3A_50  : i32 {
      %mul3A_60 = arith.constant 2 : i32
      %mul3A_61 = arith.muli %mul3A_60, %scan3A_59 : i32
      %add3A = arith.constant 1 : i32
      %add3A_62 = arith.addi %mul3A_61, %add3A : i32
      %dma_start3A_63 = arith.constant 0 : i32
      %dma_start3A_64 = tpu.memref_slice %arg8[%add3A_62, %dma_start3A_63] : memref<80x125xi32, #tpu.memory_space<vmem>> -> memref<1x125xi32, #tpu.memory_space<vmem>>
      %dma_start3A_65 = tpu.memref_squeeze %dma_start3A_64 : memref<1x125xi32, #tpu.memory_space<vmem>> -> memref<125xi32, #tpu.memory_space<vmem>>
      %dma_start3A_66 = arith.constant 0 : i32
      %dma_start3A_67 = arith.constant 0 : i32
      %dma_start3A_68 = tpu.memref_slice %arg3[%dma_start3A_66, %dma_start3A_67] : memref<10000x96xf32, #tpu.memory_space<hbm>> -> memref<10000x96xf32, #tpu.memory_space<hbm>>
      tpu.enqueue_indirect_dma source(%dma_start3A_68 : memref<10000x96xf32, #tpu.memory_space<hbm>>) target(%arg11 : memref<125x96xf32, #tpu.memory_space<vmem>>) offsets(%dma_start3A_65 : memref<125xi32, #tpu.memory_space<vmem>>) semaphore(%arg16 : memref<!tpu.dma_semaphore, #tpu.memory_space<semaphore_mem>>)
      %dma_wait3A = arith.constant 0 : i32
      %dma_wait3A_69 = tpu.memref_slice %arg8[%mul3A_61, %dma_wait3A] : memref<80x125xi32, #tpu.memory_space<vmem>> -> memref<1x125xi32, #tpu.memory_space<vmem>>
      %dma_wait3A_70 = tpu.memref_squeeze %dma_wait3A_69 : memref<1x125xi32, #tpu.memory_space<vmem>> -> memref<125xi32, #tpu.memory_space<vmem>>
      %dma_wait3A_71 = arith.constant 0 : i32
      %dma_wait3A_72 = arith.constant 0 : i32
      %dma_wait3A_73 = tpu.memref_slice %arg3[%dma_wait3A_71, %dma_wait3A_72] : memref<10000x96xf32, #tpu.memory_space<hbm>> -> memref<10000x96xf32, #tpu.memory_space<hbm>>
      tpu.wait_indirect_dma semaphore(%arg15 : memref<!tpu.dma_semaphore, #tpu.memory_space<semaphore_mem>>) src(%dma_wait3A_73 : memref<10000x96xf32, #tpu.memory_space<hbm>>) dst(%arg10 : memref<125x96xf32, #tpu.memory_space<vmem>>)
      "tpu.region"() ({
        %run_scoped3A = tpu.sem_alloc : memref<!tpu.dma_semaphore, #tpu.memory_space<semaphore_mem>>
        %dma_start3A_88 = arith.constant 0 : i32
        %dma_start3A_89 = tpu.memref_slice %arg9[%mul3A_61, %dma_start3A_88] : memref<80x125xi32, #tpu.memory_space<vmem>> -> memref<1x125xi32, #tpu.memory_space<vmem>>
        %dma_start3A_90 = tpu.memref_squeeze %dma_start3A_89 : memref<1x125xi32, #tpu.memory_space<vmem>> -> memref<125xi32, #tpu.memory_space<vmem>>
        %dma_start3A_91 = arith.constant 0 : i32
        %dma_start3A_92 = arith.constant 0 : i32
        %dma_start3A_93 = tpu.memref_slice %arg14[%dma_start3A_91, %dma_start3A_92] : memref<10240x96xf32, #tpu.memory_space<vmem_shared>> -> memref<10240x96xf32, #tpu.memory_space<vmem_shared>>
        tpu.enqueue_indirect_dma source(%arg10 : memref<125x96xf32, #tpu.memory_space<vmem>>) target(%dma_start3A_93 : memref<10240x96xf32, #tpu.memory_space<vmem_shared>>) offsets(%dma_start3A_90 : memref<125xi32, #tpu.memory_space<vmem>>) semaphore(%run_scoped3A : memref<!tpu.dma_semaphore, #tpu.memory_space<semaphore_mem>>) {add = true}
        %dma_wait3A_94 = arith.constant 0 : i32
        %dma_wait3A_95 = tpu.memref_slice %arg9[%mul3A_61, %dma_wait3A_94] : memref<80x125xi32, #tpu.memory_space<vmem>> -> memref<1x125xi32, #tpu.memory_space<vmem>>
        %dma_wait3A_96 = tpu.memref_squeeze %dma_wait3A_95 : memref<1x125xi32, #tpu.memory_space<vmem>> -> memref<125xi32, #tpu.memory_space<vmem>>
        %dma_wait3A_97 = arith.constant 0 : i32
        %dma_wait3A_98 = arith.constant 0 : i32
        %dma_wait3A_99 = tpu.memref_slice %arg14[%dma_wait3A_97, %dma_wait3A_98] : memref<10240x96xf32, #tpu.memory_space<vmem_shared>> -> memref<10240x96xf32, #tpu.memory_space<vmem_shared>>
        tpu.wait_indirect_dma semaphore(%run_scoped3A : memref<!tpu.dma_semaphore, #tpu.memory_space<semaphore_mem>>) src(%arg10 : memref<125x96xf32, #tpu.memory_space<vmem>>) dst(%dma_wait3A_99 : memref<10240x96xf32, #tpu.memory_space<vmem_shared>>)
        tpu.yield
      }) : () -> ()
      %add3A_74 = arith.constant 2 : i32
      %add3A_75 = arith.addi %mul3A_61, %add3A_74 : i32
      %lt3A = arith.constant 80 : i32
      %lt3A_76 = arith.cmpi slt, %add3A_75, %lt3A : i32
      %convert_element_type3A = arith.extui %lt3A_76 : i1 to i32
      %cond3A = arith.constant 0 : i32
      %cond3A_77 = arith.cmpi ne, %convert_element_type3A, %cond3A : i32
      scf.if %cond3A_77 {
        %add3A_88 = arith.constant 2 : i32
        %add3A_89 = arith.addi %mul3A_61, %add3A_88 : i32
        %dma_start3A_90 = arith.constant 0 : i32
        %dma_start3A_91 = tpu.memref_slice %arg8[%add3A_89, %dma_start3A_90] : memref<80x125xi32, #tpu.memory_space<vmem>> -> memref<1x125xi32, #tpu.memory_space<vmem>>
        %dma_start3A_92 = tpu.memref_squeeze %dma_start3A_91 : memref<1x125xi32, #tpu.memory_space<vmem>> -> memref<125xi32, #tpu.memory_space<vmem>>
        %dma_start3A_93 = arith.constant 0 : i32
        %dma_start3A_94 = arith.constant 0 : i32
        %dma_start3A_95 = tpu.memref_slice %arg3[%dma_start3A_93, %dma_start3A_94] : memref<10000x96xf32, #tpu.memory_space<hbm>> -> memref<10000x96xf32, #tpu.memory_space<hbm>>
        tpu.enqueue_indirect_dma source(%dma_start3A_95 : memref<10000x96xf32, #tpu.memory_space<hbm>>) target(%arg10 : memref<125x96xf32, #tpu.memory_space<vmem>>) offsets(%dma_start3A_92 : memref<125xi32, #tpu.memory_space<vmem>>) semaphore(%arg15 : memref<!tpu.dma_semaphore, #tpu.memory_space<semaphore_mem>>)
      } else {
      }
      %add3A_78 = arith.constant 1 : i32
      %add3A_79 = arith.addi %mul3A_61, %add3A_78 : i32
      %dma_wait3A_80 = arith.constant 0 : i32
      %dma_wait3A_81 = tpu.memref_slice %arg8[%add3A_79, %dma_wait3A_80] : memref<80x125xi32, #tpu.memory_space<vmem>> -> memref<1x125xi32, #tpu.memory_space<vmem>>
      %dma_wait3A_82 = tpu.memref_squeeze %dma_wait3A_81 : memref<1x125xi32, #tpu.memory_space<vmem>> -> memref<125xi32, #tpu.memory_space<vmem>>
      %dma_wait3A_83 = arith.constant 0 : i32
      %dma_wait3A_84 = arith.constant 0 : i32
      %dma_wait3A_85 = tpu.memref_slice %arg3[%dma_wait3A_83, %dma_wait3A_84] : memref<10000x96xf32, #tpu.memory_space<hbm>> -> memref<10000x96xf32, #tpu.memory_space<hbm>>
      tpu.wait_indirect_dma semaphore(%arg16 : memref<!tpu.dma_semaphore, #tpu.memory_space<semaphore_mem>>) src(%dma_wait3A_85 : memref<10000x96xf32, #tpu.memory_space<hbm>>) dst(%arg11 : memref<125x96xf32, #tpu.memory_space<vmem>>)
      %add3A_86 = arith.constant 1 : i32
      %add3A_87 = arith.addi %mul3A_61, %add3A_86 : i32
      "tpu.region"() ({
        %run_scoped3A = tpu.sem_alloc : memref<!tpu.dma_semaphore, #tpu.memory_space<semaphore_mem>>
        %dma_start3A_88 = arith.constant 0 : i32
        %dma_start3A_89 = tpu.memref_slice %arg9[%add3A_87, %dma_start3A_88] : memref<80x125xi32, #tpu.memory_space<vmem>> -> memref<1x125xi32, #tpu.memory_space<vmem>>
        %dma_start3A_90 = tpu.memref_squeeze %dma_start3A_89 : memref<1x125xi32, #tpu.memory_space<vmem>> -> memref<125xi32, #tpu.memory_space<vmem>>
        %dma_start3A_91 = arith.constant 0 : i32
        %dma_start3A_92 = arith.constant 0 : i32
        %dma_start3A_93 = tpu.memref_slice %arg14[%dma_start3A_91, %dma_start3A_92] : memref<10240x96xf32, #tpu.memory_space<vmem_shared>> -> memref<10240x96xf32, #tpu.memory_space<vmem_shared>>
        tpu.enqueue_indirect_dma source(%arg11 : memref<125x96xf32, #tpu.memory_space<vmem>>) target(%dma_start3A_93 : memref<10240x96xf32, #tpu.memory_space<vmem_shared>>) offsets(%dma_start3A_90 : memref<125xi32, #tpu.memory_space<vmem>>) semaphore(%run_scoped3A : memref<!tpu.dma_semaphore, #tpu.memory_space<semaphore_mem>>) {add = true}
        %dma_wait3A_94 = arith.constant 0 : i32
        %dma_wait3A_95 = tpu.memref_slice %arg9[%add3A_87, %dma_wait3A_94] : memref<80x125xi32, #tpu.memory_space<vmem>> -> memref<1x125xi32, #tpu.memory_space<vmem>>
        %dma_wait3A_96 = tpu.memref_squeeze %dma_wait3A_95 : memref<1x125xi32, #tpu.memory_space<vmem>> -> memref<125xi32, #tpu.memory_space<vmem>>
        %dma_wait3A_97 = arith.constant 0 : i32
        %dma_wait3A_98 = arith.constant 0 : i32
        %dma_wait3A_99 = tpu.memref_slice %arg14[%dma_wait3A_97, %dma_wait3A_98] : memref<10240x96xf32, #tpu.memory_space<vmem_shared>> -> memref<10240x96xf32, #tpu.memory_space<vmem_shared>>
        tpu.wait_indirect_dma semaphore(%run_scoped3A : memref<!tpu.dma_semaphore, #tpu.memory_space<semaphore_mem>>) src(%arg11 : memref<125x96xf32, #tpu.memory_space<vmem>>) dst(%dma_wait3A_99 : memref<10240x96xf32, #tpu.memory_space<vmem_shared>>)
        tpu.yield
      }) : () -> ()
    }
    %scan3A_51 = arith.constant 40 : i32
    %barrier3A_52 = arith.constant 0 : index
    tpu.barrier barrier_id(%barrier3A_52)
    %scan3A_53 = arith.constant 0 : i32
    %scan3A_54 = arith.constant 0 : i32
    %scan3A_55 = arith.constant 5 : i32
    %scan3A_56 = arith.addi %scan3A_54, %scan3A_55 : i32
    %scan3A_57 = arith.constant 1 : i32
    scf.for %scan3A_59 = %scan3A_54 to %scan3A_56 step %scan3A_57  : i32 {
      %mul3A_60 = arith.constant 128 : i32
      %mul3A_61 = arith.muli %scan3A_59, %mul3A_60 : i32
      %add3A = arith.addi %mul3A_6, %mul3A_61 : i32
      "tpu.region"() ({
        %run_scoped3A = tpu.sem_alloc : memref<!tpu.dma_semaphore, #tpu.memory_space<semaphore_mem>>
        %dma_start3A_62 = arith.constant 0 : i32
        %dma_start3A_63 = tpu.memref_slice %arg14[%add3A, %dma_start3A_62] : memref<10240x96xf32, #tpu.memory_space<vmem_shared>> -> memref<128x96xf32, #tpu.memory_space<vmem_shared>>
        %dma_start3A_64 = arith.constant 0 : i32
        %dma_start3A_65 = tpu.memref_slice %arg14[%add3A, %dma_start3A_64] : memref<10240x96xf32, #tpu.memory_space<vmem_shared>> -> memref<128x96xf32, #tpu.memory_space<vmem_shared>>
        tpu.enqueue_dma source(%dma_start3A_65 : memref<128x96xf32, #tpu.memory_space<vmem_shared>>) target(%arg13 : memref<128x96xf32, #tpu.memory_space<vmem>>) target_semaphore(%run_scoped3A : memref<!tpu.dma_semaphore, #tpu.memory_space<semaphore_mem>>)
        %dma_wait3A = arith.constant 0 : i32
        %dma_wait3A_66 = tpu.memref_slice %arg14[%add3A, %dma_wait3A] : memref<10240x96xf32, #tpu.memory_space<vmem_shared>> -> memref<128x96xf32, #tpu.memory_space<vmem_shared>>
        %dma_wait3A_67 = arith.constant 0 : i32
        %dma_wait3A_68 = tpu.memref_slice %arg14[%add3A, %dma_wait3A_67] : memref<10240x96xf32, #tpu.memory_space<vmem_shared>> -> memref<128x96xf32, #tpu.memory_space<vmem_shared>>
        tpu.wait_dma2 semaphore(%run_scoped3A : memref<!tpu.dma_semaphore, #tpu.memory_space<semaphore_mem>>) src(%dma_wait3A_68 : memref<128x96xf32, #tpu.memory_space<vmem_shared>>) dst(%arg13 : memref<128x96xf32, #tpu.memory_space<vmem>>)
        tpu.yield
      }) : () -> ()
      "tpu.region"() ({
        %run_scoped3A = tpu.sem_alloc : memref<!tpu.dma_semaphore, #tpu.memory_space<semaphore_mem>>
        %dma_start3A_62 = arith.constant 0 : i32
        %dma_start3A_63 = tpu.memref_slice %arg7[%arg0, %add3A, %dma_start3A_62] : memref<2x10240x96xf32, #tpu.memory_space<hbm>> -> memref<1x128x96xf32, #tpu.memory_space<hbm>>
        %dma_start3A_64 = tpu.memref_squeeze %dma_start3A_63 : memref<1x128x96xf32, #tpu.memory_space<hbm>> -> memref<128x96xf32, #tpu.memory_space<hbm>>
        %dma_start3A_65 = arith.constant 0 : i32
        %dma_start3A_66 = tpu.memref_slice %arg7[%arg0, %add3A, %dma_start3A_65] : memref<2x10240x96xf32, #tpu.memory_space<hbm>> -> memref<1x128x96xf32, #tpu.memory_space<hbm>>
        %dma_start3A_67 = tpu.memref_squeeze %dma_start3A_66 : memref<1x128x96xf32, #tpu.memory_space<hbm>> -> memref<128x96xf32, #tpu.memory_space<hbm>>
        tpu.enqueue_dma source(%arg13 : memref<128x96xf32, #tpu.memory_space<vmem>>) target(%dma_start3A_67 : memref<128x96xf32, #tpu.memory_space<hbm>>) target_semaphore(%run_scoped3A : memref<!tpu.dma_semaphore, #tpu.memory_space<semaphore_mem>>)
        %dma_wait3A = arith.constant 0 : i32
        %dma_wait3A_68 = tpu.memref_slice %arg7[%arg0, %add3A, %dma_wait3A] : memref<2x10240x96xf32, #tpu.memory_space<hbm>> -> memref<1x128x96xf32, #tpu.memory_space<hbm>>
        %dma_wait3A_69 = tpu.memref_squeeze %dma_wait3A_68 : memref<1x128x96xf32, #tpu.memory_space<hbm>> -> memref<128x96xf32, #tpu.memory_space<hbm>>
        %dma_wait3A_70 = arith.constant 0 : i32
        %dma_wait3A_71 = tpu.memref_slice %arg7[%arg0, %add3A, %dma_wait3A_70] : memref<2x10240x96xf32, #tpu.memory_space<hbm>> -> memref<1x128x96xf32, #tpu.memory_space<hbm>>
        %dma_wait3A_72 = tpu.memref_squeeze %dma_wait3A_71 : memref<1x128x96xf32, #tpu.memory_space<hbm>> -> memref<128x96xf32, #tpu.memory_space<hbm>>
        tpu.wait_dma2 semaphore(%run_scoped3A : memref<!tpu.dma_semaphore, #tpu.memory_space<semaphore_mem>>) src(%arg13 : memref<128x96xf32, #tpu.memory_space<vmem>>) dst(%dma_wait3A_72 : memref<128x96xf32, #tpu.memory_space<hbm>>)
        tpu.yield
      }) : () -> ()
    }
    %scan3A_58 = arith.constant 5 : i32
    return
  }
}

#map = affine_map<(d0, d1) -> (0, 0)>
#map1 = affine_map<(d0, d1) -> (0, 0, 0, 0)>
#map2 = affine_map<(d0, d1) -> (0, 0, 0)>
module attributes {stable_mosaic.version = 14 : i64} {
  func.func @prop_k(%arg0: i32, %arg1: i32, %arg2: memref<10000x96xf32, #tpu.memory_space<hbm>>, %arg3: memref<10000x96xf32, #tpu.memory_space<hbm>>, %arg4: memref<2x16x80x125xi32, #tpu.memory_space<hbm>>, %arg5: memref<2x16x80x125xi32, #tpu.memory_space<hbm>>, %arg6: memref<2x10240x96xf32, #tpu.memory_space<hbm>>, %arg7: memref<2x10240x96xf32, #tpu.memory_space<hbm>>, %arg8: memref<80x125xi32, #tpu.memory_space<vmem>>, %arg9: memref<80x125xi32, #tpu.memory_space<vmem>>, %arg10: memref<125x96xf32, #tpu.memory_space<vmem>>, %arg11: memref<125x96xf32, #tpu.memory_space<vmem>>, %arg12: memref<128x96xf32, #tpu.memory_space<vmem>>, %arg13: memref<128x96xf32, #tpu.memory_space<vmem>>, %arg14: memref<10240x96xf32, #tpu.memory_space<vmem_shared>>, %arg15: memref<!tpu.dma_semaphore, #tpu.memory_space<semaphore_mem>>, %arg16: memref<!tpu.dma_semaphore, #tpu.memory_space<semaphore_mem>>) attributes {dimension_semantics = [#tpu.dimension_semantics<core_parallel>, #tpu.dimension_semantics<subcore_parallel>], iteration_bounds = array<i64: 2, 16>, scalar_prefetch = 0 : i64, scratch_operands = 9 : i64, tpu.core_type = #tpu.core_type<sc_vector_subcore>, window_params = [{transform_indices = #map}, {transform_indices = #map}, {transform_indices = #map1}, {transform_indices = #map1}, {transform_indices = #map2}, {transform_indices = #map2}]} {
    %broadcast_in_dim3A = arith.constant 0.000000e+00 : f32
    %broadcast_in_dim3A_0 = vector.broadcast %broadcast_in_dim3A : f32 to vector<16xf32>
    %scan3A = arith.constant 0 : i32
    %scan3A_1 = arith.constant 0 : i32
    %scan3A_2 = arith.constant 128 : i32
    %scan3A_3 = arith.addi %scan3A_1, %scan3A_2 : i32
    %scan3A_4 = arith.constant 1 : i32
    scf.for %scan3A_59 = %scan3A_1 to %scan3A_3 step %scan3A_4  : i32 {
      %swap3A = arith.index_cast %scan3A_59 : i32 to index
      %swap3A_60 = arith.constant 0 : index
      %swap3A_61 = tpu.vector_load %arg12[%swap3A, %swap3A_60] {strides = array<i32>} : memref<128x96xf32, #tpu.memory_space<vmem>>, vector<1x16xf32>,
      %swap3A_62 = vector.shape_cast %swap3A_61 : vector<1x16xf32> to vector<16xf32>
      %swap3A_63 = vector.shape_cast %broadcast_in_dim3A_0 : vector<16xf32> to vector<1x16xf32>
      tpu.vector_store %arg12[%swap3A, %swap3A_60], %swap3A_63 {strides = array<i32>} : memref<128x96xf32, #tpu.memory_space<vmem>>, vector<1x16xf32>,
      %swap3A_64 = arith.index_cast %scan3A_59 : i32 to index
      %swap3A_65 = arith.constant 16 : index
      %swap3A_66 = tpu.vector_load %arg12[%swap3A_64, %swap3A_65] {strides = array<i32>} : memref<128x96xf32, #tpu.memory_space<vmem>>, vector<1x16xf32>,
      %swap3A_67 = vector.shape_cast %swap3A_66 : vector<1x16xf32> to vector<16xf32>
      %swap3A_68 = vector.shape_cast %broadcast_in_dim3A_0 : vector<16xf32> to vector<1x16xf32>
      tpu.vector_store %arg12[%swap3A_64, %swap3A_65], %swap3A_68 {strides = array<i32>} : memref<128x96xf32, #tpu.memory_space<vmem>>, vector<1x16xf32>,
      %swap3A_69 = arith.index_cast %scan3A_59 : i32 to index
      %swap3A_70 = arith.constant 32 : index
      %swap3A_71 = tpu.vector_load %arg12[%swap3A_69, %swap3A_70] {strides = array<i32>} : memref<128x96xf32, #tpu.memory_space<vmem>>, vector<1x16xf32>,
      %swap3A_72 = vector.shape_cast %swap3A_71 : vector<1x16xf32> to vector<16xf32>
      %swap3A_73 = vector.shape_cast %broadcast_in_dim3A_0 : vector<16xf32> to vector<1x16xf32>
      tpu.vector_store %arg12[%swap3A_69, %swap3A_70], %swap3A_73 {strides = array<i32>} : memref<128x96xf32, #tpu.memory_space<vmem>>, vector<1x16xf32>,
      %swap3A_74 = arith.index_cast %scan3A_59 : i32 to index
      %swap3A_75 = arith.constant 48 : index
      %swap3A_76 = tpu.vector_load %arg12[%swap3A_74, %swap3A_75] {strides = array<i32>} : memref<128x96xf32, #tpu.memory_space<vmem>>, vector<1x16xf32>,
      %swap3A_77 = vector.shape_cast %swap3A_76 : vector<1x16xf32> to vector<16xf32>
      %swap3A_78 = vector.shape_cast %broadcast_in_dim3A_0 : vector<16xf32> to vector<1x16xf32>
      tpu.vector_store %arg12[%swap3A_74, %swap3A_75], %swap3A_78 {strides = array<i32>} : memref<128x96xf32, #tpu.memory_space<vmem>>, vector<1x16xf32>,
      %swap3A_79 = arith.index_cast %scan3A_59 : i32 to index
      %swap3A_80 = arith.constant 64 : index
      %swap3A_81 = tpu.vector_load %arg12[%swap3A_79, %swap3A_80] {strides = array<i32>} : memref<128x96xf32, #tpu.memory_space<vmem>>, vector<1x16xf32>,
      %swap3A_82 = vector.shape_cast %swap3A_81 : vector<1x16xf32> to vector<16xf32>
      %swap3A_83 = vector.shape_cast %broadcast_in_dim3A_0 : vector<16xf32> to vector<1x16xf32>
      tpu.vector_store %arg12[%swap3A_79, %swap3A_80], %swap3A_83 {strides = array<i32>} : memref<128x96xf32, #tpu.memory_space<vmem>>, vector<1x16xf32>,
      %swap3A_84 = arith.index_cast %scan3A_59 : i32 to index
      %swap3A_85 = arith.constant 80 : index
      %swap3A_86 = tpu.vector_load %arg12[%swap3A_84, %swap3A_85] {strides = array<i32>} : memref<128x96xf32, #tpu.memory_space<vmem>>, vector<1x16xf32>,
      %swap3A_87 = vector.shape_cast %swap3A_86 : vector<1x16xf32> to vector<16xf32>
      %swap3A_88 = vector.shape_cast %broadcast_in_dim3A_0 : vector<16xf32> to vector<1x16xf32>
      tpu.vector_store %arg12[%swap3A_84, %swap3A_85], %swap3A_88 {strides = array<i32>} : memref<128x96xf32, #tpu.memory_space<vmem>>, vector<1x16xf32>,
    }
    %scan3A_5 = arith.constant 128 : i32
    "tpu.region"() ({
      %run_scoped3A = tpu.sem_alloc : memref<!tpu.dma_semaphore, #tpu.memory_space<semaphore_mem>>
      %dma_start3A_59 = arith.constant 0 : i32
      %dma_start3A_60 = arith.constant 0 : i32
      %dma_start3A_61 = tpu.memref_slice %arg4[%arg0, %arg1, %dma_start3A_59, %dma_start3A_60] : memref<2x16x80x125xi32, #tpu.memory_space<hbm>> -> memref<1x1x80x125xi32, #tpu.memory_space<hbm>>
      %dma_start3A_62 = tpu.memref_squeeze %dma_start3A_61 : memref<1x1x80x125xi32, #tpu.memory_space<hbm>> -> memref<80x125xi32, #tpu.memory_space<hbm>>
      %dma_start3A_63 = arith.constant 0 : i32
      %dma_start3A_64 = arith.constant 0 : i32
      %dma_start3A_65 = tpu.memref_slice %arg4[%arg0, %arg1, %dma_start3A_63, %dma_start3A_64] : memref<2x16x80x125xi32, #tpu.memory_space<hbm>> -> memref<1x1x80x125xi32, #tpu.memory_space<hbm>>
      %dma_start3A_66 = tpu.memref_squeeze %dma_start3A_65 : memref<1x1x80x125xi32, #tpu.memory_space<hbm>> -> memref<80x125xi32, #tpu.memory_space<hbm>>
      tpu.enqueue_dma source(%dma_start3A_66 : memref<80x125xi32, #tpu.memory_space<hbm>>) target(%arg8 : memref<80x125xi32, #tpu.memory_space<vmem>>) target_semaphore(%run_scoped3A : memref<!tpu.dma_semaphore, #tpu.memory_space<semaphore_mem>>)
      %dma_wait3A = arith.constant 0 : i32
      %dma_wait3A_67 = arith.constant 0 : i32
      %dma_wait3A_68 = tpu.memref_slice %arg4[%arg0, %arg1, %dma_wait3A, %dma_wait3A_67] : memref<2x16x80x125xi32, #tpu.memory_space<hbm>> -> memref<1x1x80x125xi32, #tpu.memory_space<hbm>>
      %dma_wait3A_69 = tpu.memref_squeeze %dma_wait3A_68 : memref<1x1x80x125xi32, #tpu.memory_space<hbm>> -> memref<80x125xi32, #tpu.memory_space<hbm>>
      %dma_wait3A_70 = arith.constant 0 : i32
      %dma_wait3A_71 = arith.constant 0 : i32
      %dma_wait3A_72 = tpu.memref_slice %arg4[%arg0, %arg1, %dma_wait3A_70, %dma_wait3A_71] : memref<2x16x80x125xi32, #tpu.memory_space<hbm>> -> memref<1x1x80x125xi32, #tpu.memory_space<hbm>>
      %dma_wait3A_73 = tpu.memref_squeeze %dma_wait3A_72 : memref<1x1x80x125xi32, #tpu.memory_space<hbm>> -> memref<80x125xi32, #tpu.memory_space<hbm>>
      tpu.wait_dma2 semaphore(%run_scoped3A : memref<!tpu.dma_semaphore, #tpu.memory_space<semaphore_mem>>) src(%dma_wait3A_73 : memref<80x125xi32, #tpu.memory_space<hbm>>) dst(%arg8 : memref<80x125xi32, #tpu.memory_space<vmem>>)
      tpu.yield
    }) : () -> ()
    "tpu.region"() ({
      %run_scoped3A = tpu.sem_alloc : memref<!tpu.dma_semaphore, #tpu.memory_space<semaphore_mem>>
      %dma_start3A_59 = arith.constant 0 : i32
      %dma_start3A_60 = arith.constant 0 : i32
      %dma_start3A_61 = tpu.memref_slice %arg5[%arg0, %arg1, %dma_start3A_59, %dma_start3A_60] : memref<2x16x80x125xi32, #tpu.memory_space<hbm>> -> memref<1x1x80x125xi32, #tpu.memory_space<hbm>>
      %dma_start3A_62 = tpu.memref_squeeze %dma_start3A_61 : memref<1x1x80x125xi32, #tpu.memory_space<hbm>> -> memref<80x125xi32, #tpu.memory_space<hbm>>
      %dma_start3A_63 = arith.constant 0 : i32
      %dma_start3A_64 = arith.constant 0 : i32
      %dma_start3A_65 = tpu.memref_slice %arg5[%arg0, %arg1, %dma_start3A_63, %dma_start3A_64] : memref<2x16x80x125xi32, #tpu.memory_space<hbm>> -> memref<1x1x80x125xi32, #tpu.memory_space<hbm>>
      %dma_start3A_66 = tpu.memref_squeeze %dma_start3A_65 : memref<1x1x80x125xi32, #tpu.memory_space<hbm>> -> memref<80x125xi32, #tpu.memory_space<hbm>>
      tpu.enqueue_dma source(%dma_start3A_66 : memref<80x125xi32, #tpu.memory_space<hbm>>) target(%arg9 : memref<80x125xi32, #tpu.memory_space<vmem>>) target_semaphore(%run_scoped3A : memref<!tpu.dma_semaphore, #tpu.memory_space<semaphore_mem>>)
      %dma_wait3A = arith.constant 0 : i32
      %dma_wait3A_67 = arith.constant 0 : i32
      %dma_wait3A_68 = tpu.memref_slice %arg5[%arg0, %arg1, %dma_wait3A, %dma_wait3A_67] : memref<2x16x80x125xi32, #tpu.memory_space<hbm>> -> memref<1x1x80x125xi32, #tpu.memory_space<hbm>>
      %dma_wait3A_69 = tpu.memref_squeeze %dma_wait3A_68 : memref<1x1x80x125xi32, #tpu.memory_space<hbm>> -> memref<80x125xi32, #tpu.memory_space<hbm>>
      %dma_wait3A_70 = arith.constant 0 : i32
      %dma_wait3A_71 = arith.constant 0 : i32
      %dma_wait3A_72 = tpu.memref_slice %arg5[%arg0, %arg1, %dma_wait3A_70, %dma_wait3A_71] : memref<2x16x80x125xi32, #tpu.memory_space<hbm>> -> memref<1x1x80x125xi32, #tpu.memory_space<hbm>>
      %dma_wait3A_73 = tpu.memref_squeeze %dma_wait3A_72 : memref<1x1x80x125xi32, #tpu.memory_space<hbm>> -> memref<80x125xi32, #tpu.memory_space<hbm>>
      tpu.wait_dma2 semaphore(%run_scoped3A : memref<!tpu.dma_semaphore, #tpu.memory_space<semaphore_mem>>) src(%dma_wait3A_73 : memref<80x125xi32, #tpu.memory_space<hbm>>) dst(%arg9 : memref<80x125xi32, #tpu.memory_space<vmem>>)
      tpu.yield
    }) : () -> ()
    %mul3A = arith.constant 640 : i32
    %mul3A_6 = arith.muli %arg1, %mul3A : i32
    %scan3A_7 = arith.constant 0 : i32
    %scan3A_8 = arith.constant 0 : i32
    %scan3A_9 = arith.constant 5 : i32
    %scan3A_10 = arith.addi %scan3A_8, %scan3A_9 : i32
    %scan3A_11 = arith.constant 1 : i32
    scf.for %scan3A_59 = %scan3A_8 to %scan3A_10 step %scan3A_11  : i32 {
      %mul3A_60 = arith.constant 128 : i32
      %mul3A_61 = arith.muli %scan3A_59, %mul3A_60 : i32
      %add3A = arith.addi %mul3A_6, %mul3A_61 : i32
      "tpu.region"() ({
        %run_scoped3A = tpu.sem_alloc : memref<!tpu.dma_semaphore, #tpu.memory_space<semaphore_mem>>
        %dma_start3A_62 = arith.constant 0 : i32
        %dma_start3A_63 = tpu.memref_slice %arg14[%add3A, %dma_start3A_62] : memref<10240x96xf32, #tpu.memory_space<vmem_shared>> -> memref<128x96xf32, #tpu.memory_space<vmem_shared>>
        %dma_start3A_64 = arith.constant 0 : i32
        %dma_start3A_65 = tpu.memref_slice %arg14[%add3A, %dma_start3A_64] : memref<10240x96xf32, #tpu.memory_space<vmem_shared>> -> memref<128x96xf32, #tpu.memory_space<vmem_shared>>
        tpu.enqueue_dma source(%arg12 : memref<128x96xf32, #tpu.memory_space<vmem>>) target(%dma_start3A_65 : memref<128x96xf32, #tpu.memory_space<vmem_shared>>) target_semaphore(%run_scoped3A : memref<!tpu.dma_semaphore, #tpu.memory_space<semaphore_mem>>)
        %dma_wait3A = arith.constant 0 : i32
        %dma_wait3A_66 = tpu.memref_slice %arg14[%add3A, %dma_wait3A] : memref<10240x96xf32, #tpu.memory_space<vmem_shared>> -> memref<128x96xf32, #tpu.memory_space<vmem_shared>>
        %dma_wait3A_67 = arith.constant 0 : i32
        %dma_wait3A_68 = tpu.memref_slice %arg14[%add3A, %dma_wait3A_67] : memref<10240x96xf32, #tpu.memory_space<vmem_shared>> -> memref<128x96xf32, #tpu.memory_space<vmem_shared>>
        tpu.wait_dma2 semaphore(%run_scoped3A : memref<!tpu.dma_semaphore, #tpu.memory_space<semaphore_mem>>) src(%arg12 : memref<128x96xf32, #tpu.memory_space<vmem>>) dst(%dma_wait3A_68 : memref<128x96xf32, #tpu.memory_space<vmem_shared>>)
        tpu.yield
      }) : () -> ()
    }
    %scan3A_12 = arith.constant 5 : i32
    %barrier3A = arith.constant 0 : index
    tpu.barrier barrier_id(%barrier3A)
    %dma_start3A = arith.constant 0 : i32
    %dma_start3A_13 = arith.constant 0 : i32
    %dma_start3A_14 = tpu.memref_slice %arg8[%dma_start3A, %dma_start3A_13] : memref<80x125xi32, #tpu.memory_space<vmem>> -> memref<1x125xi32, #tpu.memory_space<vmem>>
    %dma_start3A_15 = tpu.memref_squeeze %dma_start3A_14 : memref<1x125xi32, #tpu.memory_space<vmem>> -> memref<125xi32, #tpu.memory_space<vmem>>
    %dma_start3A_16 = arith.constant 0 : i32
    %dma_start3A_17 = arith.constant 0 : i32
    %dma_start3A_18 = tpu.memref_slice %arg2[%dma_start3A_16, %dma_start3A_17] : memref<10000x96xf32, #tpu.memory_space<hbm>> -> memref<10000x96xf32, #tpu.memory_space<hbm>>
    tpu.enqueue_indirect_dma source(%dma_start3A_18 : memref<10000x96xf32, #tpu.memory_space<hbm>>) target(%arg10 : memref<125x96xf32, #tpu.memory_space<vmem>>) offsets(%dma_start3A_15 : memref<125xi32, #tpu.memory_space<vmem>>) semaphore(%arg15 : memref<!tpu.dma_semaphore, #tpu.memory_space<semaphore_mem>>)
    %scan3A_19 = arith.constant 0 : i32
    %scan3A_20 = arith.constant 0 : i32
    %scan3A_21 = arith.constant 40 : i32
    %scan3A_22 = arith.addi %scan3A_20, %scan3A_21 : i32
    %scan3A_23 = arith.constant 1 : i32
    scf.for %scan3A_59 = %scan3A_20 to %scan3A_22 step %scan3A_23  : i32 {
      %mul3A_60 = arith.constant 2 : i32
      %mul3A_61 = arith.muli %mul3A_60, %scan3A_59 : i32
      %add3A = arith.constant 1 : i32
      %add3A_62 = arith.addi %mul3A_61, %add3A : i32
      %dma_start3A_63 = arith.constant 0 : i32
      %dma_start3A_64 = tpu.memref_slice %arg8[%add3A_62, %dma_start3A_63] : memref<80x125xi32, #tpu.memory_space<vmem>> -> memref<1x125xi32, #tpu.memory_space<vmem>>
      %dma_start3A_65 = tpu.memref_squeeze %dma_start3A_64 : memref<1x125xi32, #tpu.memory_space<vmem>> -> memref<125xi32, #tpu.memory_space<vmem>>
      %dma_start3A_66 = arith.constant 0 : i32
      %dma_start3A_67 = arith.constant 0 : i32
      %dma_start3A_68 = tpu.memref_slice %arg2[%dma_start3A_66, %dma_start3A_67] : memref<10000x96xf32, #tpu.memory_space<hbm>> -> memref<10000x96xf32, #tpu.memory_space<hbm>>
      tpu.enqueue_indirect_dma source(%dma_start3A_68 : memref<10000x96xf32, #tpu.memory_space<hbm>>) target(%arg11 : memref<125x96xf32, #tpu.memory_space<vmem>>) offsets(%dma_start3A_65 : memref<125xi32, #tpu.memory_space<vmem>>) semaphore(%arg16 : memref<!tpu.dma_semaphore, #tpu.memory_space<semaphore_mem>>)
      %dma_wait3A = arith.constant 0 : i32
      %dma_wait3A_69 = tpu.memref_slice %arg8[%mul3A_61, %dma_wait3A] : memref<80x125xi32, #tpu.memory_space<vmem>> -> memref<1x125xi32, #tpu.memory_space<vmem>>
      %dma_wait3A_70 = tpu.memref_squeeze %dma_wait3A_69 : memref<1x125xi32, #tpu.memory_space<vmem>> -> memref<125xi32, #tpu.memory_space<vmem>>
      %dma_wait3A_71 = arith.constant 0 : i32
      %dma_wait3A_72 = arith.constant 0 : i32
      %dma_wait3A_73 = tpu.memref_slice %arg2[%dma_wait3A_71, %dma_wait3A_72] : memref<10000x96xf32, #tpu.memory_space<hbm>> -> memref<10000x96xf32, #tpu.memory_space<hbm>>
      tpu.wait_indirect_dma semaphore(%arg15 : memref<!tpu.dma_semaphore, #tpu.memory_space<semaphore_mem>>) src(%dma_wait3A_73 : memref<10000x96xf32, #tpu.memory_space<hbm>>) dst(%arg10 : memref<125x96xf32, #tpu.memory_space<vmem>>)
      "tpu.region"() ({
        %run_scoped3A = tpu.sem_alloc : memref<!tpu.dma_semaphore, #tpu.memory_space<semaphore_mem>>
        %dma_start3A_88 = arith.constant 0 : i32
        %dma_start3A_89 = tpu.memref_slice %arg9[%mul3A_61, %dma_start3A_88] : memref<80x125xi32, #tpu.memory_space<vmem>> -> memref<1x125xi32, #tpu.memory_space<vmem>>
        %dma_start3A_90 = tpu.memref_squeeze %dma_start3A_89 : memref<1x125xi32, #tpu.memory_space<vmem>> -> memref<125xi32, #tpu.memory_space<vmem>>
        %dma_start3A_91 = arith.constant 0 : i32
        %dma_start3A_92 = arith.constant 0 : i32
        %dma_start3A_93 = tpu.memref_slice %arg14[%dma_start3A_91, %dma_start3A_92] : memref<10240x96xf32, #tpu.memory_space<vmem_shared>> -> memref<10240x96xf32, #tpu.memory_space<vmem_shared>>
        tpu.enqueue_indirect_dma source(%arg10 : memref<125x96xf32, #tpu.memory_space<vmem>>) target(%dma_start3A_93 : memref<10240x96xf32, #tpu.memory_space<vmem_shared>>) offsets(%dma_start3A_90 : memref<125xi32, #tpu.memory_space<vmem>>) semaphore(%run_scoped3A : memref<!tpu.dma_semaphore, #tpu.memory_space<semaphore_mem>>) {add = true}
        %dma_wait3A_94 = arith.constant 0 : i32
        %dma_wait3A_95 = tpu.memref_slice %arg9[%mul3A_61, %dma_wait3A_94] : memref<80x125xi32, #tpu.memory_space<vmem>> -> memref<1x125xi32, #tpu.memory_space<vmem>>
        %dma_wait3A_96 = tpu.memref_squeeze %dma_wait3A_95 : memref<1x125xi32, #tpu.memory_space<vmem>> -> memref<125xi32, #tpu.memory_space<vmem>>
        %dma_wait3A_97 = arith.constant 0 : i32
        %dma_wait3A_98 = arith.constant 0 : i32
        %dma_wait3A_99 = tpu.memref_slice %arg14[%dma_wait3A_97, %dma_wait3A_98] : memref<10240x96xf32, #tpu.memory_space<vmem_shared>> -> memref<10240x96xf32, #tpu.memory_space<vmem_shared>>
        tpu.wait_indirect_dma semaphore(%run_scoped3A : memref<!tpu.dma_semaphore, #tpu.memory_space<semaphore_mem>>) src(%arg10 : memref<125x96xf32, #tpu.memory_space<vmem>>) dst(%dma_wait3A_99 : memref<10240x96xf32, #tpu.memory_space<vmem_shared>>)
        tpu.yield
      }) : () -> ()
      %add3A_74 = arith.constant 2 : i32
      %add3A_75 = arith.addi %mul3A_61, %add3A_74 : i32
      %lt3A = arith.constant 80 : i32
      %lt3A_76 = arith.cmpi slt, %add3A_75, %lt3A : i32
      %convert_element_type3A = arith.extui %lt3A_76 : i1 to i32
      %cond3A = arith.constant 0 : i32
      %cond3A_77 = arith.cmpi ne, %convert_element_type3A, %cond3A : i32
      scf.if %cond3A_77 {
        %add3A_88 = arith.constant 2 : i32
        %add3A_89 = arith.addi %mul3A_61, %add3A_88 : i32
        %dma_start3A_90 = arith.constant 0 : i32
        %dma_start3A_91 = tpu.memref_slice %arg8[%add3A_89, %dma_start3A_90] : memref<80x125xi32, #tpu.memory_space<vmem>> -> memref<1x125xi32, #tpu.memory_space<vmem>>
        %dma_start3A_92 = tpu.memref_squeeze %dma_start3A_91 : memref<1x125xi32, #tpu.memory_space<vmem>> -> memref<125xi32, #tpu.memory_space<vmem>>
        %dma_start3A_93 = arith.constant 0 : i32
        %dma_start3A_94 = arith.constant 0 : i32
        %dma_start3A_95 = tpu.memref_slice %arg2[%dma_start3A_93, %dma_start3A_94] : memref<10000x96xf32, #tpu.memory_space<hbm>> -> memref<10000x96xf32, #tpu.memory_space<hbm>>
        tpu.enqueue_indirect_dma source(%dma_start3A_95 : memref<10000x96xf32, #tpu.memory_space<hbm>>) target(%arg10 : memref<125x96xf32, #tpu.memory_space<vmem>>) offsets(%dma_start3A_92 : memref<125xi32, #tpu.memory_space<vmem>>) semaphore(%arg15 : memref<!tpu.dma_semaphore, #tpu.memory_space<semaphore_mem>>)
      } else {
      }
      %add3A_78 = arith.constant 1 : i32
      %add3A_79 = arith.addi %mul3A_61, %add3A_78 : i32
      %dma_wait3A_80 = arith.constant 0 : i32
      %dma_wait3A_81 = tpu.memref_slice %arg8[%add3A_79, %dma_wait3A_80] : memref<80x125xi32, #tpu.memory_space<vmem>> -> memref<1x125xi32, #tpu.memory_space<vmem>>
      %dma_wait3A_82 = tpu.memref_squeeze %dma_wait3A_81 : memref<1x125xi32, #tpu.memory_space<vmem>> -> memref<125xi32, #tpu.memory_space<vmem>>
      %dma_wait3A_83 = arith.constant 0 : i32
      %dma_wait3A_84 = arith.constant 0 : i32
      %dma_wait3A_85 = tpu.memref_slice %arg2[%dma_wait3A_83, %dma_wait3A_84] : memref<10000x96xf32, #tpu.memory_space<hbm>> -> memref<10000x96xf32, #tpu.memory_space<hbm>>
      tpu.wait_indirect_dma semaphore(%arg16 : memref<!tpu.dma_semaphore, #tpu.memory_space<semaphore_mem>>) src(%dma_wait3A_85 : memref<10000x96xf32, #tpu.memory_space<hbm>>) dst(%arg11 : memref<125x96xf32, #tpu.memory_space<vmem>>)
      %add3A_86 = arith.constant 1 : i32
      %add3A_87 = arith.addi %mul3A_61, %add3A_86 : i32
      "tpu.region"() ({
        %run_scoped3A = tpu.sem_alloc : memref<!tpu.dma_semaphore, #tpu.memory_space<semaphore_mem>>
        %dma_start3A_88 = arith.constant 0 : i32
        %dma_start3A_89 = tpu.memref_slice %arg9[%add3A_87, %dma_start3A_88] : memref<80x125xi32, #tpu.memory_space<vmem>> -> memref<1x125xi32, #tpu.memory_space<vmem>>
        %dma_start3A_90 = tpu.memref_squeeze %dma_start3A_89 : memref<1x125xi32, #tpu.memory_space<vmem>> -> memref<125xi32, #tpu.memory_space<vmem>>
        %dma_start3A_91 = arith.constant 0 : i32
        %dma_start3A_92 = arith.constant 0 : i32
        %dma_start3A_93 = tpu.memref_slice %arg14[%dma_start3A_91, %dma_start3A_92] : memref<10240x96xf32, #tpu.memory_space<vmem_shared>> -> memref<10240x96xf32, #tpu.memory_space<vmem_shared>>
        tpu.enqueue_indirect_dma source(%arg11 : memref<125x96xf32, #tpu.memory_space<vmem>>) target(%dma_start3A_93 : memref<10240x96xf32, #tpu.memory_space<vmem_shared>>) offsets(%dma_start3A_90 : memref<125xi32, #tpu.memory_space<vmem>>) semaphore(%run_scoped3A : memref<!tpu.dma_semaphore, #tpu.memory_space<semaphore_mem>>) {add = true}
        %dma_wait3A_94 = arith.constant 0 : i32
        %dma_wait3A_95 = tpu.memref_slice %arg9[%add3A_87, %dma_wait3A_94] : memref<80x125xi32, #tpu.memory_space<vmem>> -> memref<1x125xi32, #tpu.memory_space<vmem>>
        %dma_wait3A_96 = tpu.memref_squeeze %dma_wait3A_95 : memref<1x125xi32, #tpu.memory_space<vmem>> -> memref<125xi32, #tpu.memory_space<vmem>>
        %dma_wait3A_97 = arith.constant 0 : i32
        %dma_wait3A_98 = arith.constant 0 : i32
        %dma_wait3A_99 = tpu.memref_slice %arg14[%dma_wait3A_97, %dma_wait3A_98] : memref<10240x96xf32, #tpu.memory_space<vmem_shared>> -> memref<10240x96xf32, #tpu.memory_space<vmem_shared>>
        tpu.wait_indirect_dma semaphore(%run_scoped3A : memref<!tpu.dma_semaphore, #tpu.memory_space<semaphore_mem>>) src(%arg11 : memref<125x96xf32, #tpu.memory_space<vmem>>) dst(%dma_wait3A_99 : memref<10240x96xf32, #tpu.memory_space<vmem_shared>>)
        tpu.yield
      }) : () -> ()
    }
    %scan3A_24 = arith.constant 40 : i32
    %barrier3A_25 = arith.constant 0 : index
    tpu.barrier barrier_id(%barrier3A_25)
    %scan3A_26 = arith.constant 0 : i32
    %scan3A_27 = arith.constant 0 : i32
    %scan3A_28 = arith.constant 5 : i32
    %scan3A_29 = arith.addi %scan3A_27, %scan3A_28 : i32
    %scan3A_30 = arith.constant 1 : i32
    scf.for %scan3A_59 = %scan3A_27 to %scan3A_29 step %scan3A_30  : i32 {
      %mul3A_60 = arith.constant 128 : i32
      %mul3A_61 = arith.muli %scan3A_59, %mul3A_60 : i32
      %add3A = arith.addi %mul3A_6, %mul3A_61 : i32
      "tpu.region"() ({
        %run_scoped3A = tpu.sem_alloc : memref<!tpu.dma_semaphore, #tpu.memory_space<semaphore_mem>>
        %dma_start3A_62 = arith.constant 0 : i32
        %dma_start3A_63 = tpu.memref_slice %arg14[%add3A, %dma_start3A_62] : memref<10240x96xf32, #tpu.memory_space<vmem_shared>> -> memref<128x96xf32, #tpu.memory_space<vmem_shared>>
        %dma_start3A_64 = arith.constant 0 : i32
        %dma_start3A_65 = tpu.memref_slice %arg14[%add3A, %dma_start3A_64] : memref<10240x96xf32, #tpu.memory_space<vmem_shared>> -> memref<128x96xf32, #tpu.memory_space<vmem_shared>>
        tpu.enqueue_dma source(%dma_start3A_65 : memref<128x96xf32, #tpu.memory_space<vmem_shared>>) target(%arg13 : memref<128x96xf32, #tpu.memory_space<vmem>>) target_semaphore(%run_scoped3A : memref<!tpu.dma_semaphore, #tpu.memory_space<semaphore_mem>>)
        %dma_wait3A = arith.constant 0 : i32
        %dma_wait3A_66 = tpu.memref_slice %arg14[%add3A, %dma_wait3A] : memref<10240x96xf32, #tpu.memory_space<vmem_shared>> -> memref<128x96xf32, #tpu.memory_space<vmem_shared>>
        %dma_wait3A_67 = arith.constant 0 : i32
        %dma_wait3A_68 = tpu.memref_slice %arg14[%add3A, %dma_wait3A_67] : memref<10240x96xf32, #tpu.memory_space<vmem_shared>> -> memref<128x96xf32, #tpu.memory_space<vmem_shared>>
        tpu.wait_dma2 semaphore(%run_scoped3A : memref<!tpu.dma_semaphore, #tpu.memory_space<semaphore_mem>>) src(%dma_wait3A_68 : memref<128x96xf32, #tpu.memory_space<vmem_shared>>) dst(%arg13 : memref<128x96xf32, #tpu.memory_space<vmem>>)
        tpu.yield
      }) : () -> ()
      "tpu.region"() ({
        %run_scoped3A = tpu.sem_alloc : memref<!tpu.dma_semaphore, #tpu.memory_space<semaphore_mem>>
        %dma_start3A_62 = arith.constant 0 : i32
        %dma_start3A_63 = tpu.memref_slice %arg6[%arg0, %add3A, %dma_start3A_62] : memref<2x10240x96xf32, #tpu.memory_space<hbm>> -> memref<1x128x96xf32, #tpu.memory_space<hbm>>
        %dma_start3A_64 = tpu.memref_squeeze %dma_start3A_63 : memref<1x128x96xf32, #tpu.memory_space<hbm>> -> memref<128x96xf32, #tpu.memory_space<hbm>>
        %dma_start3A_65 = arith.constant 0 : i32
        %dma_start3A_66 = tpu.memref_slice %arg6[%arg0, %add3A, %dma_start3A_65] : memref<2x10240x96xf32, #tpu.memory_space<hbm>> -> memref<1x128x96xf32, #tpu.memory_space<hbm>>
        %dma_start3A_67 = tpu.memref_squeeze %dma_start3A_66 : memref<1x128x96xf32, #tpu.memory_space<hbm>> -> memref<128x96xf32, #tpu.memory_space<hbm>>
        tpu.enqueue_dma source(%arg13 : memref<128x96xf32, #tpu.memory_space<vmem>>) target(%dma_start3A_67 : memref<128x96xf32, #tpu.memory_space<hbm>>) target_semaphore(%run_scoped3A : memref<!tpu.dma_semaphore, #tpu.memory_space<semaphore_mem>>)
        %dma_wait3A = arith.constant 0 : i32
        %dma_wait3A_68 = tpu.memref_slice %arg6[%arg0, %add3A, %dma_wait3A] : memref<2x10240x96xf32, #tpu.memory_space<hbm>> -> memref<1x128x96xf32, #tpu.memory_space<hbm>>
        %dma_wait3A_69 = tpu.memref_squeeze %dma_wait3A_68 : memref<1x128x96xf32, #tpu.memory_space<hbm>> -> memref<128x96xf32, #tpu.memory_space<hbm>>
        %dma_wait3A_70 = arith.constant 0 : i32
        %dma_wait3A_71 = tpu.memref_slice %arg6[%arg0, %add3A, %dma_wait3A_70] : memref<2x10240x96xf32, #tpu.memory_space<hbm>> -> memref<1x128x96xf32, #tpu.memory_space<hbm>>
        %dma_wait3A_72 = tpu.memref_squeeze %dma_wait3A_71 : memref<1x128x96xf32, #tpu.memory_space<hbm>> -> memref<128x96xf32, #tpu.memory_space<hbm>>
        tpu.wait_dma2 semaphore(%run_scoped3A : memref<!tpu.dma_semaphore, #tpu.memory_space<semaphore_mem>>) src(%arg13 : memref<128x96xf32, #tpu.memory_space<vmem>>) dst(%dma_wait3A_72 : memref<128x96xf32, #tpu.memory_space<hbm>>)
        tpu.yield
      }) : () -> ()
    }
    %scan3A_31 = arith.constant 5 : i32
    %scan3A_32 = arith.constant 0 : i32
    %scan3A_33 = arith.constant 0 : i32
    %scan3A_34 = arith.constant 5 : i32
    %scan3A_35 = arith.addi %scan3A_33, %scan3A_34 : i32
    %scan3A_36 = arith.constant 1 : i32
    scf.for %scan3A_59 = %scan3A_33 to %scan3A_35 step %scan3A_36  : i32 {
      %mul3A_60 = arith.constant 128 : i32
      %mul3A_61 = arith.muli %scan3A_59, %mul3A_60 : i32
      %add3A = arith.addi %mul3A_6, %mul3A_61 : i32
      "tpu.region"() ({
        %run_scoped3A = tpu.sem_alloc : memref<!tpu.dma_semaphore, #tpu.memory_space<semaphore_mem>>
        %dma_start3A_62 = arith.constant 0 : i32
        %dma_start3A_63 = tpu.memref_slice %arg14[%add3A, %dma_start3A_62] : memref<10240x96xf32, #tpu.memory_space<vmem_shared>> -> memref<128x96xf32, #tpu.memory_space<vmem_shared>>
        %dma_start3A_64 = arith.constant 0 : i32
        %dma_start3A_65 = tpu.memref_slice %arg14[%add3A, %dma_start3A_64] : memref<10240x96xf32, #tpu.memory_space<vmem_shared>> -> memref<128x96xf32, #tpu.memory_space<vmem_shared>>
        tpu.enqueue_dma source(%arg12 : memref<128x96xf32, #tpu.memory_space<vmem>>) target(%dma_start3A_65 : memref<128x96xf32, #tpu.memory_space<vmem_shared>>) target_semaphore(%run_scoped3A : memref<!tpu.dma_semaphore, #tpu.memory_space<semaphore_mem>>)
        %dma_wait3A = arith.constant 0 : i32
        %dma_wait3A_66 = tpu.memref_slice %arg14[%add3A, %dma_wait3A] : memref<10240x96xf32, #tpu.memory_space<vmem_shared>> -> memref<128x96xf32, #tpu.memory_space<vmem_shared>>
        %dma_wait3A_67 = arith.constant 0 : i32
        %dma_wait3A_68 = tpu.memref_slice %arg14[%add3A, %dma_wait3A_67] : memref<10240x96xf32, #tpu.memory_space<vmem_shared>> -> memref<128x96xf32, #tpu.memory_space<vmem_shared>>
        tpu.wait_dma2 semaphore(%run_scoped3A : memref<!tpu.dma_semaphore, #tpu.memory_space<semaphore_mem>>) src(%arg12 : memref<128x96xf32, #tpu.memory_space<vmem>>) dst(%dma_wait3A_68 : memref<128x96xf32, #tpu.memory_space<vmem_shared>>)
        tpu.yield
      }) : () -> ()
    }
    %scan3A_37 = arith.constant 5 : i32
    %barrier3A_38 = arith.constant 0 : index
    tpu.barrier barrier_id(%barrier3A_38)
    %dma_start3A_39 = arith.constant 0 : i32
    %dma_start3A_40 = arith.constant 0 : i32
    %dma_start3A_41 = tpu.memref_slice %arg8[%dma_start3A_39, %dma_start3A_40] : memref<80x125xi32, #tpu.memory_space<vmem>> -> memref<1x125xi32, #tpu.memory_space<vmem>>
    %dma_start3A_42 = tpu.memref_squeeze %dma_start3A_41 : memref<1x125xi32, #tpu.memory_space<vmem>> -> memref<125xi32, #tpu.memory_space<vmem>>
    %dma_start3A_43 = arith.constant 0 : i32
    %dma_start3A_44 = arith.constant 0 : i32
    %dma_start3A_45 = tpu.memref_slice %arg3[%dma_start3A_43, %dma_start3A_44] : memref<10000x96xf32, #tpu.memory_space<hbm>> -> memref<10000x96xf32, #tpu.memory_space<hbm>>
    tpu.enqueue_indirect_dma source(%dma_start3A_45 : memref<10000x96xf32, #tpu.memory_space<hbm>>) target(%arg10 : memref<125x96xf32, #tpu.memory_space<vmem>>) offsets(%dma_start3A_42 : memref<125xi32, #tpu.memory_space<vmem>>) semaphore(%arg15 : memref<!tpu.dma_semaphore, #tpu.memory_space<semaphore_mem>>)
    %scan3A_46 = arith.constant 0 : i32
    %scan3A_47 = arith.constant 0 : i32
    %scan3A_48 = arith.constant 40 : i32
    %scan3A_49 = arith.addi %scan3A_47, %scan3A_48 : i32
    %scan3A_50 = arith.constant 1 : i32
    scf.for %scan3A_59 = %scan3A_47 to %scan3A_49 step %scan3A_50  : i32 {
      %mul3A_60 = arith.constant 2 : i32
      %mul3A_61 = arith.muli %mul3A_60, %scan3A_59 : i32
      %add3A = arith.constant 1 : i32
      %add3A_62 = arith.addi %mul3A_61, %add3A : i32
      %dma_start3A_63 = arith.constant 0 : i32
      %dma_start3A_64 = tpu.memref_slice %arg8[%add3A_62, %dma_start3A_63] : memref<80x125xi32, #tpu.memory_space<vmem>> -> memref<1x125xi32, #tpu.memory_space<vmem>>
      %dma_start3A_65 = tpu.memref_squeeze %dma_start3A_64 : memref<1x125xi32, #tpu.memory_space<vmem>> -> memref<125xi32, #tpu.memory_space<vmem>>
      %dma_start3A_66 = arith.constant 0 : i32
      %dma_start3A_67 = arith.constant 0 : i32
      %dma_start3A_68 = tpu.memref_slice %arg3[%dma_start3A_66, %dma_start3A_67] : memref<10000x96xf32, #tpu.memory_space<hbm>> -> memref<10000x96xf32, #tpu.memory_space<hbm>>
      tpu.enqueue_indirect_dma source(%dma_start3A_68 : memref<10000x96xf32, #tpu.memory_space<hbm>>) target(%arg11 : memref<125x96xf32, #tpu.memory_space<vmem>>) offsets(%dma_start3A_65 : memref<125xi32, #tpu.memory_space<vmem>>) semaphore(%arg16 : memref<!tpu.dma_semaphore, #tpu.memory_space<semaphore_mem>>)
      %dma_wait3A = arith.constant 0 : i32
      %dma_wait3A_69 = tpu.memref_slice %arg8[%mul3A_61, %dma_wait3A] : memref<80x125xi32, #tpu.memory_space<vmem>> -> memref<1x125xi32, #tpu.memory_space<vmem>>
      %dma_wait3A_70 = tpu.memref_squeeze %dma_wait3A_69 : memref<1x125xi32, #tpu.memory_space<vmem>> -> memref<125xi32, #tpu.memory_space<vmem>>
      %dma_wait3A_71 = arith.constant 0 : i32
      %dma_wait3A_72 = arith.constant 0 : i32
      %dma_wait3A_73 = tpu.memref_slice %arg3[%dma_wait3A_71, %dma_wait3A_72] : memref<10000x96xf32, #tpu.memory_space<hbm>> -> memref<10000x96xf32, #tpu.memory_space<hbm>>
      tpu.wait_indirect_dma semaphore(%arg15 : memref<!tpu.dma_semaphore, #tpu.memory_space<semaphore_mem>>) src(%dma_wait3A_73 : memref<10000x96xf32, #tpu.memory_space<hbm>>) dst(%arg10 : memref<125x96xf32, #tpu.memory_space<vmem>>)
      "tpu.region"() ({
        %run_scoped3A = tpu.sem_alloc : memref<!tpu.dma_semaphore, #tpu.memory_space<semaphore_mem>>
        %dma_start3A_88 = arith.constant 0 : i32
        %dma_start3A_89 = tpu.memref_slice %arg9[%mul3A_61, %dma_start3A_88] : memref<80x125xi32, #tpu.memory_space<vmem>> -> memref<1x125xi32, #tpu.memory_space<vmem>>
        %dma_start3A_90 = tpu.memref_squeeze %dma_start3A_89 : memref<1x125xi32, #tpu.memory_space<vmem>> -> memref<125xi32, #tpu.memory_space<vmem>>
        %dma_start3A_91 = arith.constant 0 : i32
        %dma_start3A_92 = arith.constant 0 : i32
        %dma_start3A_93 = tpu.memref_slice %arg14[%dma_start3A_91, %dma_start3A_92] : memref<10240x96xf32, #tpu.memory_space<vmem_shared>> -> memref<10240x96xf32, #tpu.memory_space<vmem_shared>>
        tpu.enqueue_indirect_dma source(%arg10 : memref<125x96xf32, #tpu.memory_space<vmem>>) target(%dma_start3A_93 : memref<10240x96xf32, #tpu.memory_space<vmem_shared>>) offsets(%dma_start3A_90 : memref<125xi32, #tpu.memory_space<vmem>>) semaphore(%run_scoped3A : memref<!tpu.dma_semaphore, #tpu.memory_space<semaphore_mem>>) {add = true}
        %dma_wait3A_94 = arith.constant 0 : i32
        %dma_wait3A_95 = tpu.memref_slice %arg9[%mul3A_61, %dma_wait3A_94] : memref<80x125xi32, #tpu.memory_space<vmem>> -> memref<1x125xi32, #tpu.memory_space<vmem>>
        %dma_wait3A_96 = tpu.memref_squeeze %dma_wait3A_95 : memref<1x125xi32, #tpu.memory_space<vmem>> -> memref<125xi32, #tpu.memory_space<vmem>>
        %dma_wait3A_97 = arith.constant 0 : i32
        %dma_wait3A_98 = arith.constant 0 : i32
        %dma_wait3A_99 = tpu.memref_slice %arg14[%dma_wait3A_97, %dma_wait3A_98] : memref<10240x96xf32, #tpu.memory_space<vmem_shared>> -> memref<10240x96xf32, #tpu.memory_space<vmem_shared>>
        tpu.wait_indirect_dma semaphore(%run_scoped3A : memref<!tpu.dma_semaphore, #tpu.memory_space<semaphore_mem>>) src(%arg10 : memref<125x96xf32, #tpu.memory_space<vmem>>) dst(%dma_wait3A_99 : memref<10240x96xf32, #tpu.memory_space<vmem_shared>>)
        tpu.yield
      }) : () -> ()
      %add3A_74 = arith.constant 2 : i32
      %add3A_75 = arith.addi %mul3A_61, %add3A_74 : i32
      %lt3A = arith.constant 80 : i32
      %lt3A_76 = arith.cmpi slt, %add3A_75, %lt3A : i32
      %convert_element_type3A = arith.extui %lt3A_76 : i1 to i32
      %cond3A = arith.constant 0 : i32
      %cond3A_77 = arith.cmpi ne, %convert_element_type3A, %cond3A : i32
      scf.if %cond3A_77 {
        %add3A_88 = arith.constant 2 : i32
        %add3A_89 = arith.addi %mul3A_61, %add3A_88 : i32
        %dma_start3A_90 = arith.constant 0 : i32
        %dma_start3A_91 = tpu.memref_slice %arg8[%add3A_89, %dma_start3A_90] : memref<80x125xi32, #tpu.memory_space<vmem>> -> memref<1x125xi32, #tpu.memory_space<vmem>>
        %dma_start3A_92 = tpu.memref_squeeze %dma_start3A_91 : memref<1x125xi32, #tpu.memory_space<vmem>> -> memref<125xi32, #tpu.memory_space<vmem>>
        %dma_start3A_93 = arith.constant 0 : i32
        %dma_start3A_94 = arith.constant 0 : i32
        %dma_start3A_95 = tpu.memref_slice %arg3[%dma_start3A_93, %dma_start3A_94] : memref<10000x96xf32, #tpu.memory_space<hbm>> -> memref<10000x96xf32, #tpu.memory_space<hbm>>
        tpu.enqueue_indirect_dma source(%dma_start3A_95 : memref<10000x96xf32, #tpu.memory_space<hbm>>) target(%arg10 : memref<125x96xf32, #tpu.memory_space<vmem>>) offsets(%dma_start3A_92 : memref<125xi32, #tpu.memory_space<vmem>>) semaphore(%arg15 : memref<!tpu.dma_semaphore, #tpu.memory_space<semaphore_mem>>)
      } else {
      }
      %add3A_78 = arith.constant 1 : i32
      %add3A_79 = arith.addi %mul3A_61, %add3A_78 : i32
      %dma_wait3A_80 = arith.constant 0 : i32
      %dma_wait3A_81 = tpu.memref_slice %arg8[%add3A_79, %dma_wait3A_80] : memref<80x125xi32, #tpu.memory_space<vmem>> -> memref<1x125xi32, #tpu.memory_space<vmem>>
      %dma_wait3A_82 = tpu.memref_squeeze %dma_wait3A_81 : memref<1x125xi32, #tpu.memory_space<vmem>> -> memref<125xi32, #tpu.memory_space<vmem>>
      %dma_wait3A_83 = arith.constant 0 : i32
      %dma_wait3A_84 = arith.constant 0 : i32
      %dma_wait3A_85 = tpu.memref_slice %arg3[%dma_wait3A_83, %dma_wait3A_84] : memref<10000x96xf32, #tpu.memory_space<hbm>> -> memref<10000x96xf32, #tpu.memory_space<hbm>>
      tpu.wait_indirect_dma semaphore(%arg16 : memref<!tpu.dma_semaphore, #tpu.memory_space<semaphore_mem>>) src(%dma_wait3A_85 : memref<10000x96xf32, #tpu.memory_space<hbm>>) dst(%arg11 : memref<125x96xf32, #tpu.memory_space<vmem>>)
      %add3A_86 = arith.constant 1 : i32
      %add3A_87 = arith.addi %mul3A_61, %add3A_86 : i32
      "tpu.region"() ({
        %run_scoped3A = tpu.sem_alloc : memref<!tpu.dma_semaphore, #tpu.memory_space<semaphore_mem>>
        %dma_start3A_88 = arith.constant 0 : i32
        %dma_start3A_89 = tpu.memref_slice %arg9[%add3A_87, %dma_start3A_88] : memref<80x125xi32, #tpu.memory_space<vmem>> -> memref<1x125xi32, #tpu.memory_space<vmem>>
        %dma_start3A_90 = tpu.memref_squeeze %dma_start3A_89 : memref<1x125xi32, #tpu.memory_space<vmem>> -> memref<125xi32, #tpu.memory_space<vmem>>
        %dma_start3A_91 = arith.constant 0 : i32
        %dma_start3A_92 = arith.constant 0 : i32
        %dma_start3A_93 = tpu.memref_slice %arg14[%dma_start3A_91, %dma_start3A_92] : memref<10240x96xf32, #tpu.memory_space<vmem_shared>> -> memref<10240x96xf32, #tpu.memory_space<vmem_shared>>
        tpu.enqueue_indirect_dma source(%arg11 : memref<125x96xf32, #tpu.memory_space<vmem>>) target(%dma_start3A_93 : memref<10240x96xf32, #tpu.memory_space<vmem_shared>>) offsets(%dma_start3A_90 : memref<125xi32, #tpu.memory_space<vmem>>) semaphore(%run_scoped3A : memref<!tpu.dma_semaphore, #tpu.memory_space<semaphore_mem>>) {add = true}
        %dma_wait3A_94 = arith.constant 0 : i32
        %dma_wait3A_95 = tpu.memref_slice %arg9[%add3A_87, %dma_wait3A_94] : memref<80x125xi32, #tpu.memory_space<vmem>> -> memref<1x125xi32, #tpu.memory_space<vmem>>
        %dma_wait3A_96 = tpu.memref_squeeze %dma_wait3A_95 : memref<1x125xi32, #tpu.memory_space<vmem>> -> memref<125xi32, #tpu.memory_space<vmem>>
        %dma_wait3A_97 = arith.constant 0 : i32
        %dma_wait3A_98 = arith.constant 0 : i32
        %dma_wait3A_99 = tpu.memref_slice %arg14[%dma_wait3A_97, %dma_wait3A_98] : memref<10240x96xf32, #tpu.memory_space<vmem_shared>> -> memref<10240x96xf32, #tpu.memory_space<vmem_shared>>
        tpu.wait_indirect_dma semaphore(%run_scoped3A : memref<!tpu.dma_semaphore, #tpu.memory_space<semaphore_mem>>) src(%arg11 : memref<125x96xf32, #tpu.memory_space<vmem>>) dst(%dma_wait3A_99 : memref<10240x96xf32, #tpu.memory_space<vmem_shared>>)
        tpu.yield
      }) : () -> ()
    }
    %scan3A_51 = arith.constant 40 : i32
    %barrier3A_52 = arith.constant 0 : index
    tpu.barrier barrier_id(%barrier3A_52)
    %scan3A_53 = arith.constant 0 : i32
    %scan3A_54 = arith.constant 0 : i32
    %scan3A_55 = arith.constant 5 : i32
    %scan3A_56 = arith.addi %scan3A_54, %scan3A_55 : i32
    %scan3A_57 = arith.constant 1 : i32
    scf.for %scan3A_59 = %scan3A_54 to %scan3A_56 step %scan3A_57  : i32 {
      %mul3A_60 = arith.constant 128 : i32
      %mul3A_61 = arith.muli %scan3A_59, %mul3A_60 : i32
      %add3A = arith.addi %mul3A_6, %mul3A_61 : i32
      "tpu.region"() ({
        %run_scoped3A = tpu.sem_alloc : memref<!tpu.dma_semaphore, #tpu.memory_space<semaphore_mem>>
        %dma_start3A_62 = arith.constant 0 : i32
        %dma_start3A_63 = tpu.memref_slice %arg14[%add3A, %dma_start3A_62] : memref<10240x96xf32, #tpu.memory_space<vmem_shared>> -> memref<128x96xf32, #tpu.memory_space<vmem_shared>>
        %dma_start3A_64 = arith.constant 0 : i32
        %dma_start3A_65 = tpu.memref_slice %arg14[%add3A, %dma_start3A_64] : memref<10240x96xf32, #tpu.memory_space<vmem_shared>> -> memref<128x96xf32, #tpu.memory_space<vmem_shared>>
        tpu.enqueue_dma source(%dma_start3A_65 : memref<128x96xf32, #tpu.memory_space<vmem_shared>>) target(%arg13 : memref<128x96xf32, #tpu.memory_space<vmem>>) target_semaphore(%run_scoped3A : memref<!tpu.dma_semaphore, #tpu.memory_space<semaphore_mem>>)
        %dma_wait3A = arith.constant 0 : i32
        %dma_wait3A_66 = tpu.memref_slice %arg14[%add3A, %dma_wait3A] : memref<10240x96xf32, #tpu.memory_space<vmem_shared>> -> memref<128x96xf32, #tpu.memory_space<vmem_shared>>
        %dma_wait3A_67 = arith.constant 0 : i32
        %dma_wait3A_68 = tpu.memref_slice %arg14[%add3A, %dma_wait3A_67] : memref<10240x96xf32, #tpu.memory_space<vmem_shared>> -> memref<128x96xf32, #tpu.memory_space<vmem_shared>>
        tpu.wait_dma2 semaphore(%run_scoped3A : memref<!tpu.dma_semaphore, #tpu.memory_space<semaphore_mem>>) src(%dma_wait3A_68 : memref<128x96xf32, #tpu.memory_space<vmem_shared>>) dst(%arg13 : memref<128x96xf32, #tpu.memory_space<vmem>>)
        tpu.yield
      }) : () -> ()
      "tpu.region"() ({
        %run_scoped3A = tpu.sem_alloc : memref<!tpu.dma_semaphore, #tpu.memory_space<semaphore_mem>>
        %dma_start3A_62 = arith.constant 0 : i32
        %dma_start3A_63 = tpu.memref_slice %arg7[%arg0, %add3A, %dma_start3A_62] : memref<2x10240x96xf32, #tpu.memory_space<hbm>> -> memref<1x128x96xf32, #tpu.memory_space<hbm>>
        %dma_start3A_64 = tpu.memref_squeeze %dma_start3A_63 : memref<1x128x96xf32, #tpu.memory_space<hbm>> -> memref<128x96xf32, #tpu.memory_space<hbm>>
        %dma_start3A_65 = arith.constant 0 : i32
        %dma_start3A_66 = tpu.memref_slice %arg7[%arg0, %add3A, %dma_start3A_65] : memref<2x10240x96xf32, #tpu.memory_space<hbm>> -> memref<1x128x96xf32, #tpu.memory_space<hbm>>
        %dma_start3A_67 = tpu.memref_squeeze %dma_start3A_66 : memref<1x128x96xf32, #tpu.memory_space<hbm>> -> memref<128x96xf32, #tpu.memory_space<hbm>>
        tpu.enqueue_dma source(%arg13 : memref<128x96xf32, #tpu.memory_space<vmem>>) target(%dma_start3A_67 : memref<128x96xf32, #tpu.memory_space<hbm>>) target_semaphore(%run_scoped3A : memref<!tpu.dma_semaphore, #tpu.memory_space<semaphore_mem>>)
        %dma_wait3A = arith.constant 0 : i32
        %dma_wait3A_68 = tpu.memref_slice %arg7[%arg0, %add3A, %dma_wait3A] : memref<2x10240x96xf32, #tpu.memory_space<hbm>> -> memref<1x128x96xf32, #tpu.memory_space<hbm>>
        %dma_wait3A_69 = tpu.memref_squeeze %dma_wait3A_68 : memref<1x128x96xf32, #tpu.memory_space<hbm>> -> memref<128x96xf32, #tpu.memory_space<hbm>>
        %dma_wait3A_70 = arith.constant 0 : i32
        %dma_wait3A_71 = tpu.memref_slice %arg7[%arg0, %add3A, %dma_wait3A_70] : memref<2x10240x96xf32, #tpu.memory_space<hbm>> -> memref<1x128x96xf32, #tpu.memory_space<hbm>>
        %dma_wait3A_72 = tpu.memref_squeeze %dma_wait3A_71 : memref<1x128x96xf32, #tpu.memory_space<hbm>> -> memref<128x96xf32, #tpu.memory_space<hbm>>
        tpu.wait_dma2 semaphore(%run_scoped3A : memref<!tpu.dma_semaphore, #tpu.memory_space<semaphore_mem>>) src(%arg13 : memref<128x96xf32, #tpu.memory_space<vmem>>) dst(%dma_wait3A_72 : memref<128x96xf32, #tpu.memory_space<hbm>>)
        tpu.yield
      }) : () -> ()
    }
    %scan3A_58 = arith.constant 5 : i32
    return
  }
}

module attributes {stable_mosaic.version = 14 : i64} {
  func.func @_tc1_body(%arg0: memref<10000x128xf32, #tpu.memory_space<vmem>>, %arg1: memref<128x96xf32, #tpu.memory_space<vmem>>, %arg2: memref<128x96xf32, #tpu.memory_space<vmem>>, %arg3: memref<2x10240xf32, #tpu.memory_space<vmem>>, %arg4: memref<10000x96xf32, #tpu.memory_space<vmem>>, %arg5: memref<10000x96xf32, #tpu.memory_space<vmem>>, %arg6: memref<10000xf32, #tpu.memory_space<vmem>>) attributes {dimension_semantics = [], scalar_prefetch = 0 : i64, scratch_operands = 0 : i64, tpu.core_type = #tpu.core_type<tc>} {
    %get3A = arith.constant 0 : index
    %get3A_0 = arith.constant 0 : index
    %get3A_1 = vector.load %arg3[%get3A, %get3A_0] : memref<2x10240xf32, #tpu.memory_space<vmem>>, vector<1x10000xf32>
    %get3A_2 = vector.shape_cast %get3A_1 : vector<1x10000xf32> to vector<10000xf32>
    %add3A = arith.constant 1.000000e+00 : f32
    %add3A_3 = vector.broadcast %add3A : f32 to vector<10000xf32>
    %add3A_4 = arith.addf %add3A_3, %get3A_2 : vector<10000xf32>
    %get3A_5 = arith.constant 1 : index
    %get3A_6 = arith.constant 0 : index
    %get3A_7 = vector.load %arg3[%get3A_5, %get3A_6] : memref<2x10240xf32, #tpu.memory_space<vmem>>, vector<1x10000xf32>
    %get3A_8 = vector.shape_cast %get3A_7 : vector<1x10000xf32> to vector<10000xf32>
    %add3A_9 = arith.addf %add3A_4, %get3A_8 : vector<10000xf32>
    %max3A = arith.constant 1.000000e+00 : f32
    %max3A_10 = vector.broadcast %max3A : f32 to vector<10000xf32>
    %max3A_11 = arith.maximumf %add3A_9, %max3A_10 : vector<10000xf32>
    %rsqrt3A = math.rsqrt %max3A_11 : vector<10000xf32>
    %swap3A = arith.constant 0 : index
    %swap3A_12 = vector.load %arg6[%swap3A] : memref<10000xf32, #tpu.memory_space<vmem>>, vector<10000xf32>
    tpu.vector_store %arg6[%swap3A], %rsqrt3A {strides = array<i32>} : memref<10000xf32, #tpu.memory_space<vmem>>, vector<10000xf32>,
    %get3A_13 = arith.constant 0 : index
    %get3A_14 = arith.constant 0 : index
    %get3A_15 = vector.load %arg0[%get3A_13, %get3A_14] : memref<10000x128xf32, #tpu.memory_space<vmem>>, vector<10000x128xf32>
    %get3A_16 = arith.constant 0 : index
    %get3A_17 = arith.constant 0 : index
    %get3A_18 = vector.load %arg1[%get3A_16, %get3A_17] : memref<128x96xf32, #tpu.memory_space<vmem>>, vector<128x96xf32>
    %dot_general3A = arith.constant dense<0.000000e+00> : vector<10000x96xf32>
    %dot_general3A_19 = tpu.matmul %get3A_15, %get3A_18, %dot_general3A {dimension_numbers = #tpu.dot_dimension_numbers<[1], [0], [0], [1], [0, 0, 1, 1], [], []>, transpose_lhs_hint = false} : vector<10000x128xf32>, vector<128x96xf32>, vector<10000x96xf32> -> vector<10000x96xf32>
    %broadcast_in_dim3A = vector.shape_cast %rsqrt3A : vector<10000xf32> to vector<10000x1xf32>
    %mul3A = vector.broadcast %broadcast_in_dim3A : vector<10000x1xf32> to vector<10000x96xf32>
    %mul3A_20 = arith.mulf %dot_general3A_19, %mul3A : vector<10000x96xf32>
    %swap3A_21 = arith.constant 0 : index
    %swap3A_22 = arith.constant 0 : index
    %swap3A_23 = vector.load %arg4[%swap3A_21, %swap3A_22] : memref<10000x96xf32, #tpu.memory_space<vmem>>, vector<10000x96xf32>
    tpu.vector_store %arg4[%swap3A_21, %swap3A_22], %mul3A_20 {strides = array<i32>} : memref<10000x96xf32, #tpu.memory_space<vmem>>, vector<10000x96xf32>,
    %get3A_24 = arith.constant 0 : index
    %get3A_25 = arith.constant 0 : index
    %get3A_26 = vector.load %arg0[%get3A_24, %get3A_25] : memref<10000x128xf32, #tpu.memory_space<vmem>>, vector<10000x128xf32>
    %get3A_27 = arith.constant 0 : index
    %get3A_28 = arith.constant 0 : index
    %get3A_29 = vector.load %arg2[%get3A_27, %get3A_28] : memref<128x96xf32, #tpu.memory_space<vmem>>, vector<128x96xf32>
    %dot_general3A_30 = arith.constant dense<0.000000e+00> : vector<10000x96xf32>
    %dot_general3A_31 = tpu.matmul %get3A_26, %get3A_29, %dot_general3A_30 {dimension_numbers = #tpu.dot_dimension_numbers<[1], [0], [0], [1], [0, 0, 1, 1], [], []>, transpose_lhs_hint = false} : vector<10000x128xf32>, vector<128x96xf32>, vector<10000x96xf32> -> vector<10000x96xf32>
    %broadcast_in_dim3A_32 = vector.shape_cast %rsqrt3A : vector<10000xf32> to vector<10000x1xf32>
    %mul3A_33 = vector.broadcast %broadcast_in_dim3A_32 : vector<10000x1xf32> to vector<10000x96xf32>
    %mul3A_34 = arith.mulf %dot_general3A_31, %mul3A_33 : vector<10000x96xf32>
    %swap3A_35 = arith.constant 0 : index
    %swap3A_36 = arith.constant 0 : index
    %swap3A_37 = vector.load %arg5[%swap3A_35, %swap3A_36] : memref<10000x96xf32, #tpu.memory_space<vmem>>, vector<10000x96xf32>
    tpu.vector_store %arg5[%swap3A_35, %swap3A_36], %mul3A_34 {strides = array<i32>} : memref<10000x96xf32, #tpu.memory_space<vmem>>, vector<10000x96xf32>,
    return
  }
}

module attributes {stable_mosaic.version = 14 : i64} {
  func.func @_conv_tail_body(%arg0: i32, %arg1: i32, %arg2: memref<2x1000x96xf32, #tpu.memory_space<vmem>>, %arg3: memref<2x1000x96xf32, #tpu.memory_space<vmem>>, %arg4: memref<1000x96xf32, #tpu.memory_space<vmem>>, %arg5: memref<1000x96xf32, #tpu.memory_space<vmem>>, %arg6: memref<1x1x1000xf32, #tpu.memory_space<vmem>>, %arg7: memref<1x1x1000xi32, #tpu.memory_space<vmem>>, %arg8: memref<192xf32, #tpu.memory_space<vmem>>, %arg9: memref<192xf32, #tpu.memory_space<vmem>>, %arg10: memref<192xf32, #tpu.memory_space<vmem>>, %arg11: memref<192xf32, #tpu.memory_space<vmem>>, %arg12: memref<192x192xf32, #tpu.memory_space<vmem>>, %arg13: memref<1000x96xf32, #tpu.memory_space<vmem>>, %arg14: memref<1000x96xf32, #tpu.memory_space<vmem>>, %arg15: memref<64x192xf32, #tpu.memory_space<vmem>>, %arg16: memref<64x192xf32, #tpu.memory_space<vmem>>, %arg17: memref<64xf32, #tpu.memory_space<vmem>>) attributes {dimension_semantics = [#tpu.dimension_semantics<arbitrary>, #tpu.dimension_semantics<arbitrary>], iteration_bounds = array<i64: 2, 10>, scalar_prefetch = 0 : i64, scratch_operands = 3 : i64, tpu.core_type = #tpu.core_type<tc>, window_params = [{transform_indices = @transform_0, window_bounds = array<i64: 2, 1000, 96>}, {transform_indices = @transform_1, window_bounds = array<i64: 2, 1000, 96>}, {transform_indices = @transform_2, window_bounds = array<i64: 1000, 96>}, {transform_indices = @transform_3, window_bounds = array<i64: 1000, 96>}, {transform_indices = @transform_4, window_bounds = array<i64: 1, 1, 1000>}, {transform_indices = @transform_5, window_bounds = array<i64: 1, 1, 1000>}, {pipeline_mode = #tpu.pipeline_mode<synchronous>, transform_indices = @transform_6, window_bounds = array<i64: 192>}, {pipeline_mode = #tpu.pipeline_mode<synchronous>, transform_indices = @transform_7, window_bounds = array<i64: 192>}, {pipeline_mode = #tpu.pipeline_mode<synchronous>, transform_indices = @transform_8, window_bounds = array<i64: 192>}, {pipeline_mode = #tpu.pipeline_mode<synchronous>, transform_indices = @transform_9, window_bounds = array<i64: 192>}, {pipeline_mode = #tpu.pipeline_mode<synchronous>, transform_indices = @transform_10, window_bounds = array<i64: 192, 192>}, {transform_indices = @transform_11, window_bounds = array<i64: 1000, 96>}, {transform_indices = @transform_12, window_bounds = array<i64: 1000, 96>}]} {
    %get3A = arith.constant 0 : index
    %get3A_0 = arith.constant 0 : index
    %get3A_1 = arith.constant 0 : index
    %get3A_2 = vector.load %arg6[%get3A, %get3A_0, %get3A_1] : memref<1x1x1000xf32, #tpu.memory_space<vmem>>, vector<1x1x1000xf32>
    %get3A_3 = vector.shape_cast %get3A_2 : vector<1x1x1000xf32> to vector<1000xf32>
    %get3A_4 = arith.constant 0 : index
    %get3A_5 = arith.constant 0 : index
    %get3A_6 = arith.constant 0 : index
    %get3A_7 = vector.load %arg7[%get3A_4, %get3A_5, %get3A_6] : memref<1x1x1000xi32, #tpu.memory_space<vmem>>, vector<1x1x1000xi32>
    %get3A_8 = vector.shape_cast %get3A_7 : vector<1x1x1000xi32> to vector<1000xi32>
    %iota3A = tpu.iota {dimensions = array<i32: 1>} : vector<1000x64xi32>
    %broadcast_in_dim3A = vector.shape_cast %get3A_8 : vector<1000xi32> to vector<1000x1xi32>
    %eq3A = vector.broadcast %broadcast_in_dim3A : vector<1000x1xi32> to vector<1000x64xi32>
    %eq3A_9 = arith.cmpi eq, %eq3A, %iota3A : vector<1000x64xi32>
    %convert_element_type3A = arith.extui %eq3A_9 : vector<1000x64xi1> to vector<1000x64xi32>
    %convert_element_type3A_10 = arith.sitofp %convert_element_type3A : vector<1000x64xi32> to vector<1000x64xf32>
    %get3A_11 = arith.constant 0 : index
    %get3A_12 = arith.constant 0 : index
    %get3A_13 = arith.constant 0 : index
    %get3A_14 = vector.load %arg2[%get3A_11, %get3A_12, %get3A_13] : memref<2x1000x96xf32, #tpu.memory_space<vmem>>, vector<1x1000x96xf32>
    %get3A_15 = vector.shape_cast %get3A_14 : vector<1x1000x96xf32> to vector<1000x96xf32>
    %get3A_16 = arith.constant 1 : index
    %get3A_17 = arith.constant 0 : index
    %get3A_18 = arith.constant 0 : index
    %get3A_19 = vector.load %arg2[%get3A_16, %get3A_17, %get3A_18] : memref<2x1000x96xf32, #tpu.memory_space<vmem>>, vector<1x1000x96xf32>
    %get3A_20 = vector.shape_cast %get3A_19 : vector<1x1000x96xf32> to vector<1000x96xf32>
    %add3A = arith.addf %get3A_15, %get3A_20 : vector<1000x96xf32>
    %get3A_21 = arith.constant 0 : index
    %get3A_22 = arith.constant 0 : index
    %get3A_23 = vector.load %arg4[%get3A_21, %get3A_22] : memref<1000x96xf32, #tpu.memory_space<vmem>>, vector<1000x96xf32>
    %add3A_24 = arith.addf %add3A, %get3A_23 : vector<1000x96xf32>
    %broadcast_in_dim3A_25 = vector.shape_cast %get3A_3 : vector<1000xf32> to vector<1000x1xf32>
    %mul3A = vector.broadcast %broadcast_in_dim3A_25 : vector<1000x1xf32> to vector<1000x96xf32>
    %mul3A_26 = arith.mulf %add3A_24, %mul3A : vector<1000x96xf32>
    %get3A_27 = arith.constant 0 : index
    %get3A_28 = vector.load %arg8[%get3A_27] : memref<192xf32, #tpu.memory_space<vmem>>, vector<96xf32>
    %broadcast_in_dim3A_29 = vector.shape_cast %get3A_28 : vector<96xf32> to vector<1x96xf32>
    %add3A_30 = vector.broadcast %broadcast_in_dim3A_29 : vector<1x96xf32> to vector<1000x96xf32>
    %add3A_31 = arith.addf %mul3A_26, %add3A_30 : vector<1000x96xf32>
    %get3A_32 = arith.constant 0 : index
    %get3A_33 = arith.constant 0 : index
    %get3A_34 = arith.constant 0 : index
    %get3A_35 = vector.load %arg3[%get3A_32, %get3A_33, %get3A_34] : memref<2x1000x96xf32, #tpu.memory_space<vmem>>, vector<1x1000x96xf32>
    %get3A_36 = vector.shape_cast %get3A_35 : vector<1x1000x96xf32> to vector<1000x96xf32>
    %get3A_37 = arith.constant 1 : index
    %get3A_38 = arith.constant 0 : index
    %get3A_39 = arith.constant 0 : index
    %get3A_40 = vector.load %arg3[%get3A_37, %get3A_38, %get3A_39] : memref<2x1000x96xf32, #tpu.memory_space<vmem>>, vector<1x1000x96xf32>
    %get3A_41 = vector.shape_cast %get3A_40 : vector<1x1000x96xf32> to vector<1000x96xf32>
    %add3A_42 = arith.addf %get3A_36, %get3A_41 : vector<1000x96xf32>
    %get3A_43 = arith.constant 0 : index
    %get3A_44 = arith.constant 0 : index
    %get3A_45 = vector.load %arg5[%get3A_43, %get3A_44] : memref<1000x96xf32, #tpu.memory_space<vmem>>, vector<1000x96xf32>
    %add3A_46 = arith.addf %add3A_42, %get3A_45 : vector<1000x96xf32>
    %broadcast_in_dim3A_47 = vector.shape_cast %get3A_3 : vector<1000xf32> to vector<1000x1xf32>
    %mul3A_48 = vector.broadcast %broadcast_in_dim3A_47 : vector<1000x1xf32> to vector<1000x96xf32>
    %mul3A_49 = arith.mulf %add3A_46, %mul3A_48 : vector<1000x96xf32>
    %get3A_50 = arith.constant 96 : index
    %get3A_51 = vector.load %arg8[%get3A_50] : memref<192xf32, #tpu.memory_space<vmem>>, vector<96xf32>
    %broadcast_in_dim3A_52 = vector.shape_cast %get3A_51 : vector<96xf32> to vector<1x96xf32>
    %add3A_53 = vector.broadcast %broadcast_in_dim3A_52 : vector<1x96xf32> to vector<1000x96xf32>
    %add3A_54 = arith.addf %mul3A_49, %add3A_53 : vector<1000x96xf32>
    %eq3A_55 = arith.constant 0 : i32
    %eq3A_56 = arith.cmpi eq, %arg0, %eq3A_55 : i32
    %convert_element_type3A_57 = arith.extui %eq3A_56 : i1 to i32
    %cond3A = arith.constant 0 : i32
    %cond3A_58 = arith.cmpi ne, %convert_element_type3A_57, %cond3A : i32
    scf.if %cond3A_58 {
      %eq3A_64 = arith.constant 0 : i32
      %eq3A_65 = arith.cmpi eq, %arg1, %eq3A_64 : i32
      %convert_element_type3A_66 = arith.extui %eq3A_65 : i1 to i32
      %cond3A_67 = arith.constant 0 : i32
      %cond3A_68 = arith.cmpi ne, %convert_element_type3A_66, %cond3A_67 : i32
      scf.if %cond3A_68 {
        %broadcast_in_dim3A_94 = arith.constant 0.000000e+00 : f32
        %broadcast_in_dim3A_95 = vector.broadcast %broadcast_in_dim3A_94 : f32 to vector<64x192xf32>
        %swap3A_96 = arith.constant 0 : index
        %swap3A_97 = arith.constant 0 : index
        %swap3A_98 = vector.load %arg15[%swap3A_96, %swap3A_97] : memref<64x192xf32, #tpu.memory_space<vmem>>, vector<64x192xf32>
        tpu.vector_store %arg15[%swap3A_96, %swap3A_97], %broadcast_in_dim3A_95 {strides = array<i32>} : memref<64x192xf32, #tpu.memory_space<vmem>>, vector<64x192xf32>,
        %broadcast_in_dim3A_99 = arith.constant 0.000000e+00 : f32
        %broadcast_in_dim3A_100 = vector.broadcast %broadcast_in_dim3A_99 : f32 to vector<64x192xf32>
        %swap3A_101 = arith.constant 0 : index
        %swap3A_102 = arith.constant 0 : index
        %swap3A_103 = vector.load %arg16[%swap3A_101, %swap3A_102] : memref<64x192xf32, #tpu.memory_space<vmem>>, vector<64x192xf32>
        tpu.vector_store %arg16[%swap3A_101, %swap3A_102], %broadcast_in_dim3A_100 {strides = array<i32>} : memref<64x192xf32, #tpu.memory_space<vmem>>, vector<64x192xf32>,
        %broadcast_in_dim3A_104 = arith.constant 0.000000e+00 : f32
        %broadcast_in_dim3A_105 = vector.broadcast %broadcast_in_dim3A_104 : f32 to vector<64xf32>
        %swap3A_106 = arith.constant 0 : index
        %swap3A_107 = vector.load %arg17[%swap3A_106] : memref<64xf32, #tpu.memory_space<vmem>>, vector<64xf32>
        tpu.vector_store %arg17[%swap3A_106], %broadcast_in_dim3A_105 {strides = array<i32>} : memref<64xf32, #tpu.memory_space<vmem>>, vector<64xf32>,
      } else {
      }
      %get3A_69 = arith.constant 0 : index
      %get3A_70 = vector.load %arg17[%get3A_69] : memref<64xf32, #tpu.memory_space<vmem>>, vector<64xf32>
      %reduce_sum3A = arith.constant dense<0.000000e+00> : vector<64xf32>
      %reduce_sum3A_71 = vector.multi_reduction <add>, %convert_element_type3A_10, %reduce_sum3A [0] : vector<1000x64xf32> to vector<64xf32>
      %add3A_72 = arith.addf %get3A_70, %reduce_sum3A_71 : vector<64xf32>
      %swap3A = arith.constant 0 : index
      %swap3A_73 = vector.load %arg17[%swap3A] : memref<64xf32, #tpu.memory_space<vmem>>, vector<64xf32>
      tpu.vector_store %arg17[%swap3A], %add3A_72 {strides = array<i32>} : memref<64xf32, #tpu.memory_space<vmem>>, vector<64xf32>,
      %mul3A_74 = arith.mulf %add3A_31, %add3A_31 : vector<1000x96xf32>
      %concatenate3A = tpu.concatenate %add3A_31, %mul3A_74 in 1 : vector<1000x96xf32>, vector<1000x96xf32> -> vector<1000x192xf32>
      %get3A_75 = arith.constant 0 : index
      %get3A_76 = arith.constant 0 : index
      %get3A_77 = vector.load %arg15[%get3A_75, %get3A_76] : memref<64x192xf32, #tpu.memory_space<vmem>>, vector<64x192xf32>
      %dot_general3A = arith.constant dense<0.000000e+00> : vector<64x192xf32>
      %dot_general3A_78 = tpu.matmul %convert_element_type3A_10, %concatenate3A, %dot_general3A {dimension_numbers = #tpu.dot_dimension_numbers<[0], [0], [1], [1], [0, 1, 1, 1], [], []>, precision = #tpu.contract_precision<fp32>, transpose_lhs_hint = false} : vector<1000x64xf32>, vector<1000x192xf32>, vector<64x192xf32> -> vector<64x192xf32>
      %add3A_79 = arith.addf %get3A_77, %dot_general3A_78 : vector<64x192xf32>
      %swap3A_80 = arith.constant 0 : index
      %swap3A_81 = arith.constant 0 : index
      %swap3A_82 = vector.load %arg15[%swap3A_80, %swap3A_81] : memref<64x192xf32, #tpu.memory_space<vmem>>, vector<64x192xf32>
      tpu.vector_store %arg15[%swap3A_80, %swap3A_81], %add3A_79 {strides = array<i32>} : memref<64x192xf32, #tpu.memory_space<vmem>>, vector<64x192xf32>,
      %mul3A_83 = arith.mulf %add3A_54, %add3A_54 : vector<1000x96xf32>
      %concatenate3A_84 = tpu.concatenate %add3A_54, %mul3A_83 in 1 : vector<1000x96xf32>, vector<1000x96xf32> -> vector<1000x192xf32>
      %get3A_85 = arith.constant 0 : index
      %get3A_86 = arith.constant 0 : index
      %get3A_87 = vector.load %arg16[%get3A_85, %get3A_86] : memref<64x192xf32, #tpu.memory_space<vmem>>, vector<64x192xf32>
      %dot_general3A_88 = arith.constant dense<0.000000e+00> : vector<64x192xf32>
      %dot_general3A_89 = tpu.matmul %convert_element_type3A_10, %concatenate3A_84, %dot_general3A_88 {dimension_numbers = #tpu.dot_dimension_numbers<[0], [0], [1], [1], [0, 1, 1, 1], [], []>, precision = #tpu.contract_precision<fp32>, transpose_lhs_hint = false} : vector<1000x64xf32>, vector<1000x192xf32>, vector<64x192xf32> -> vector<64x192xf32>
      %add3A_90 = arith.addf %get3A_87, %dot_general3A_89 : vector<64x192xf32>
      %swap3A_91 = arith.constant 0 : index
      %swap3A_92 = arith.constant 0 : index
      %swap3A_93 = vector.load %arg16[%swap3A_91, %swap3A_92] : memref<64x192xf32, #tpu.memory_space<vmem>>, vector<64x192xf32>
      tpu.vector_store %arg16[%swap3A_91, %swap3A_92], %add3A_90 {strides = array<i32>} : memref<64x192xf32, #tpu.memory_space<vmem>>, vector<64x192xf32>,
    } else {
    }
    %eq3A_59 = arith.constant 1 : i32
    %eq3A_60 = arith.cmpi eq, %arg0, %eq3A_59 : i32
    %convert_element_type3A_61 = arith.extui %eq3A_60 : i1 to i32
    %cond3A_62 = arith.constant 0 : i32
    %cond3A_63 = arith.cmpi ne, %convert_element_type3A_61, %cond3A_62 : i32
    scf.if %cond3A_63 {
      %get3A_64 = arith.constant 0 : index
      %get3A_65 = vector.load %arg17[%get3A_64] : memref<64xf32, #tpu.memory_space<vmem>>, vector<64xf32>
      %max3A = arith.constant 1.000000e+00 : f32
      %max3A_66 = vector.broadcast %max3A : f32 to vector<64xf32>
      %max3A_67 = arith.maximumf %get3A_65, %max3A_66 : vector<64xf32>
      %div3A = arith.constant 1.000000e+00 : f32
      %div3A_68 = vector.broadcast %div3A : f32 to vector<64xf32>
      %div3A_69 = arith.divf %div3A_68, %max3A_67 : vector<64xf32>
      %get3A_70 = arith.constant 0 : index
      %get3A_71 = arith.constant 0 : index
      %get3A_72 = vector.load %arg15[%get3A_70, %get3A_71] : memref<64x192xf32, #tpu.memory_space<vmem>>, vector<64x192xf32>
      %get3A_73 = arith.constant 0 : index
      %get3A_74 = vector.load %arg9[%get3A_73] : memref<192xf32, #tpu.memory_space<vmem>>, vector<96xf32>
      %get3A_75 = arith.constant 0 : index
      %get3A_76 = vector.load %arg10[%get3A_75] : memref<192xf32, #tpu.memory_space<vmem>>, vector<96xf32>
      %get3A_77 = arith.constant 0 : index
      %get3A_78 = vector.load %arg11[%get3A_77] : memref<192xf32, #tpu.memory_space<vmem>>, vector<96xf32>
      %broadcast_in_dim3A_79 = vector.shape_cast %div3A_69 : vector<64xf32> to vector<64x1xf32>
      %mul3A_80 = vector.broadcast %broadcast_in_dim3A_79 : vector<64x1xf32> to vector<64x192xf32>
      %mul3A_81 = arith.mulf %get3A_72, %mul3A_80 : vector<64x192xf32>
      %slice3A = vector.extract_strided_slice %mul3A_81 {offsets = [0, 0], sizes = [64, 96], strides = [1, 1]} : vector<64x192xf32> to vector<64x96xf32>
      %slice3A_82 = vector.extract_strided_slice %mul3A_81 {offsets = [0, 96], sizes = [64, 96], strides = [1, 1]} : vector<64x192xf32> to vector<64x96xf32>
      %mul3A_83 = arith.constant 2.000000e+00 : f32
      %mul3A_84 = vector.broadcast %mul3A_83 : f32 to vector<96xf32>
      %mul3A_85 = arith.mulf %mul3A_84, %get3A_78 : vector<96xf32>
      %mul3A_86 = arith.mulf %get3A_78, %get3A_78 : vector<96xf32>
      %sub3A = arith.subf %mul3A_85, %mul3A_86 : vector<96xf32>
      %broadcast_in_dim3A_87 = vector.shape_cast %sub3A : vector<96xf32> to vector<1x96xf32>
      %mul3A_88 = vector.broadcast %broadcast_in_dim3A_87 : vector<1x96xf32> to vector<64x96xf32>
      %mul3A_89 = arith.mulf %mul3A_88, %slice3A : vector<64x96xf32>
      %mul3A_90 = arith.mulf %mul3A_89, %slice3A : vector<64x96xf32>
      %sub3A_91 = arith.subf %slice3A_82, %mul3A_90 : vector<64x96xf32>
      %add3A_92 = arith.constant 9.99999974E-6 : f32
      %add3A_93 = vector.broadcast %add3A_92 : f32 to vector<64x96xf32>
      %add3A_94 = arith.addf %sub3A_91, %add3A_93 : vector<64x96xf32>
      %rsqrt3A = math.rsqrt %add3A_94 : vector<64x96xf32>
      %broadcast_in_dim3A_95 = vector.shape_cast %get3A_78 : vector<96xf32> to vector<1x96xf32>
      %mul3A_96 = vector.broadcast %broadcast_in_dim3A_95 : vector<1x96xf32> to vector<64x96xf32>
      %mul3A_97 = arith.mulf %slice3A, %mul3A_96 : vector<64x96xf32>
      %concatenate3A = tpu.concatenate %mul3A_97, %rsqrt3A in 1 : vector<64x96xf32>, vector<64x96xf32> -> vector<64x192xf32>
      %dot_general3A = arith.constant dense<0.000000e+00> : vector<1000x192xf32>
      %dot_general3A_98 = tpu.matmul %convert_element_type3A_10, %concatenate3A, %dot_general3A {dimension_numbers = #tpu.dot_dimension_numbers<[1], [0], [0], [1], [0, 0, 1, 1], [], []>, precision = #tpu.contract_precision<fp32>, transpose_lhs_hint = false} : vector<1000x64xf32>, vector<64x192xf32>, vector<1000x192xf32> -> vector<1000x192xf32>
      %slice3A_99 = vector.extract_strided_slice %dot_general3A_98 {offsets = [0, 0], sizes = [1000, 96], strides = [1, 1]} : vector<1000x192xf32> to vector<1000x96xf32>
      %sub3A_100 = arith.subf %add3A_31, %slice3A_99 : vector<1000x96xf32>
      %broadcast_in_dim3A_101 = vector.shape_cast %get3A_74 : vector<96xf32> to vector<1x96xf32>
      %mul3A_102 = vector.broadcast %broadcast_in_dim3A_101 : vector<1x96xf32> to vector<1000x96xf32>
      %mul3A_103 = arith.mulf %mul3A_102, %sub3A_100 : vector<1000x96xf32>
      %slice3A_104 = vector.extract_strided_slice %dot_general3A_98 {offsets = [0, 96], sizes = [1000, 96], strides = [1, 1]} : vector<1000x192xf32> to vector<1000x96xf32>
      %mul3A_105 = arith.mulf %mul3A_103, %slice3A_104 : vector<1000x96xf32>
      %broadcast_in_dim3A_106 = vector.shape_cast %get3A_76 : vector<96xf32> to vector<1x96xf32>
      %add3A_107 = vector.broadcast %broadcast_in_dim3A_106 : vector<1x96xf32> to vector<1000x96xf32>
      %add3A_108 = arith.addf %mul3A_105, %add3A_107 : vector<1000x96xf32>
      %max3A_109 = arith.constant 0.000000e+00 : f32
      %max3A_110 = vector.broadcast %max3A_109 : f32 to vector<1000x96xf32>
      %max3A_111 = arith.maximumf %add3A_108, %max3A_110 : vector<1000x96xf32>
      %get3A_112 = arith.constant 0 : index
      %get3A_113 = arith.constant 0 : index
      %get3A_114 = vector.load %arg16[%get3A_112, %get3A_113] : memref<64x192xf32, #tpu.memory_space<vmem>>, vector<64x192xf32>
      %get3A_115 = arith.constant 96 : index
      %get3A_116 = vector.load %arg9[%get3A_115] : memref<192xf32, #tpu.memory_space<vmem>>, vector<96xf32>
      %get3A_117 = arith.constant 96 : index
      %get3A_118 = vector.load %arg10[%get3A_117] : memref<192xf32, #tpu.memory_space<vmem>>, vector<96xf32>
      %get3A_119 = arith.constant 96 : index
      %get3A_120 = vector.load %arg11[%get3A_119] : memref<192xf32, #tpu.memory_space<vmem>>, vector<96xf32>
      %broadcast_in_dim3A_121 = vector.shape_cast %div3A_69 : vector<64xf32> to vector<64x1xf32>
      %mul3A_122 = vector.broadcast %broadcast_in_dim3A_121 : vector<64x1xf32> to vector<64x192xf32>
      %mul3A_123 = arith.mulf %get3A_114, %mul3A_122 : vector<64x192xf32>
      %slice3A_124 = vector.extract_strided_slice %mul3A_123 {offsets = [0, 0], sizes = [64, 96], strides = [1, 1]} : vector<64x192xf32> to vector<64x96xf32>
      %slice3A_125 = vector.extract_strided_slice %mul3A_123 {offsets = [0, 96], sizes = [64, 96], strides = [1, 1]} : vector<64x192xf32> to vector<64x96xf32>
      %mul3A_126 = arith.constant 2.000000e+00 : f32
      %mul3A_127 = vector.broadcast %mul3A_126 : f32 to vector<96xf32>
      %mul3A_128 = arith.mulf %mul3A_127, %get3A_120 : vector<96xf32>
      %mul3A_129 = arith.mulf %get3A_120, %get3A_120 : vector<96xf32>
      %sub3A_130 = arith.subf %mul3A_128, %mul3A_129 : vector<96xf32>
      %broadcast_in_dim3A_131 = vector.shape_cast %sub3A_130 : vector<96xf32> to vector<1x96xf32>
      %mul3A_132 = vector.broadcast %broadcast_in_dim3A_131 : vector<1x96xf32> to vector<64x96xf32>
      %mul3A_133 = arith.mulf %mul3A_132, %slice3A_124 : vector<64x96xf32>
      %mul3A_134 = arith.mulf %mul3A_133, %slice3A_124 : vector<64x96xf32>
      %sub3A_135 = arith.subf %slice3A_125, %mul3A_134 : vector<64x96xf32>
      %add3A_136 = arith.constant 9.99999974E-6 : f32
      %add3A_137 = vector.broadcast %add3A_136 : f32 to vector<64x96xf32>
      %add3A_138 = arith.addf %sub3A_135, %add3A_137 : vector<64x96xf32>
      %rsqrt3A_139 = math.rsqrt %add3A_138 : vector<64x96xf32>
      %broadcast_in_dim3A_140 = vector.shape_cast %get3A_120 : vector<96xf32> to vector<1x96xf32>
      %mul3A_141 = vector.broadcast %broadcast_in_dim3A_140 : vector<1x96xf32> to vector<64x96xf32>
      %mul3A_142 = arith.mulf %slice3A_124, %mul3A_141 : vector<64x96xf32>
      %concatenate3A_143 = tpu.concatenate %mul3A_142, %rsqrt3A_139 in 1 : vector<64x96xf32>, vector<64x96xf32> -> vector<64x192xf32>
      %dot_general3A_144 = arith.constant dense<0.000000e+00> : vector<1000x192xf32>
      %dot_general3A_145 = tpu.matmul %convert_element_type3A_10, %concatenate3A_143, %dot_general3A_144 {dimension_numbers = #tpu.dot_dimension_numbers<[1], [0], [0], [1], [0, 0, 1, 1], [], []>, precision = #tpu.contract_precision<fp32>, transpose_lhs_hint = false} : vector<1000x64xf32>, vector<64x192xf32>, vector<1000x192xf32> -> vector<1000x192xf32>
      %slice3A_146 = vector.extract_strided_slice %dot_general3A_145 {offsets = [0, 0], sizes = [1000, 96], strides = [1, 1]} : vector<1000x192xf32> to vector<1000x96xf32>
      %sub3A_147 = arith.subf %add3A_54, %slice3A_146 : vector<1000x96xf32>
      %broadcast_in_dim3A_148 = vector.shape_cast %get3A_116 : vector<96xf32> to vector<1x96xf32>
      %mul3A_149 = vector.broadcast %broadcast_in_dim3A_148 : vector<1x96xf32> to vector<1000x96xf32>
      %mul3A_150 = arith.mulf %mul3A_149, %sub3A_147 : vector<1000x96xf32>
      %slice3A_151 = vector.extract_strided_slice %dot_general3A_145 {offsets = [0, 96], sizes = [1000, 96], strides = [1, 1]} : vector<1000x192xf32> to vector<1000x96xf32>
      %mul3A_152 = arith.mulf %mul3A_150, %slice3A_151 : vector<1000x96xf32>
      %broadcast_in_dim3A_153 = vector.shape_cast %get3A_118 : vector<96xf32> to vector<1x96xf32>
      %add3A_154 = vector.broadcast %broadcast_in_dim3A_153 : vector<1x96xf32> to vector<1000x96xf32>
      %add3A_155 = arith.addf %mul3A_152, %add3A_154 : vector<1000x96xf32>
      %max3A_156 = arith.constant 0.000000e+00 : f32
      %max3A_157 = vector.broadcast %max3A_156 : f32 to vector<1000x96xf32>
      %max3A_158 = arith.maximumf %add3A_155, %max3A_157 : vector<1000x96xf32>
      %get3A_159 = arith.constant 0 : index
      %get3A_160 = arith.constant 0 : index
      %get3A_161 = vector.load %arg12[%get3A_159, %get3A_160] : memref<192x192xf32, #tpu.memory_space<vmem>>, vector<96x96xf32>
      %dot_general3A_162 = arith.constant dense<0.000000e+00> : vector<1000x96xf32>
      %dot_general3A_163 = tpu.matmul %max3A_111, %get3A_161, %dot_general3A_162 {dimension_numbers = #tpu.dot_dimension_numbers<[1], [0], [0], [1], [0, 0, 1, 1], [], []>, transpose_lhs_hint = false} : vector<1000x96xf32>, vector<96x96xf32>, vector<1000x96xf32> -> vector<1000x96xf32>
      %get3A_164 = arith.constant 96 : index
      %get3A_165 = arith.constant 0 : index
      %get3A_166 = vector.load %arg12[%get3A_164, %get3A_165] : memref<192x192xf32, #tpu.memory_space<vmem>>, vector<96x96xf32>
      %dot_general3A_167 = arith.constant dense<0.000000e+00> : vector<1000x96xf32>
      %dot_general3A_168 = tpu.matmul %max3A_158, %get3A_166, %dot_general3A_167 {dimension_numbers = #tpu.dot_dimension_numbers<[1], [0], [0], [1], [0, 0, 1, 1], [], []>, transpose_lhs_hint = false} : vector<1000x96xf32>, vector<96x96xf32>, vector<1000x96xf32> -> vector<1000x96xf32>
      %add3A_169 = arith.addf %dot_general3A_163, %dot_general3A_168 : vector<1000x96xf32>
      %broadcast_in_dim3A_170 = vector.shape_cast %get3A_3 : vector<1000xf32> to vector<1000x1xf32>
      %mul3A_171 = vector.broadcast %broadcast_in_dim3A_170 : vector<1000x1xf32> to vector<1000x96xf32>
      %mul3A_172 = arith.mulf %add3A_169, %mul3A_171 : vector<1000x96xf32>
      %swap3A = arith.constant 0 : index
      %swap3A_173 = arith.constant 0 : index
      %swap3A_174 = vector.load %arg13[%swap3A, %swap3A_173] : memref<1000x96xf32, #tpu.memory_space<vmem>>, vector<1000x96xf32>
      tpu.vector_store %arg13[%swap3A, %swap3A_173], %mul3A_172 {strides = array<i32>} : memref<1000x96xf32, #tpu.memory_space<vmem>>, vector<1000x96xf32>,
      %get3A_175 = arith.constant 0 : index
      %get3A_176 = arith.constant 96 : index
      %get3A_177 = vector.load %arg12[%get3A_175, %get3A_176] : memref<192x192xf32, #tpu.memory_space<vmem>>, vector<96x96xf32>
      %dot_general3A_178 = arith.constant dense<0.000000e+00> : vector<1000x96xf32>
      %dot_general3A_179 = tpu.matmul %max3A_111, %get3A_177, %dot_general3A_178 {dimension_numbers = #tpu.dot_dimension_numbers<[1], [0], [0], [1], [0, 0, 1, 1], [], []>, transpose_lhs_hint = false} : vector<1000x96xf32>, vector<96x96xf32>, vector<1000x96xf32> -> vector<1000x96xf32>
      %get3A_180 = arith.constant 96 : index
      %get3A_181 = arith.constant 96 : index
      %get3A_182 = vector.load %arg12[%get3A_180, %get3A_181] : memref<192x192xf32, #tpu.memory_space<vmem>>, vector<96x96xf32>
      %dot_general3A_183 = arith.constant dense<0.000000e+00> : vector<1000x96xf32>
      %dot_general3A_184 = tpu.matmul %max3A_158, %get3A_182, %dot_general3A_183 {dimension_numbers = #tpu.dot_dimension_numbers<[1], [0], [0], [1], [0, 0, 1, 1], [], []>, transpose_lhs_hint = false} : vector<1000x96xf32>, vector<96x96xf32>, vector<1000x96xf32> -> vector<1000x96xf32>
      %add3A_185 = arith.addf %dot_general3A_179, %dot_general3A_184 : vector<1000x96xf32>
      %broadcast_in_dim3A_186 = vector.shape_cast %get3A_3 : vector<1000xf32> to vector<1000x1xf32>
      %mul3A_187 = vector.broadcast %broadcast_in_dim3A_186 : vector<1000x1xf32> to vector<1000x96xf32>
      %mul3A_188 = arith.mulf %add3A_185, %mul3A_187 : vector<1000x96xf32>
      %swap3A_189 = arith.constant 0 : index
      %swap3A_190 = arith.constant 0 : index
      %swap3A_191 = vector.load %arg14[%swap3A_189, %swap3A_190] : memref<1000x96xf32, #tpu.memory_space<vmem>>, vector<1000x96xf32>
      tpu.vector_store %arg14[%swap3A_189, %swap3A_190], %mul3A_188 {strides = array<i32>} : memref<1000x96xf32, #tpu.memory_space<vmem>>, vector<1000x96xf32>,
    } else {
    }
    return
  }
  func.func @transform_0(%arg0: i32, %arg1: i32) -> (i32, i32, i32) {
    %c0_i32 = arith.constant 0 : i32
    %c0_i32_0 = arith.constant 0 : i32
    %c0_i32_1 = arith.constant 0 : i32
    return %c0_i32, %arg1, %c0_i32_0 : i32, i32, i32
  }
  func.func @transform_1(%arg0: i32, %arg1: i32) -> (i32, i32, i32) {
    %c0_i32 = arith.constant 0 : i32
    %c0_i32_0 = arith.constant 0 : i32
    %c0_i32_1 = arith.constant 0 : i32
    return %c0_i32, %arg1, %c0_i32_0 : i32, i32, i32
  }
  func.func @transform_2(%arg0: i32, %arg1: i32) -> (i32, i32) {
    %c0_i32 = arith.constant 0 : i32
    %c0_i32_0 = arith.constant 0 : i32
    return %arg1, %c0_i32 : i32, i32
  }
  func.func @transform_3(%arg0: i32, %arg1: i32) -> (i32, i32) {
    %c0_i32 = arith.constant 0 : i32
    %c0_i32_0 = arith.constant 0 : i32
    return %arg1, %c0_i32 : i32, i32
  }
  func.func @transform_4(%arg0: i32, %arg1: i32) -> (i32, i32, i32) {
    %c0_i32 = arith.constant 0 : i32
    %c0_i32_0 = arith.constant 0 : i32
    %c0_i32_1 = arith.constant 0 : i32
    return %arg1, %c0_i32, %c0_i32_0 : i32, i32, i32
  }
  func.func @transform_5(%arg0: i32, %arg1: i32) -> (i32, i32, i32) {
    %c0_i32 = arith.constant 0 : i32
    %c0_i32_0 = arith.constant 0 : i32
    %c0_i32_1 = arith.constant 0 : i32
    return %arg1, %c0_i32, %c0_i32_0 : i32, i32, i32
  }
  func.func @transform_6(%arg0: i32, %arg1: i32) -> i32 {
    %c0_i32 = arith.constant 0 : i32
    %c0_i32_0 = arith.constant 0 : i32
    return %c0_i32 : i32
  }
  func.func @transform_7(%arg0: i32, %arg1: i32) -> i32 {
    %c0_i32 = arith.constant 0 : i32
    %c0_i32_0 = arith.constant 0 : i32
    return %c0_i32 : i32
  }
  func.func @transform_8(%arg0: i32, %arg1: i32) -> i32 {
    %c0_i32 = arith.constant 0 : i32
    %c0_i32_0 = arith.constant 0 : i32
    return %c0_i32 : i32
  }
  func.func @transform_9(%arg0: i32, %arg1: i32) -> i32 {
    %c0_i32 = arith.constant 0 : i32
    %c0_i32_0 = arith.constant 0 : i32
    return %c0_i32 : i32
  }
  func.func @transform_10(%arg0: i32, %arg1: i32) -> (i32, i32) {
    %c0_i32 = arith.constant 0 : i32
    %c0_i32_0 = arith.constant 0 : i32
    %c0_i32_1 = arith.constant 0 : i32
    return %c0_i32, %c0_i32_0 : i32, i32
  }
  func.func @transform_11(%arg0: i32, %arg1: i32) -> (i32, i32) {
    %c0_i32 = arith.constant 0 : i32
    %c0_i32_0 = arith.constant 0 : i32
    return %arg1, %c0_i32 : i32, i32
  }
  func.func @transform_12(%arg0: i32, %arg1: i32) -> (i32, i32) {
    %c0_i32 = arith.constant 0 : i32
    %c0_i32_0 = arith.constant 0 : i32
    return %arg1, %c0_i32 : i32, i32
  }
}

module attributes {stable_mosaic.version = 14 : i64} {
  func.func @_final_body(%arg0: i32, %arg1: i32, %arg2: memref<2x1000x96xf32, #tpu.memory_space<vmem>>, %arg3: memref<2x1000x96xf32, #tpu.memory_space<vmem>>, %arg4: memref<1000x96xf32, #tpu.memory_space<vmem>>, %arg5: memref<1000x96xf32, #tpu.memory_space<vmem>>, %arg6: memref<1x1x1000xf32, #tpu.memory_space<vmem>>, %arg7: memref<1x1x1000xi32, #tpu.memory_space<vmem>>, %arg8: memref<192xf32, #tpu.memory_space<vmem>>, %arg9: memref<192xf32, #tpu.memory_space<vmem>>, %arg10: memref<192xf32, #tpu.memory_space<vmem>>, %arg11: memref<192xf32, #tpu.memory_space<vmem>>, %arg12: memref<192x96xf32, #tpu.memory_space<vmem>>, %arg13: memref<96xf32, #tpu.memory_space<vmem>>, %arg14: memref<96x4xf32, #tpu.memory_space<vmem>>, %arg15: memref<4xf32, #tpu.memory_space<vmem>>, %arg16: memref<64x4xf32, #tpu.memory_space<vmem>>, %arg17: memref<64x192xf32, #tpu.memory_space<vmem>>, %arg18: memref<64x192xf32, #tpu.memory_space<vmem>>, %arg19: memref<64xf32, #tpu.memory_space<vmem>>, %arg20: memref<64x192xf32, #tpu.memory_space<vmem>>) attributes {dimension_semantics = [#tpu.dimension_semantics<arbitrary>, #tpu.dimension_semantics<arbitrary>], iteration_bounds = array<i64: 2, 10>, scalar_prefetch = 0 : i64, scratch_operands = 4 : i64, tpu.core_type = #tpu.core_type<tc>, window_params = [{transform_indices = @transform_0, window_bounds = array<i64: 2, 1000, 96>}, {transform_indices = @transform_1, window_bounds = array<i64: 2, 1000, 96>}, {transform_indices = @transform_2, window_bounds = array<i64: 1000, 96>}, {transform_indices = @transform_3, window_bounds = array<i64: 1000, 96>}, {transform_indices = @transform_4, window_bounds = array<i64: 1, 1, 1000>}, {transform_indices = @transform_5, window_bounds = array<i64: 1, 1, 1000>}, {pipeline_mode = #tpu.pipeline_mode<synchronous>, transform_indices = @transform_6, window_bounds = array<i64: 192>}, {pipeline_mode = #tpu.pipeline_mode<synchronous>, transform_indices = @transform_7, window_bounds = array<i64: 192>}, {pipeline_mode = #tpu.pipeline_mode<synchronous>, transform_indices = @transform_8, window_bounds = array<i64: 192>}, {pipeline_mode = #tpu.pipeline_mode<synchronous>, transform_indices = @transform_9, window_bounds = array<i64: 192>}, {pipeline_mode = #tpu.pipeline_mode<synchronous>, transform_indices = @transform_10, window_bounds = array<i64: 192, 96>}, {pipeline_mode = #tpu.pipeline_mode<synchronous>, transform_indices = @transform_11, window_bounds = array<i64: 96>}, {pipeline_mode = #tpu.pipeline_mode<synchronous>, transform_indices = @transform_12, window_bounds = array<i64: 96, 4>}, {pipeline_mode = #tpu.pipeline_mode<synchronous>, transform_indices = @transform_13, window_bounds = array<i64: 4>}, {pipeline_mode = #tpu.pipeline_mode<synchronous>, transform_indices = @transform_14, window_bounds = array<i64: 64, 4>}]} {
    %get3A = arith.constant 0 : index
    %get3A_0 = arith.constant 0 : index
    %get3A_1 = arith.constant 0 : index
    %get3A_2 = vector.load %arg6[%get3A, %get3A_0, %get3A_1] : memref<1x1x1000xf32, #tpu.memory_space<vmem>>, vector<1x1x1000xf32>
    %get3A_3 = vector.shape_cast %get3A_2 : vector<1x1x1000xf32> to vector<1000xf32>
    %get3A_4 = arith.constant 0 : index
    %get3A_5 = arith.constant 0 : index
    %get3A_6 = arith.constant 0 : index
    %get3A_7 = vector.load %arg7[%get3A_4, %get3A_5, %get3A_6] : memref<1x1x1000xi32, #tpu.memory_space<vmem>>, vector<1x1x1000xi32>
    %get3A_8 = vector.shape_cast %get3A_7 : vector<1x1x1000xi32> to vector<1000xi32>
    %iota3A = tpu.iota {dimensions = array<i32: 1>} : vector<1000x64xi32>
    %broadcast_in_dim3A = vector.shape_cast %get3A_8 : vector<1000xi32> to vector<1000x1xi32>
    %eq3A = vector.broadcast %broadcast_in_dim3A : vector<1000x1xi32> to vector<1000x64xi32>
    %eq3A_9 = arith.cmpi eq, %eq3A, %iota3A : vector<1000x64xi32>
    %convert_element_type3A = arith.extui %eq3A_9 : vector<1000x64xi1> to vector<1000x64xi32>
    %convert_element_type3A_10 = arith.sitofp %convert_element_type3A : vector<1000x64xi32> to vector<1000x64xf32>
    %get3A_11 = arith.constant 0 : index
    %get3A_12 = arith.constant 0 : index
    %get3A_13 = arith.constant 0 : index
    %get3A_14 = vector.load %arg2[%get3A_11, %get3A_12, %get3A_13] : memref<2x1000x96xf32, #tpu.memory_space<vmem>>, vector<1x1000x96xf32>
    %get3A_15 = vector.shape_cast %get3A_14 : vector<1x1000x96xf32> to vector<1000x96xf32>
    %get3A_16 = arith.constant 1 : index
    %get3A_17 = arith.constant 0 : index
    %get3A_18 = arith.constant 0 : index
    %get3A_19 = vector.load %arg2[%get3A_16, %get3A_17, %get3A_18] : memref<2x1000x96xf32, #tpu.memory_space<vmem>>, vector<1x1000x96xf32>
    %get3A_20 = vector.shape_cast %get3A_19 : vector<1x1000x96xf32> to vector<1000x96xf32>
    %add3A = arith.addf %get3A_15, %get3A_20 : vector<1000x96xf32>
    %get3A_21 = arith.constant 0 : index
    %get3A_22 = arith.constant 0 : index
    %get3A_23 = vector.load %arg4[%get3A_21, %get3A_22] : memref<1000x96xf32, #tpu.memory_space<vmem>>, vector<1000x96xf32>
    %add3A_24 = arith.addf %add3A, %get3A_23 : vector<1000x96xf32>
    %broadcast_in_dim3A_25 = vector.shape_cast %get3A_3 : vector<1000xf32> to vector<1000x1xf32>
    %mul3A = vector.broadcast %broadcast_in_dim3A_25 : vector<1000x1xf32> to vector<1000x96xf32>
    %mul3A_26 = arith.mulf %add3A_24, %mul3A : vector<1000x96xf32>
    %get3A_27 = arith.constant 0 : index
    %get3A_28 = vector.load %arg8[%get3A_27] : memref<192xf32, #tpu.memory_space<vmem>>, vector<96xf32>
    %broadcast_in_dim3A_29 = vector.shape_cast %get3A_28 : vector<96xf32> to vector<1x96xf32>
    %add3A_30 = vector.broadcast %broadcast_in_dim3A_29 : vector<1x96xf32> to vector<1000x96xf32>
    %add3A_31 = arith.addf %mul3A_26, %add3A_30 : vector<1000x96xf32>
    %get3A_32 = arith.constant 0 : index
    %get3A_33 = arith.constant 0 : index
    %get3A_34 = arith.constant 0 : index
    %get3A_35 = vector.load %arg3[%get3A_32, %get3A_33, %get3A_34] : memref<2x1000x96xf32, #tpu.memory_space<vmem>>, vector<1x1000x96xf32>
    %get3A_36 = vector.shape_cast %get3A_35 : vector<1x1000x96xf32> to vector<1000x96xf32>
    %get3A_37 = arith.constant 1 : index
    %get3A_38 = arith.constant 0 : index
    %get3A_39 = arith.constant 0 : index
    %get3A_40 = vector.load %arg3[%get3A_37, %get3A_38, %get3A_39] : memref<2x1000x96xf32, #tpu.memory_space<vmem>>, vector<1x1000x96xf32>
    %get3A_41 = vector.shape_cast %get3A_40 : vector<1x1000x96xf32> to vector<1000x96xf32>
    %add3A_42 = arith.addf %get3A_36, %get3A_41 : vector<1000x96xf32>
    %get3A_43 = arith.constant 0 : index
    %get3A_44 = arith.constant 0 : index
    %get3A_45 = vector.load %arg5[%get3A_43, %get3A_44] : memref<1000x96xf32, #tpu.memory_space<vmem>>, vector<1000x96xf32>
    %add3A_46 = arith.addf %add3A_42, %get3A_45 : vector<1000x96xf32>
    %broadcast_in_dim3A_47 = vector.shape_cast %get3A_3 : vector<1000xf32> to vector<1000x1xf32>
    %mul3A_48 = vector.broadcast %broadcast_in_dim3A_47 : vector<1000x1xf32> to vector<1000x96xf32>
    %mul3A_49 = arith.mulf %add3A_46, %mul3A_48 : vector<1000x96xf32>
    %get3A_50 = arith.constant 96 : index
    %get3A_51 = vector.load %arg8[%get3A_50] : memref<192xf32, #tpu.memory_space<vmem>>, vector<96xf32>
    %broadcast_in_dim3A_52 = vector.shape_cast %get3A_51 : vector<96xf32> to vector<1x96xf32>
    %add3A_53 = vector.broadcast %broadcast_in_dim3A_52 : vector<1x96xf32> to vector<1000x96xf32>
    %add3A_54 = arith.addf %mul3A_49, %add3A_53 : vector<1000x96xf32>
    %eq3A_55 = arith.constant 0 : i32
    %eq3A_56 = arith.cmpi eq, %arg0, %eq3A_55 : i32
    %convert_element_type3A_57 = arith.extui %eq3A_56 : i1 to i32
    %cond3A = arith.constant 0 : i32
    %cond3A_58 = arith.cmpi ne, %convert_element_type3A_57, %cond3A : i32
    scf.if %cond3A_58 {
      %eq3A_64 = arith.constant 0 : i32
      %eq3A_65 = arith.cmpi eq, %arg1, %eq3A_64 : i32
      %convert_element_type3A_66 = arith.extui %eq3A_65 : i1 to i32
      %cond3A_67 = arith.constant 0 : i32
      %cond3A_68 = arith.cmpi ne, %convert_element_type3A_66, %cond3A_67 : i32
      scf.if %cond3A_68 {
        %broadcast_in_dim3A_94 = arith.constant 0.000000e+00 : f32
        %broadcast_in_dim3A_95 = vector.broadcast %broadcast_in_dim3A_94 : f32 to vector<64x192xf32>
        %swap3A_96 = arith.constant 0 : index
        %swap3A_97 = arith.constant 0 : index
        %swap3A_98 = vector.load %arg17[%swap3A_96, %swap3A_97] : memref<64x192xf32, #tpu.memory_space<vmem>>, vector<64x192xf32>
        tpu.vector_store %arg17[%swap3A_96, %swap3A_97], %broadcast_in_dim3A_95 {strides = array<i32>} : memref<64x192xf32, #tpu.memory_space<vmem>>, vector<64x192xf32>,
        %broadcast_in_dim3A_99 = arith.constant 0.000000e+00 : f32
        %broadcast_in_dim3A_100 = vector.broadcast %broadcast_in_dim3A_99 : f32 to vector<64x192xf32>
        %swap3A_101 = arith.constant 0 : index
        %swap3A_102 = arith.constant 0 : index
        %swap3A_103 = vector.load %arg18[%swap3A_101, %swap3A_102] : memref<64x192xf32, #tpu.memory_space<vmem>>, vector<64x192xf32>
        tpu.vector_store %arg18[%swap3A_101, %swap3A_102], %broadcast_in_dim3A_100 {strides = array<i32>} : memref<64x192xf32, #tpu.memory_space<vmem>>, vector<64x192xf32>,
        %broadcast_in_dim3A_104 = arith.constant 0.000000e+00 : f32
        %broadcast_in_dim3A_105 = vector.broadcast %broadcast_in_dim3A_104 : f32 to vector<64xf32>
        %swap3A_106 = arith.constant 0 : index
        %swap3A_107 = vector.load %arg19[%swap3A_106] : memref<64xf32, #tpu.memory_space<vmem>>, vector<64xf32>
        tpu.vector_store %arg19[%swap3A_106], %broadcast_in_dim3A_105 {strides = array<i32>} : memref<64xf32, #tpu.memory_space<vmem>>, vector<64xf32>,
        %broadcast_in_dim3A_108 = arith.constant 0.000000e+00 : f32
        %broadcast_in_dim3A_109 = vector.broadcast %broadcast_in_dim3A_108 : f32 to vector<64x192xf32>
        %swap3A_110 = arith.constant 0 : index
        %swap3A_111 = arith.constant 0 : index
        %swap3A_112 = vector.load %arg20[%swap3A_110, %swap3A_111] : memref<64x192xf32, #tpu.memory_space<vmem>>, vector<64x192xf32>
        tpu.vector_store %arg20[%swap3A_110, %swap3A_111], %broadcast_in_dim3A_109 {strides = array<i32>} : memref<64x192xf32, #tpu.memory_space<vmem>>, vector<64x192xf32>,
      } else {
      }
      %get3A_69 = arith.constant 0 : index
      %get3A_70 = vector.load %arg19[%get3A_69] : memref<64xf32, #tpu.memory_space<vmem>>, vector<64xf32>
      %reduce_sum3A = arith.constant dense<0.000000e+00> : vector<64xf32>
      %reduce_sum3A_71 = vector.multi_reduction <add>, %convert_element_type3A_10, %reduce_sum3A [0] : vector<1000x64xf32> to vector<64xf32>
      %add3A_72 = arith.addf %get3A_70, %reduce_sum3A_71 : vector<64xf32>
      %swap3A = arith.constant 0 : index
      %swap3A_73 = vector.load %arg19[%swap3A] : memref<64xf32, #tpu.memory_space<vmem>>, vector<64xf32>
      tpu.vector_store %arg19[%swap3A], %add3A_72 {strides = array<i32>} : memref<64xf32, #tpu.memory_space<vmem>>, vector<64xf32>,
      %mul3A_74 = arith.mulf %add3A_31, %add3A_31 : vector<1000x96xf32>
      %concatenate3A = tpu.concatenate %add3A_31, %mul3A_74 in 1 : vector<1000x96xf32>, vector<1000x96xf32> -> vector<1000x192xf32>
      %get3A_75 = arith.constant 0 : index
      %get3A_76 = arith.constant 0 : index
      %get3A_77 = vector.load %arg17[%get3A_75, %get3A_76] : memref<64x192xf32, #tpu.memory_space<vmem>>, vector<64x192xf32>
      %dot_general3A = arith.constant dense<0.000000e+00> : vector<64x192xf32>
      %dot_general3A_78 = tpu.matmul %convert_element_type3A_10, %concatenate3A, %dot_general3A {dimension_numbers = #tpu.dot_dimension_numbers<[0], [0], [1], [1], [0, 1, 1, 1], [], []>, precision = #tpu.contract_precision<fp32>, transpose_lhs_hint = false} : vector<1000x64xf32>, vector<1000x192xf32>, vector<64x192xf32> -> vector<64x192xf32>
      %add3A_79 = arith.addf %get3A_77, %dot_general3A_78 : vector<64x192xf32>
      %swap3A_80 = arith.constant 0 : index
      %swap3A_81 = arith.constant 0 : index
      %swap3A_82 = vector.load %arg17[%swap3A_80, %swap3A_81] : memref<64x192xf32, #tpu.memory_space<vmem>>, vector<64x192xf32>
      tpu.vector_store %arg17[%swap3A_80, %swap3A_81], %add3A_79 {strides = array<i32>} : memref<64x192xf32, #tpu.memory_space<vmem>>, vector<64x192xf32>,
      %mul3A_83 = arith.mulf %add3A_54, %add3A_54 : vector<1000x96xf32>
      %concatenate3A_84 = tpu.concatenate %add3A_54, %mul3A_83 in 1 : vector<1000x96xf32>, vector<1000x96xf32> -> vector<1000x192xf32>
      %get3A_85 = arith.constant 0 : index
      %get3A_86 = arith.constant 0 : index
      %get3A_87 = vector.load %arg18[%get3A_85, %get3A_86] : memref<64x192xf32, #tpu.memory_space<vmem>>, vector<64x192xf32>
      %dot_general3A_88 = arith.constant dense<0.000000e+00> : vector<64x192xf32>
      %dot_general3A_89 = tpu.matmul %convert_element_type3A_10, %concatenate3A_84, %dot_general3A_88 {dimension_numbers = #tpu.dot_dimension_numbers<[0], [0], [1], [1], [0, 1, 1, 1], [], []>, precision = #tpu.contract_precision<fp32>, transpose_lhs_hint = false} : vector<1000x64xf32>, vector<1000x192xf32>, vector<64x192xf32> -> vector<64x192xf32>
      %add3A_90 = arith.addf %get3A_87, %dot_general3A_89 : vector<64x192xf32>
      %swap3A_91 = arith.constant 0 : index
      %swap3A_92 = arith.constant 0 : index
      %swap3A_93 = vector.load %arg18[%swap3A_91, %swap3A_92] : memref<64x192xf32, #tpu.memory_space<vmem>>, vector<64x192xf32>
      tpu.vector_store %arg18[%swap3A_91, %swap3A_92], %add3A_90 {strides = array<i32>} : memref<64x192xf32, #tpu.memory_space<vmem>>, vector<64x192xf32>,
    } else {
    }
    %eq3A_59 = arith.constant 1 : i32
    %eq3A_60 = arith.cmpi eq, %arg0, %eq3A_59 : i32
    %convert_element_type3A_61 = arith.extui %eq3A_60 : i1 to i32
    %cond3A_62 = arith.constant 0 : i32
    %cond3A_63 = arith.cmpi ne, %convert_element_type3A_61, %cond3A_62 : i32
    scf.if %cond3A_63 {
      %get3A_64 = arith.constant 0 : index
      %get3A_65 = vector.load %arg19[%get3A_64] : memref<64xf32, #tpu.memory_space<vmem>>, vector<64xf32>
      %max3A = arith.constant 1.000000e+00 : f32
      %max3A_66 = vector.broadcast %max3A : f32 to vector<64xf32>
      %max3A_67 = arith.maximumf %get3A_65, %max3A_66 : vector<64xf32>
      %div3A = arith.constant 1.000000e+00 : f32
      %div3A_68 = vector.broadcast %div3A : f32 to vector<64xf32>
      %div3A_69 = arith.divf %div3A_68, %max3A_67 : vector<64xf32>
      %get3A_70 = arith.constant 0 : index
      %get3A_71 = arith.constant 0 : index
      %get3A_72 = vector.load %arg17[%get3A_70, %get3A_71] : memref<64x192xf32, #tpu.memory_space<vmem>>, vector<64x192xf32>
      %get3A_73 = arith.constant 0 : index
      %get3A_74 = vector.load %arg9[%get3A_73] : memref<192xf32, #tpu.memory_space<vmem>>, vector<96xf32>
      %get3A_75 = arith.constant 0 : index
      %get3A_76 = vector.load %arg10[%get3A_75] : memref<192xf32, #tpu.memory_space<vmem>>, vector<96xf32>
      %get3A_77 = arith.constant 0 : index
      %get3A_78 = vector.load %arg11[%get3A_77] : memref<192xf32, #tpu.memory_space<vmem>>, vector<96xf32>
      %broadcast_in_dim3A_79 = vector.shape_cast %div3A_69 : vector<64xf32> to vector<64x1xf32>
      %mul3A_80 = vector.broadcast %broadcast_in_dim3A_79 : vector<64x1xf32> to vector<64x192xf32>
      %mul3A_81 = arith.mulf %get3A_72, %mul3A_80 : vector<64x192xf32>
      %slice3A = vector.extract_strided_slice %mul3A_81 {offsets = [0, 0], sizes = [64, 96], strides = [1, 1]} : vector<64x192xf32> to vector<64x96xf32>
      %slice3A_82 = vector.extract_strided_slice %mul3A_81 {offsets = [0, 96], sizes = [64, 96], strides = [1, 1]} : vector<64x192xf32> to vector<64x96xf32>
      %mul3A_83 = arith.constant 2.000000e+00 : f32
      %mul3A_84 = vector.broadcast %mul3A_83 : f32 to vector<96xf32>
      %mul3A_85 = arith.mulf %mul3A_84, %get3A_78 : vector<96xf32>
      %mul3A_86 = arith.mulf %get3A_78, %get3A_78 : vector<96xf32>
      %sub3A = arith.subf %mul3A_85, %mul3A_86 : vector<96xf32>
      %broadcast_in_dim3A_87 = vector.shape_cast %sub3A : vector<96xf32> to vector<1x96xf32>
      %mul3A_88 = vector.broadcast %broadcast_in_dim3A_87 : vector<1x96xf32> to vector<64x96xf32>
      %mul3A_89 = arith.mulf %mul3A_88, %slice3A : vector<64x96xf32>
      %mul3A_90 = arith.mulf %mul3A_89, %slice3A : vector<64x96xf32>
      %sub3A_91 = arith.subf %slice3A_82, %mul3A_90 : vector<64x96xf32>
      %add3A_92 = arith.constant 9.99999974E-6 : f32
      %add3A_93 = vector.broadcast %add3A_92 : f32 to vector<64x96xf32>
      %add3A_94 = arith.addf %sub3A_91, %add3A_93 : vector<64x96xf32>
      %rsqrt3A = math.rsqrt %add3A_94 : vector<64x96xf32>
      %broadcast_in_dim3A_95 = vector.shape_cast %get3A_78 : vector<96xf32> to vector<1x96xf32>
      %mul3A_96 = vector.broadcast %broadcast_in_dim3A_95 : vector<1x96xf32> to vector<64x96xf32>
      %mul3A_97 = arith.mulf %slice3A, %mul3A_96 : vector<64x96xf32>
      %concatenate3A = tpu.concatenate %mul3A_97, %rsqrt3A in 1 : vector<64x96xf32>, vector<64x96xf32> -> vector<64x192xf32>
      %dot_general3A = arith.constant dense<0.000000e+00> : vector<1000x192xf32>
      %dot_general3A_98 = tpu.matmul %convert_element_type3A_10, %concatenate3A, %dot_general3A {dimension_numbers = #tpu.dot_dimension_numbers<[1], [0], [0], [1], [0, 0, 1, 1], [], []>, precision = #tpu.contract_precision<fp32>, transpose_lhs_hint = false} : vector<1000x64xf32>, vector<64x192xf32>, vector<1000x192xf32> -> vector<1000x192xf32>
      %slice3A_99 = vector.extract_strided_slice %dot_general3A_98 {offsets = [0, 0], sizes = [1000, 96], strides = [1, 1]} : vector<1000x192xf32> to vector<1000x96xf32>
      %sub3A_100 = arith.subf %add3A_31, %slice3A_99 : vector<1000x96xf32>
      %broadcast_in_dim3A_101 = vector.shape_cast %get3A_74 : vector<96xf32> to vector<1x96xf32>
      %mul3A_102 = vector.broadcast %broadcast_in_dim3A_101 : vector<1x96xf32> to vector<1000x96xf32>
      %mul3A_103 = arith.mulf %mul3A_102, %sub3A_100 : vector<1000x96xf32>
      %slice3A_104 = vector.extract_strided_slice %dot_general3A_98 {offsets = [0, 96], sizes = [1000, 96], strides = [1, 1]} : vector<1000x192xf32> to vector<1000x96xf32>
      %mul3A_105 = arith.mulf %mul3A_103, %slice3A_104 : vector<1000x96xf32>
      %broadcast_in_dim3A_106 = vector.shape_cast %get3A_76 : vector<96xf32> to vector<1x96xf32>
      %add3A_107 = vector.broadcast %broadcast_in_dim3A_106 : vector<1x96xf32> to vector<1000x96xf32>
      %add3A_108 = arith.addf %mul3A_105, %add3A_107 : vector<1000x96xf32>
      %max3A_109 = arith.constant 0.000000e+00 : f32
      %max3A_110 = vector.broadcast %max3A_109 : f32 to vector<1000x96xf32>
      %max3A_111 = arith.maximumf %add3A_108, %max3A_110 : vector<1000x96xf32>
      %get3A_112 = arith.constant 0 : index
      %get3A_113 = arith.constant 0 : index
      %get3A_114 = vector.load %arg20[%get3A_112, %get3A_113] : memref<64x192xf32, #tpu.memory_space<vmem>>, vector<64x96xf32>
      %dot_general3A_115 = arith.constant dense<0.000000e+00> : vector<64x96xf32>
      %dot_general3A_116 = tpu.matmul %convert_element_type3A_10, %max3A_111, %dot_general3A_115 {dimension_numbers = #tpu.dot_dimension_numbers<[0], [0], [1], [1], [0, 1, 1, 1], [], []>, precision = #tpu.contract_precision<fp32>, transpose_lhs_hint = false} : vector<1000x64xf32>, vector<1000x96xf32>, vector<64x96xf32> -> vector<64x96xf32>
      %add3A_117 = arith.addf %get3A_114, %dot_general3A_116 : vector<64x96xf32>
      %swap3A = arith.constant 0 : index
      %swap3A_118 = arith.constant 0 : index
      %swap3A_119 = vector.load %arg20[%swap3A, %swap3A_118] : memref<64x192xf32, #tpu.memory_space<vmem>>, vector<64x96xf32>
      tpu.vector_store %arg20[%swap3A, %swap3A_118], %add3A_117 {strides = array<i32>} : memref<64x192xf32, #tpu.memory_space<vmem>>, vector<64x96xf32>,
      %get3A_120 = arith.constant 0 : index
      %get3A_121 = arith.constant 0 : index
      %get3A_122 = vector.load %arg18[%get3A_120, %get3A_121] : memref<64x192xf32, #tpu.memory_space<vmem>>, vector<64x192xf32>
      %get3A_123 = arith.constant 96 : index
      %get3A_124 = vector.load %arg9[%get3A_123] : memref<192xf32, #tpu.memory_space<vmem>>, vector<96xf32>
      %get3A_125 = arith.constant 96 : index
      %get3A_126 = vector.load %arg10[%get3A_125] : memref<192xf32, #tpu.memory_space<vmem>>, vector<96xf32>
      %get3A_127 = arith.constant 96 : index
      %get3A_128 = vector.load %arg11[%get3A_127] : memref<192xf32, #tpu.memory_space<vmem>>, vector<96xf32>
      %broadcast_in_dim3A_129 = vector.shape_cast %div3A_69 : vector<64xf32> to vector<64x1xf32>
      %mul3A_130 = vector.broadcast %broadcast_in_dim3A_129 : vector<64x1xf32> to vector<64x192xf32>
      %mul3A_131 = arith.mulf %get3A_122, %mul3A_130 : vector<64x192xf32>
      %slice3A_132 = vector.extract_strided_slice %mul3A_131 {offsets = [0, 0], sizes = [64, 96], strides = [1, 1]} : vector<64x192xf32> to vector<64x96xf32>
      %slice3A_133 = vector.extract_strided_slice %mul3A_131 {offsets = [0, 96], sizes = [64, 96], strides = [1, 1]} : vector<64x192xf32> to vector<64x96xf32>
      %mul3A_134 = arith.constant 2.000000e+00 : f32
      %mul3A_135 = vector.broadcast %mul3A_134 : f32 to vector<96xf32>
      %mul3A_136 = arith.mulf %mul3A_135, %get3A_128 : vector<96xf32>
      %mul3A_137 = arith.mulf %get3A_128, %get3A_128 : vector<96xf32>
      %sub3A_138 = arith.subf %mul3A_136, %mul3A_137 : vector<96xf32>
      %broadcast_in_dim3A_139 = vector.shape_cast %sub3A_138 : vector<96xf32> to vector<1x96xf32>
      %mul3A_140 = vector.broadcast %broadcast_in_dim3A_139 : vector<1x96xf32> to vector<64x96xf32>
      %mul3A_141 = arith.mulf %mul3A_140, %slice3A_132 : vector<64x96xf32>
      %mul3A_142 = arith.mulf %mul3A_141, %slice3A_132 : vector<64x96xf32>
      %sub3A_143 = arith.subf %slice3A_133, %mul3A_142 : vector<64x96xf32>
      %add3A_144 = arith.constant 9.99999974E-6 : f32
      %add3A_145 = vector.broadcast %add3A_144 : f32 to vector<64x96xf32>
      %add3A_146 = arith.addf %sub3A_143, %add3A_145 : vector<64x96xf32>
      %rsqrt3A_147 = math.rsqrt %add3A_146 : vector<64x96xf32>
      %broadcast_in_dim3A_148 = vector.shape_cast %get3A_128 : vector<96xf32> to vector<1x96xf32>
      %mul3A_149 = vector.broadcast %broadcast_in_dim3A_148 : vector<1x96xf32> to vector<64x96xf32>
      %mul3A_150 = arith.mulf %slice3A_132, %mul3A_149 : vector<64x96xf32>
      %concatenate3A_151 = tpu.concatenate %mul3A_150, %rsqrt3A_147 in 1 : vector<64x96xf32>, vector<64x96xf32> -> vector<64x192xf32>
      %dot_general3A_152 = arith.constant dense<0.000000e+00> : vector<1000x192xf32>
      %dot_general3A_153 = tpu.matmul %convert_element_type3A_10, %concatenate3A_151, %dot_general3A_152 {dimension_numbers = #tpu.dot_dimension_numbers<[1], [0], [0], [1], [0, 0, 1, 1], [], []>, precision = #tpu.contract_precision<fp32>, transpose_lhs_hint = false} : vector<1000x64xf32>, vector<64x192xf32>, vector<1000x192xf32> -> vector<1000x192xf32>
      %slice3A_154 = vector.extract_strided_slice %dot_general3A_153 {offsets = [0, 0], sizes = [1000, 96], strides = [1, 1]} : vector<1000x192xf32> to vector<1000x96xf32>
      %sub3A_155 = arith.subf %add3A_54, %slice3A_154 : vector<1000x96xf32>
      %broadcast_in_dim3A_156 = vector.shape_cast %get3A_124 : vector<96xf32> to vector<1x96xf32>
      %mul3A_157 = vector.broadcast %broadcast_in_dim3A_156 : vector<1x96xf32> to vector<1000x96xf32>
      %mul3A_158 = arith.mulf %mul3A_157, %sub3A_155 : vector<1000x96xf32>
      %slice3A_159 = vector.extract_strided_slice %dot_general3A_153 {offsets = [0, 96], sizes = [1000, 96], strides = [1, 1]} : vector<1000x192xf32> to vector<1000x96xf32>
      %mul3A_160 = arith.mulf %mul3A_158, %slice3A_159 : vector<1000x96xf32>
      %broadcast_in_dim3A_161 = vector.shape_cast %get3A_126 : vector<96xf32> to vector<1x96xf32>
      %add3A_162 = vector.broadcast %broadcast_in_dim3A_161 : vector<1x96xf32> to vector<1000x96xf32>
      %add3A_163 = arith.addf %mul3A_160, %add3A_162 : vector<1000x96xf32>
      %max3A_164 = arith.constant 0.000000e+00 : f32
      %max3A_165 = vector.broadcast %max3A_164 : f32 to vector<1000x96xf32>
      %max3A_166 = arith.maximumf %add3A_163, %max3A_165 : vector<1000x96xf32>
      %get3A_167 = arith.constant 0 : index
      %get3A_168 = arith.constant 96 : index
      %get3A_169 = vector.load %arg20[%get3A_167, %get3A_168] : memref<64x192xf32, #tpu.memory_space<vmem>>, vector<64x96xf32>
      %dot_general3A_170 = arith.constant dense<0.000000e+00> : vector<64x96xf32>
      %dot_general3A_171 = tpu.matmul %convert_element_type3A_10, %max3A_166, %dot_general3A_170 {dimension_numbers = #tpu.dot_dimension_numbers<[0], [0], [1], [1], [0, 1, 1, 1], [], []>, precision = #tpu.contract_precision<fp32>, transpose_lhs_hint = false} : vector<1000x64xf32>, vector<1000x96xf32>, vector<64x96xf32> -> vector<64x96xf32>
      %add3A_172 = arith.addf %get3A_169, %dot_general3A_171 : vector<64x96xf32>
      %swap3A_173 = arith.constant 0 : index
      %swap3A_174 = arith.constant 96 : index
      %swap3A_175 = vector.load %arg20[%swap3A_173, %swap3A_174] : memref<64x192xf32, #tpu.memory_space<vmem>>, vector<64x96xf32>
      tpu.vector_store %arg20[%swap3A_173, %swap3A_174], %add3A_172 {strides = array<i32>} : memref<64x192xf32, #tpu.memory_space<vmem>>, vector<64x96xf32>,
      %eq3A_176 = arith.constant 9 : i32
      %eq3A_177 = arith.cmpi eq, %arg1, %eq3A_176 : i32
      %convert_element_type3A_178 = arith.extui %eq3A_177 : i1 to i32
      %cond3A_179 = arith.constant 0 : i32
      %cond3A_180 = arith.cmpi ne, %convert_element_type3A_178, %cond3A_179 : i32
      scf.if %cond3A_180 {
        %get3A_181 = arith.constant 0 : index
        %get3A_182 = arith.constant 0 : index
        %get3A_183 = vector.load %arg20[%get3A_181, %get3A_182] : memref<64x192xf32, #tpu.memory_space<vmem>>, vector<64x192xf32>
        %broadcast_in_dim3A_184 = vector.shape_cast %div3A_69 : vector<64xf32> to vector<64x1xf32>
        %mul3A_185 = vector.broadcast %broadcast_in_dim3A_184 : vector<64x1xf32> to vector<64x192xf32>
        %mul3A_186 = arith.mulf %get3A_183, %mul3A_185 : vector<64x192xf32>
        %get3A_187 = arith.constant 0 : index
        %get3A_188 = arith.constant 0 : index
        %get3A_189 = vector.load %arg12[%get3A_187, %get3A_188] : memref<192x96xf32, #tpu.memory_space<vmem>>, vector<192x96xf32>
        %dot_general3A_190 = arith.constant dense<0.000000e+00> : vector<64x96xf32>
        %dot_general3A_191 = tpu.matmul %mul3A_186, %get3A_189, %dot_general3A_190 {dimension_numbers = #tpu.dot_dimension_numbers<[1], [0], [0], [1], [0, 0, 1, 1], [], []>, transpose_lhs_hint = false} : vector<64x192xf32>, vector<192x96xf32>, vector<64x96xf32> -> vector<64x96xf32>
        %get3A_192 = arith.constant 0 : index
        %get3A_193 = vector.load %arg13[%get3A_192] : memref<96xf32, #tpu.memory_space<vmem>>, vector<96xf32>
        %broadcast_in_dim3A_194 = vector.shape_cast %get3A_193 : vector<96xf32> to vector<1x96xf32>
        %add3A_195 = vector.broadcast %broadcast_in_dim3A_194 : vector<1x96xf32> to vector<64x96xf32>
        %add3A_196 = arith.addf %dot_general3A_191, %add3A_195 : vector<64x96xf32>
        %max3A_197 = arith.constant 0.000000e+00 : f32
        %max3A_198 = vector.broadcast %max3A_197 : f32 to vector<64x96xf32>
        %max3A_199 = arith.maximumf %add3A_196, %max3A_198 : vector<64x96xf32>
        %get3A_200 = arith.constant 0 : index
        %get3A_201 = arith.constant 0 : index
        %get3A_202 = vector.load %arg14[%get3A_200, %get3A_201] : memref<96x4xf32, #tpu.memory_space<vmem>>, vector<96x4xf32>
        %dot_general3A_203 = arith.constant dense<0.000000e+00> : vector<64x4xf32>
        %dot_general3A_204 = tpu.matmul %max3A_199, %get3A_202, %dot_general3A_203 {dimension_numbers = #tpu.dot_dimension_numbers<[1], [0], [0], [1], [0, 0, 1, 1], [], []>, transpose_lhs_hint = false} : vector<64x96xf32>, vector<96x4xf32>, vector<64x4xf32> -> vector<64x4xf32>
        %get3A_205 = arith.constant 0 : index
        %get3A_206 = vector.load %arg15[%get3A_205] : memref<4xf32, #tpu.memory_space<vmem>>, vector<4xf32>
        %broadcast_in_dim3A_207 = vector.shape_cast %get3A_206 : vector<4xf32> to vector<1x4xf32>
        %add3A_208 = vector.broadcast %broadcast_in_dim3A_207 : vector<1x4xf32> to vector<64x4xf32>
        %add3A_209 = arith.addf %dot_general3A_204, %add3A_208 : vector<64x4xf32>
        %swap3A_210 = arith.constant 0 : index
        %swap3A_211 = arith.constant 0 : index
        %swap3A_212 = vector.load %arg16[%swap3A_210, %swap3A_211] : memref<64x4xf32, #tpu.memory_space<vmem>>, vector<64x4xf32>
        tpu.vector_store %arg16[%swap3A_210, %swap3A_211], %add3A_209 {strides = array<i32>} : memref<64x4xf32, #tpu.memory_space<vmem>>, vector<64x4xf32>,
      } else {
      }
    } else {
    }
    return
  }
  func.func @transform_0(%arg0: i32, %arg1: i32) -> (i32, i32, i32) {
    %c0_i32 = arith.constant 0 : i32
    %c0_i32_0 = arith.constant 0 : i32
    %c0_i32_1 = arith.constant 0 : i32
    return %c0_i32, %arg1, %c0_i32_0 : i32, i32, i32
  }
  func.func @transform_1(%arg0: i32, %arg1: i32) -> (i32, i32, i32) {
    %c0_i32 = arith.constant 0 : i32
    %c0_i32_0 = arith.constant 0 : i32
    %c0_i32_1 = arith.constant 0 : i32
    return %c0_i32, %arg1, %c0_i32_0 : i32, i32, i32
  }
  func.func @transform_2(%arg0: i32, %arg1: i32) -> (i32, i32) {
    %c0_i32 = arith.constant 0 : i32
    %c0_i32_0 = arith.constant 0 : i32
    return %arg1, %c0_i32 : i32, i32
  }
  func.func @transform_3(%arg0: i32, %arg1: i32) -> (i32, i32) {
    %c0_i32 = arith.constant 0 : i32
    %c0_i32_0 = arith.constant 0 : i32
    return %arg1, %c0_i32 : i32, i32
  }
  func.func @transform_4(%arg0: i32, %arg1: i32) -> (i32, i32, i32) {
    %c0_i32 = arith.constant 0 : i32
    %c0_i32_0 = arith.constant 0 : i32
    %c0_i32_1 = arith.constant 0 : i32
    return %arg1, %c0_i32, %c0_i32_0 : i32, i32, i32
  }
  func.func @transform_5(%arg0: i32, %arg1: i32) -> (i32, i32, i32) {
    %c0_i32 = arith.constant 0 : i32
    %c0_i32_0 = arith.constant 0 : i32
    %c0_i32_1 = arith.constant 0 : i32
    return %arg1, %c0_i32, %c0_i32_0 : i32, i32, i32
  }
  func.func @transform_6(%arg0: i32, %arg1: i32) -> i32 {
    %c0_i32 = arith.constant 0 : i32
    %c0_i32_0 = arith.constant 0 : i32
    return %c0_i32 : i32
  }
  func.func @transform_7(%arg0: i32, %arg1: i32) -> i32 {
    %c0_i32 = arith.constant 0 : i32
    %c0_i32_0 = arith.constant 0 : i32
    return %c0_i32 : i32
  }
  func.func @transform_8(%arg0: i32, %arg1: i32) -> i32 {
    %c0_i32 = arith.constant 0 : i32
    %c0_i32_0 = arith.constant 0 : i32
    return %c0_i32 : i32
  }
  func.func @transform_9(%arg0: i32, %arg1: i32) -> i32 {
    %c0_i32 = arith.constant 0 : i32
    %c0_i32_0 = arith.constant 0 : i32
    return %c0_i32 : i32
  }
  func.func @transform_10(%arg0: i32, %arg1: i32) -> (i32, i32) {
    %c0_i32 = arith.constant 0 : i32
    %c0_i32_0 = arith.constant 0 : i32
    %c0_i32_1 = arith.constant 0 : i32
    return %c0_i32, %c0_i32_0 : i32, i32
  }
  func.func @transform_11(%arg0: i32, %arg1: i32) -> i32 {
    %c0_i32 = arith.constant 0 : i32
    %c0_i32_0 = arith.constant 0 : i32
    return %c0_i32 : i32
  }
  func.func @transform_12(%arg0: i32, %arg1: i32) -> (i32, i32) {
    %c0_i32 = arith.constant 0 : i32
    %c0_i32_0 = arith.constant 0 : i32
    %c0_i32_1 = arith.constant 0 : i32
    return %c0_i32, %c0_i32_0 : i32, i32
  }
  func.func @transform_13(%arg0: i32, %arg1: i32) -> i32 {
    %c0_i32 = arith.constant 0 : i32
    %c0_i32_0 = arith.constant 0 : i32
    return %c0_i32 : i32
  }
  func.func @transform_14(%arg0: i32, %arg1: i32) -> (i32, i32) {
    %c0_i32 = arith.constant 0 : i32
    %c0_i32_0 = arith.constant 0 : i32
    %c0_i32_1 = arith.constant 0 : i32
    return %c0_i32, %c0_i32_0 : i32, i32
  }
}

</mosaic_0001>

<sc_bundles>
// kernel: kernel.11.cloned.1.call-start
scs
__scs_entry_jumppad:
0x0: {  	(pc) =	sbr.rel $0x88, $3  }
0x1: {  	(tag) =	ssettag $0x0;
	lr =	simm.s32 $0x1  }
0x2: {  	[smem:$0x3F90] =	sst lr;
	_ =	strace $0xD0000000  }
0x3: {  	_ = 	snop  }
0x4: {  	_ = 	snop  }
0x5: {  	_ = 	snop  }
0x6: {  	_ = 	snop  }
0x7: {  	_ = 	snop  }
__scs_overlays_trampoline_lowered:
0x8: {  	[smem:$0x3F9F] =	sst s0  }
0x9: {  	[smem:$0x3FA0] =	sst s1  }
0xa: {  	[smem:$0x3FA1] =	sst s2  }
0xb: {  	[smem:$0x3FA2] =	sst s3  }
0xc: {  	[smem:$0x3FA3] =	sst s4  }
0xd: {  	[smem:$0x3FA4] =	sst s5  }
0xe: {  	[smem:$0x3FA5] =	sst s6  }
0xf: {  	[smem:$0x3FA6] =	sst s7  }
0x10: {  	[smem:$0x3FA7] =	sst s8  }
0x11: {  	[smem:$0x3FA8] =	sst s9;
	s0 =	simm.s32 @!p0 $0x0  }
0x12: {  	s1 =	sld [smem:$0x3F8E];
	s0 =	simm.s32 @p0 $0x1  }
0x13: {  	[smem:$0x3FA9] =	sst s0;
	s0 =	simm.s32 @!p1 $0x0  }
0x14: {  	s2 =	sld [smem:$0x3F8D];
	s0 =	simm.s32 @p1 $0x1  }
0x15: {  	[smem:$0x3FAA] =	sst s0;
	s0 =	simm.s32 @!p2 $0x0  }
0x16: {  	s3 =	sld [smem:$0x3FDB];
	s0 =	simm.s32 @p2 $0x1  }
0x17: {  	s4 =	simm.s32 $0x1BF5;
	[smem:$0x3FAC] =	sst s0  }
0x18: {  	s0 =	sld [smem:$0x3F8F];
	_ =	swait.ge [sflag:s4], $0x0  }
0x19: {  	s7 =	sld [smem:$0x3F90]  }
0x1a: {  	s8 =	sadd.s32 $0xFFFFE003, lr  }
0x1b: {  	s9 =	sadd.s32 $0xFFFFFEF7, lr;
	s5 =	simm.s32 $0xFFFFFFFF;
	p2 =	slt.u32 s8, $0xFFFFF086  }
0x1c: {  	p1 =	slt.u32 s9, $0xF7A;
	s5 =	simm.s32 @!p2 $0x0  }
0x1d: {  	s5 =	simm.s32 @p1 $0x1;
	p0 =	seq.s32 s7, s2  }
0x1e: {  	s7 =	smul.u32 @!p0 $0xF7A, s2;
	p2 =	seq.s32 @!p0 s5, $0x0  }
0x1f: {  	s9 =	smul.u32 $0xF7A, s1;
	s8 =	simm.s32 @!p0 $0x1BF5;
	p2 =	por !p2, p0  }
0x20: {  	[sflag:s8] =	ssyncset.s32 @!p0 $0xFFFFF086;
	s6 =	sadd.s32 @!p0 s3, s7;
	s7 =	simm.s32 @!p0 $0x108  }
0x21: {  	s3 =	sadd.s32 s3, s9;
	s6 =	sadd.s32 @!p0 $0x88, s6;
	s7 =	simm.s32 @p2 $0x1082  }
0x22: {  	[simem:s7], [sflag:s8] =	dma.local @!p0 [hbm:s6], $0xF7A  }
0x23: {  	s9 =	sor.u32 $0xD0000000, s2;
	s6 =	simm.s32 $0x108;
	_ =	swait.ge @!p0 [sflag:s8], $0x0  }
0x24: {  	s3 =	sadd.s32 $0x88, s3;
	s6 =	simm.s32 @!p1 $0x1082;
	[sflag:s4] =	ssyncset.s32 $0xFFFFF086  }
0x25: {  	[simem:s6], [sflag:s4] =	dma.local [hbm:s3], $0xF7A  }
0x26: {  	[smem:$0x3F90] =	sst s1;
	(tag) =	ssettag s2;
	_ =	strace s9  }
0x27: {  	s1 =	sld [smem:$0x3FA0]  }
0x28: {  	s2 =	sld [smem:$0x3FA1]  }
0x29: {  	s4 =	sld [smem:$0x3FA3]  }
0x2a: {  	p0 =	seq.s32 s5, $0x0;
	s5 =	sld [smem:$0x3FA4]  }
0x2b: {  	s6 =	sld [smem:$0x3FA5]  }
0x2c: {  	s7 =	sld [smem:$0x3FA6]  }
0x2d: {  	s3 =	simm.s32 $0x108;
	s8 =	sld [smem:$0x3FA7]  }
0x2e: {  	s3 =	simm.s32 @!p0 $0x1082;
	s9 =	sld [smem:$0x3FA8]  }
0x2f: {  	lr =	sadd.s32 s0, s3;
	s0 =	sld [smem:$0x3F9F]  }
0x30: {  	s3 =	sld [smem:$0x3FA2]  }
0x31: {  	[smem:$0x3FAB] =	sst s10  }
0x32: {  	s10 =	sld [smem:$0x3FA9];
	_ =	sdelay $0x3  }
0x33: {  	p0 =	seq.s32 s10, $0x1;
	s10 =	sld [smem:$0x3FAB];
	_ =	sdelay $0x3  }
0x34: {  	[smem:$0x3FAB] =	sst s10  }
0x35: {  	s10 =	sld [smem:$0x3FAA];
	_ =	sdelay $0x3  }
0x36: {  	p1 =	seq.s32 s10, $0x1;
	s10 =	sld [smem:$0x3FAB];
	_ =	sdelay $0x3  }
0x37: {  	[smem:$0x3FAB] =	sst s10  }
0x38: {  	s10 =	sld [smem:$0x3FAC]  }
0x39: {  	_ = 	snop;
	(pc) =	sbr.ind lr, $3  }
0x3a: {  	_ = 	snop  }
0x3b: {  	_ = 	snop  }
0x3c: {  	p2 =	seq.s32 s10, $0x1;
	s10 =	sld [smem:$0x3FAB]  }
0x3d: {  	_ =	shalt  }
0x3e: {  	_ =	shalt  }
0x3f: {  	_ =	shalt  }
0x40: {  	_ =	shalt  }
0x41: {  	_ =	shalt  }
0x42: {  	_ =	shalt  }
0x43: {  	_ =	shalt  }
0x44: {  	_ =	shalt  }
0x45: {  	_ =	shalt  }
0x46: {  	_ =	shalt  }
0x47: {  	_ =	shalt  }
0x48: {  	_ =	shalt  }
0x49: {  	_ =	shalt  }
0x4a: {  	_ =	shalt  }
0x4b: {  	_ =	shalt  }
0x4c: {  	_ =	shalt  }
0x4d: {  	_ =	shalt  }
0x4e: {  	_ =	shalt  }
0x4f: {  	_ =	shalt  }
0x50: {  	_ =	shalt  }
0x51: {  	_ =	shalt  }
0x52: {  	_ =	shalt  }
0x53: {  	_ =	shalt  }
0x54: {  	_ =	shalt  }
0x55: {  	_ =	shalt  }
0x56: {  	_ =	shalt  }
0x57: {  	_ =	shalt  }
0x58: {  	_ =	shalt  }
0x59: {  	_ =	shalt  }
0x5a: {  	_ =	shalt  }
0x5b: {  	_ =	shalt  }
0x5c: {  	_ =	shalt  }
0x5d: {  	_ =	shalt  }
0x5e: {  	_ =	shalt  }
0x5f: {  	_ =	shalt  }
0x60: {  	_ =	shalt  }
0x61: {  	_ =	shalt  }
0x62: {  	_ =	shalt  }
0x63: {  	_ =	shalt  }
0x64: {  	_ =	shalt  }
0x65: {  	_ =	shalt  }
0x66: {  	_ =	shalt  }
0x67: {  	_ =	shalt  }
0x68: {  	_ =	shalt  }
0x69: {  	_ =	shalt  }
0x6a: {  	_ =	shalt  }
0x6b: {  	_ =	shalt  }
0x6c: {  	_ =	shalt  }
0x6d: {  	_ =	shalt  }
0x6e: {  	_ =	shalt  }
0x6f: {  	_ =	shalt  }
0x70: {  	_ =	shalt  }
0x71: {  	_ =	shalt  }
0x72: {  	_ =	shalt  }
0x73: {  	_ =	shalt  }
0x74: {  	_ =	shalt  }
0x75: {  	_ =	shalt  }
0x76: {  	_ =	shalt  }
0x77: {  	_ =	shalt  }
0x78: {  	_ =	shalt  }
0x79: {  	_ =	shalt  }
0x7a: {  	_ =	shalt  }
0x7b: {  	_ =	shalt  }
0x7c: {  	_ =	shalt  }
0x7d: {  	_ =	shalt  }
0x7e: {  	_ =	shalt  }
0x7f: {  	_ =	shalt  }
0x80: {  	_ =	shalt  }
0x81: {  	_ =	shalt  }
0x82: {  	_ =	shalt  }
0x83: {  	_ =	shalt  }
0x84: {  	_ =	shalt  }
0x85: {  	_ =	shalt  }
0x86: {  	_ =	shalt  }
0x87: {  	_ =	shalt  }
.Lfunc_end0:
.L_simem_size_0:
called_computation.1_lowered:
.L_overlay_start_0:
0x88: {  	s2 =	sld [smem:$0x3FD9]  }
0x89: {  	s3 =	sld [smem:$0x3FFE];
	_ =	sdelay $0x1  }
0x8a: {  	s1 =	srdreg.scid  }
0x8b: {  	s0 =	sand.u32 $0x1, s1  }
0x8c: {  	s16 =	sshll.u32 s0, $0xA;
	s2 =	sadd.s32 s3, s2  }
0x8d: {  	s2 =	sadd.s32 s2, s16  }
0x8e: {  	[smem:$0x3FB7] =	sst s2  }
0x8f: {  	_ = 	snop  }
0x90: {  	(tm) =	ssettm $0x1  }
0x91: {  	s17 =	sld [smem:$0x3FFB];
	_ =	sdelay $0x3  }
0x92: {  	_ =	strace s17  }
0x93: {  	s2 =	sld [smem:$0x3FFC];
	_ =	sdelay $0x3  }
0x94: {  	_ =	strace s2  }
0x95: {  	s2 =	sld [smem:$0x3FFD];
	_ =	sdelay $0x3  }
0x96: {  	_ =	strace s2  }
0x97: {  	_ =	strace $0x8FFFFFFF  }
0x98: {  	s18 =	sld [smem:$0x3FDB];
	_ =	sdelay $0x1  }
0x99: {  	s19 =	simm.s32 $_scs_section_size  }
0x9a: {  	s4 =	simm.s32 $_size__tile_overlayer_lowered;
	s5 =	simm.s32 $_tile_overlayer_lowered  }
0x9b: {  	s22 =	simm.s32 $0x1BFF;
	s21 =	sshll.u32 s5, $0x1;
	s2 =	sadd.s32 s19, s18  }
0x9c: {  	s6 =	simm.s32 $0x0;
	s20 =	sshll.u32 s4, $0x1;
	s4 =	sadd.s32 s21, s2  }
0x9d: {  	[timem:s6], [sflag:s22] =	dma.local [hbm:s4], s20  }
0x9e: {  	_ =	swait.ge [sflag:s22], s20  }
0x9f: {  	s3 =	ssub.s32 $0x0, s20;
	[sflag:s22] =	ssyncset.done $0x0  }
0xa0: {  	[sflag:s22] =	ssyncadd.s32 s3;
	_ =	sdelay $0x1  }
0xa1: {  	s23 =	simm.s32 $0x1B8B  }
0xa2: {  	_ =	swait.ge [sflag:s23], $0x1  }
0xa3: {  	[sflag:s23] =	ssyncset.done $0x0  }
0xa4: {  	s25 =	simm.s32 $0x1B8E;
	s24 =	sld [smem:$0x3FFE];
	[sflag:s23] =	ssyncadd.s32 $0xFFFFFFFF  }
0xa5: {  	s26 =	simm.s32 $execute0_lowered;
	[smem:$0x3FD2] =	sst s25  }
0xa6: {  	s4 =	sshll.u32 s26, $0x1;
	_ =	strace $0x80000049;
	[dreg:$0x1] =	wrdreg $0xFFFFFFFF  }
0xa7: {  	s28 =	simm.s32 $_size_execute0_lowered;
	s2 =	sadd.s32 s2, s4;
	[dreg:$0x0] =	wrdreg $0x0  }
0xa8: {  	s4 =	sshll.u32 s28, $0x1;
	[dreg:$0x2] =	wrdreg s2  }
0xa9: {  	[dreg:$0x3] =	wrdreg s4  }
0xaa: {  	[dreg:$0x4] =	wrdreg $0xC0  }
0xab: {  	_ =	task [dreg:s6], $0x5FFFF  }
0xac: {  	[dreg:$0x1] =	wrdreg $0xFFFFFFFF  }
0xad: {  	[dreg:$0x0] =	wrdreg $0x60  }
0xae: {  	[dreg:$0x2] =	wrdreg s24  }
0xaf: {  	[dreg:$0x3] =	wrdreg $0x10DC00  }
0xb0: {  	[dreg:$0x4] =	wrdreg $0x9  }
0xb1: {  	_ =	task.clear_ibuf [dreg:s6], $0x5FFFF;
	_ =	strace $0x90000049  }
0xb2: {  	s29 =	simm.s32 $0x9;
	_ =	strace $0x8000004B  }
0xb3: {  	_ =	swait.ge [sflag:s29], $0x1  }
0xb4: {  	[sflag:s29] =	ssyncadd.s32 $0xFFFFFFFF  }
0xb5: {  	_ =	strace $0x9000004B  }
0xb6: {  	_ =	sfence  }
0xb7: {  	s30 =	sld [smem:$0x0];
	_ =	sdelay $0x2  }
0xb8: {  	s31 =	sshll.u32 s1, $0xD;
	s1 =	sshrl.u32 s1, $0x2  }
0xb9: {  	s3 =	sand.u32 $0x4000, s31;
	s1 =	sadd.s32 s1, s30  }
0xba: {  	s0 =	sor.u32 s3, s0;
	s1 =	sshll.u32 s1, $0x11  }
0xbb: {  	s0 =	sor.u32 s1, s0  }
0xbc: {  	s0 =	sadd.s32 $0x8F2B, s0  }
0xbd: {  	[sflag:s0] =	ssyncadd.remote.s32 $0x1  }
0xbe: {  	_ =	sfence.sel $0xFFFF  }
0xbf: {  	[dreg:$0x0] =	wrdreg $0xFFFFFFFF;
	(pc) =	sbr.abs _section_cstart, $3  }
0xc0: {  	[dreg:$0x1] =	wrdreg $0xFFFFFFFF  }
0xc1: {  	_ =	task.clear_ibuf [dreg:s6], $0x2FFFF;
	_ =	strace $0x9FFFFFFF  }
0xc2: {  	(tm) =	ssettm $0x7FFFFFFF  }
0xc3: {  	_ =	shalt  }
tec
execute0_lowered:
.L_overlay_start_1:
0x0: {  	(tag) =	ssettag $0x1  }
0x1: {  	s0 =	rddreg [dreg:$0x0]  }
0x2: {  	s1 =	rddreg [dreg:$0x1];
	s14 =	stileid.u32  }
0x3: {  	s2 =	srdreg.scid;
	s3 =	simm.s32 $0x0;
	s7 =	smul.u32 $0x2800, s14  }
0x4: {  	s30 =	simm.s32 $0x3;
	s31 =	simm.s32 $0x5000;
	s8 =	smul.u32 $0x280, s14  }
0x5: {  	s2 =	sand.u32 $0x1, s2;
	[smem:$0x7FF] =	sst s3;
	s9 =	smul.u32 $0xF000, s14  }
0x6: {  	s4 =	sadd.s32 $0x40600, s0;
	s5 =	sadd.s32 $0x23000, s0;
	s14 =	smul.u32 $0x3C000, s14  }
0x7: {  	s11 =	sadd.s32 $0x99C00, s0;
	s6 =	smul.u32 $0x28000, s2;
	_ =	strace $0x8000004A  }
0x8: {  	s23 =	smul.u32 $0xF0000, s2;
	s2 =	ssub.s32 $0x2, s2;
	s8 =	sadd.s32 $0x80, s8  }
0x9: {  	s12 =	sshrl.u32 s2, $0x1;
	s28 =	sadd.s32 $0x9000, s9;
	s29 =	sadd.s32 $0xC000, s9  }
0xa: {  	s22 =	sshrl.u32 s14, $0x2;
	s6 =	sadd.s32 s7, s6;
	s10 =	smul.u32 $0x60, s8  }
0xb: {  	s2 =	ssub.s32 s2, s12;
	s24 =	sadd.s32 s23, s9;
	s17 =	sadd.s32 s23, s28  }
0xc: {  	s7 =	sadd.s32 s23, s29;
	s21 =	smul.u32 $0x180, s8;
	s28 =	sadd.s32 s28, s1  }
0xd: {  	s29 =	sadd.s32 s29, s1;
	s8 =	simm.s32 $0x2;
	s6 =	sshrl.u32 s6, $0x3  }
0xe: {  	s12 =	sshrl.u32 s24, $0x3;
	s17 =	sshrl.u32 s17, $0x3;
	s7 =	sshrl.u32 s7, $0x3  }
0xf: {  	s2 =	smax.u32 s2, $0x1;
	s24 =	sadd.s32 $0x24000, s14;
	s6 =	sadd.s32 s6, s0  }
0x10: {  	s0 =	sadd.s32 $0x5DC00, s0;
	s15 =	sadd.s32 s11, s12;
	[dreg:$0xf] =	wrdreg s2  }
0x11: {  	s13 =	sadd.s32 s23, s10;
	s26 =	sadd.s32 s11, s17;
	[dreg:$0x3] =	wrdreg s15  }
0x12: {  	s2 =	sshrl.u32 s24, $0x2;
	[dreg:$0x6] =	wrdreg s26;
	s12 =	sadd.s32 s0, s12  }
0x13: {  	s13 =	sshrl.u32 s13, $0x3;
	s19 =	sadd.s32 s0, s17;
	[dreg:$0x8] =	wrdreg s12  }
0x14: {  	s15 =	sadd.s32 $0x6000, s9;
	s20 =	sadd.s32 $0x19000, s6;
	[dreg:$0xb] =	wrdreg s19  }
0x15: {  	s6 =	sadd.s32 $0x5000, s6;
	s25 =	sadd.s32 s11, s13;
	[dreg:$0xd] =	wrdreg s20  }
0x16: {  	s16 =	sadd.s32 s23, s15;
	s13 =	sadd.s32 s0, s13;
	[dreg:$0xe] =	wrdreg s6  }
0x17: {  	s20 =	sadd.s32 s22, s1;
	s23 =	sadd.s32 $0x18000, s14;
	s6 =	simm.s32 $0x7EE0  }
0x18: {  	s12 =	simm.s32 $0xDDC0;
	[dreg:$0x4] =	wrdreg s25;
	s16 =	sshrl.u32 s16, $0x3  }
0x19: {  	[dreg:$0x9] =	wrdreg s13;
	s25 =	sadd.s32 $0x30000, s14;
	s13 =	simm.s32 $0x0  }
0x1a: {  	s18 =	sadd.s32 s11, s16;
	s11 =	sadd.s32 s11, s7;
	s26 =	sshrl.u32 s25, $0x2  }
0x1b: {  	s25 =	sadd.s32 s10, s1;
	s10 =	simm.s32 $0x4F00;
	[dreg:$0x5] =	wrdreg s18  }
0x1c: {  	[dreg:$0x7] =	wrdreg s11;
	s18 =	sadd.s32 s0, s16;
	s0 =	sadd.s32 s0, s7  }
0x1d: {  	s24 =	sadd.s32 s26, s1;
	s26 =	sadd.s32 s15, s1;
	[dreg:$0xa] =	wrdreg s18  }
0x1e: {  	s7 =	simm.s32 $0x1;
	s11 =	simm.s32 $0x4F80;
	[dreg:$0xc] =	wrdreg s0  }
0x1f: {  	s18 =	sadd.s32 s9, s1;
	s0 =	sshrl.u32 s21, $0x2;
	s9 =	simm.s32 $0x2780  }
0x20: {  	s21 =	sadd.s32 s0, s1;
	s0 =	sshrl.u32 s23, $0x2;
	s23 =	sadd.s32 s2, s1  }
0x21: {  	v0 =	vimm.f32 $0.0e+00;
	s2 =	simm.s32 $0x7D;
	s22 =	sadd.s32 s0, s1;
	s0 =	simm.s32 $0xADC0  }
.LBB2_1:
0x22: {  	s14 =	simm.s32 $0x0  }
0x23: {  	[tilespmem:s14+$0xAE10] =	vst v0  }
0x24: {  	[tilespmem:s14+$0xADC0] =	vst v0  }
0x25: {  	[tilespmem:s14+$0xADD0] =	vst v0  }
0x26: {  	[tilespmem:s14+$0xADE0] =	vst v0  }
0x27: {  	s15 =	simm.s32 $0x180;
	[tilespmem:s14+$0xADF0] =	vst v0  }
.LBB2_2:
0x28: {  	p0 =	sne.s32 s15, $0xBE80;
	[tilespmem:s14+$0xAE00] =	vst v0;
	s14 =	sshra.s32 s15, $0x2;
	s15 =	sadd.s32 $0x180, s15  }
.Ltmp0:
0x29: {  	[tilespmem:s14+$0xAE10] =	vst v0;
	(pc) =	sbr.rel @p0 .LBB2_2-.Ltmp0, $4  }
0x2a: {  	[tilespmem:s14+$0xADC0] =	vst v0  }
0x2b: {  	[tilespmem:s14+$0xADD0] =	vst v0  }
0x2c: {  	[tilespmem:s14+$0xADE0] =	vst v0  }
0x2d: {  	[tilespmem:s14+$0xADF0] =	vst v0  }
0x2e: {  	[tilespmem:s14+$0xAE00] =	vst v0;
	s17 =	simm.s32 $0x0;
	s15 =	rddreg [dreg:$0xd]  }
0x2f: {  	[tilespmem:s17], [sflag:$0x3] =	stream.linear.gather [hbm4b:s15+s17], $0x2800, $0x38;
	[tilespmem:$0x1FDC0] =	vst v63  }
0x30: {  	_ =	swait.ge [sflag:s30], $0x2800  }
0x31: {  	[sflag:s30] =	ssyncset.done $0x0  }
0x32: {  	s16 =	simm.s32 $0x2800;
	s19 =	rddreg [dreg:$0xe];
	[sflag:s30] =	ssyncadd.s32 $0xFFFFD800  }
0x33: {  	[tilespmem:s16], [sflag:$0x3] =	stream.linear.gather [hbm4b:s19+s17], $0x2800, $0x38;
	[tilespmem:$0x1FDC0] =	vst v63  }
0x34: {  	_ =	swait.ge [sflag:s30], $0x2800  }
0x35: {  	[sflag:s30] =	ssyncset.done $0x0  }
0x36: {  	[sflag:s30] =	ssyncadd.s32 $0xFFFFD800  }
0x37: {  	[spmem:s20] =	stream.linear.scatter [tilespmem:s0], [sflag:$0x3], $0x3000, $0x38;
	[tilespmem:$0x1FDC0] =	vst v63  }
0x38: {  	_ =	swait.ge [sflag:s30], $0x3000  }
0x39: {  	[sflag:s30] =	ssyncset.done $0x0  }
0x3a: {  	[sflag:s30] =	ssyncadd.s32 $0xFFFFD000  }
0x3b: {  	[spmem:s21] =	stream.linear.scatter [tilespmem:s0], [sflag:$0x3], $0x3000, $0x38;
	[tilespmem:$0x1FDC0] =	vst v63  }
0x3c: {  	_ =	swait.ge [sflag:s30], $0x3000  }
0x3d: {  	[sflag:s30] =	ssyncset.done $0x0  }
0x3e: {  	[sflag:s30] =	ssyncadd.s32 $0xFFFFD000  }
0x3f: {  	[spmem:s22] =	stream.linear.scatter [tilespmem:s0], [sflag:$0x3], $0x3000, $0x38;
	[tilespmem:$0x1FDC0] =	vst v63  }
0x40: {  	_ =	swait.ge [sflag:s30], $0x3000  }
0x41: {  	[sflag:s30] =	ssyncset.done $0x0  }
0x42: {  	[sflag:s30] =	ssyncadd.s32 $0xFFFFD000  }
0x43: {  	[spmem:s23] =	stream.linear.scatter [tilespmem:s0], [sflag:$0x3], $0x3000, $0x38;
	[tilespmem:$0x1FDC0] =	vst v63  }
0x44: {  	_ =	swait.ge [sflag:s30], $0x3000  }
0x45: {  	[sflag:s30] =	ssyncset.done $0x0  }
0x46: {  	[sflag:s30] =	ssyncadd.s32 $0xFFFFD000  }
0x47: {  	[spmem:s24] =	stream.linear.scatter [tilespmem:s0], [sflag:$0x3], $0x3000, $0x38;
	[tilespmem:$0x1FDC0] =	vst v63  }
0x48: {  	_ =	swait.ge [sflag:s30], $0x3000  }
0x49: {  	[sflag:s30] =	ssyncset.done $0x0  }
0x4a: {  	[sflag:s30] =	ssyncadd.s32 $0xFFFFD000  }
0x4b: {  	[bflag:$0x0] =	sbarrier.arrive $0xFFFF  }
0x4c: {  	[tilespmem:s31], [sflag:$0x1] =	stream.indirect.gather [hbm4b:s4+s2], $0x60, s17, s2, $0xb8;
	[tilespmem:$0x1FDC0] =	vst v63  }
0x4d: {  	s15 =	simm.s32 $0x80  }
0x4e: {  	[tilespmem:s6], [sflag:$0x2] =	stream.indirect.gather [hbm4b:s4+s2], $0x60, s15, s2, $0xb8;
	[tilespmem:$0x1FDC0] =	vst v63  }
0x4f: {  	_ =	swait.ge [sflag:s7], $0x2EE0  }
0x50: {  	[sflag:s7] =	ssyncset.done $0x0  }
0x51: {  	s16 =	simm.s32 $0x2800;
	[sflag:s7] =	ssyncadd.s32 $0xFFFFD120  }
0x52: {  	[spmem:s1] =	stream.indirect.scatter.add.f32 [tilespmem:s31], [sflag:$0x3], $0x60, s16, s2, $0xb8;
	[tilespmem:$0x1FDC0] =	vst v63  }
0x53: {  	_ =	swait.ge [sflag:s30], $0x2EE0  }
0x54: {  	[sflag:s30] =	ssyncset.done $0x0  }
0x55: {  	s17 =	simm.s32 $0x100;
	[sflag:s30] =	ssyncadd.s32 $0xFFFFD120  }
0x56: {  	[tilespmem:s31], [sflag:$0x1] =	stream.indirect.gather [hbm4b:s4+s2], $0x60, s17, s2, $0xb8;
	[tilespmem:$0x1FDC0] =	vst v63  }
0x57: {  	_ =	swait.ge [sflag:s8], $0x2EE0  }
0x58: {  	[sflag:s8] =	ssyncset.done $0x0  }
0x59: {  	s19 =	simm.s32 $0x2880;
	[sflag:s8] =	ssyncadd.s32 $0xFFFFD120  }
0x5a: {  	[spmem:s1] =	stream.indirect.scatter.add.f32 [tilespmem:s6], [sflag:$0x3], $0x60, s19, s2, $0xb8;
	[tilespmem:$0x1FDC0] =	vst v63  }
0x5b: {  	_ =	swait.ge [sflag:s30], $0x2EE0  }
0x5c: {  	s14 =	simm.s32 $0x100;
	s15 =	simm.s32 $0x800;
	[sflag:s30] =	ssyncset.done $0x0  }
.LBB2_4:
0x5d: {  	s16 =	sadd.s32 $0x80, s14  }
0x5e: {  	[sflag:s30] =	ssyncadd.s32 $0xFFFFD120;
	s17 =	smov.u32 s15;
	s19 =	sadd.s32 $0x400, s15  }
0x5f: {  	[tilespmem:s6], [sflag:$0x2] =	stream.indirect.gather [hbm4b:s4+s2], $0x60, s16, s2, $0xb8;
	[tilespmem:$0x1FDC0] =	vst v63  }
0x60: {  	p0 =	sne.s32 s15, $0x9800;
	_ =	swait.ge [sflag:s7], $0x2EE0  }
0x61: {  	[sflag:s7] =	ssyncset.done $0x0  }
0x62: {  	s15 =	sadd.s32 $0x2800, s14;
	[sflag:s7] =	ssyncadd.s32 $0xFFFFD120  }
0x63: {  	[spmem:s1] =	stream.indirect.scatter.add.f32 [tilespmem:s31], [sflag:$0x3], $0x60, s15, s2, $0xb8;
	[tilespmem:$0x1FDC0] =	vst v63  }
0x64: {  	_ =	swait.ge [sflag:s30], $0x2EE0  }
0x65: {  	[sflag:s30] =	ssyncset.done $0x0  }
0x66: {  	s15 =	sadd.s32 $0x100, s14;
	[sflag:s30] =	ssyncadd.s32 $0xFFFFD120  }
0x67: {  	[tilespmem:s31], [sflag:$0x1] =	stream.indirect.gather [hbm4b:s4+s2], $0x60, s15, s2, $0xb8;
	[tilespmem:$0x1FDC0] =	vst v63  }
0x68: {  	_ =	swait.ge [sflag:s8], $0x2EE0  }
.Ltmp1:
0x69: {  	[sflag:s8] =	ssyncset.done $0x0;
	(pc) =	sbr.rel @p0 .LBB2_4-.Ltmp1, $4  }
0x6a: {  	s14 =	sadd.s32 $0x2880, s14;
	[sflag:s8] =	ssyncadd.s32 $0xFFFFD120  }
0x6b: {  	[spmem:s1] =	stream.indirect.scatter.add.f32 [tilespmem:s6], [sflag:$0x3], $0x60, s14, s2, $0xb8;
	[tilespmem:$0x1FDC0] =	vst v63  }
0x6c: {  	_ =	swait.ge [sflag:s30], $0x2EE0  }
0x6d: {  	s15 =	smov.u32 s19;
	s14 =	sshra.s32 s17, $0x2;
	[sflag:s30] =	ssyncset.done $0x0  }
0x6e: {  	s15 =	sadd.s32 $0x80, s14;
	[sflag:s30] =	ssyncadd.s32 $0xFFFFD120  }
0x6f: {  	[tilespmem:s6], [sflag:$0x2] =	stream.indirect.gather [hbm4b:s4+s2], $0x60, s15, s2, $0xb8;
	[tilespmem:$0x1FDC0] =	vst v63  }
0x70: {  	_ =	swait.ge [sflag:s7], $0x2EE0  }
0x71: {  	[sflag:s7] =	ssyncset.done $0x0  }
0x72: {  	s17 =	sadd.s32 $0x2800, s14;
	[sflag:s7] =	ssyncadd.s32 $0xFFFFD120  }
0x73: {  	[spmem:s1] =	stream.indirect.scatter.add.f32 [tilespmem:s31], [sflag:$0x3], $0x60, s17, s2, $0xb8;
	[tilespmem:$0x1FDC0] =	vst v63  }
0x74: {  	_ =	swait.ge [sflag:s30], $0x2EE0  }
0x75: {  	[sflag:s30] =	ssyncset.done $0x0  }
0x76: {  	s19 =	sadd.s32 $0x100, s14;
	[sflag:s30] =	ssyncadd.s32 $0xFFFFD120  }
0x77: {  	[tilespmem:s31], [sflag:$0x1] =	stream.indirect.gather [hbm4b:s4+s2], $0x60, s19, s2, $0xb8;
	[tilespmem:$0x1FDC0] =	vst v63  }
0x78: {  	_ =	swait.ge [sflag:s8], $0x2EE0  }
0x79: {  	[sflag:s8] =	ssyncset.done $0x0  }
0x7a: {  	s16 =	sadd.s32 $0x2880, s14;
	[sflag:s8] =	ssyncadd.s32 $0xFFFFD120  }
0x7b: {  	[spmem:s1] =	stream.indirect.scatter.add.f32 [tilespmem:s6], [sflag:$0x3], $0x60, s16, s2, $0xb8;
	[tilespmem:$0x1FDC0] =	vst v63  }
0x7c: {  	_ =	swait.ge [sflag:s30], $0x2EE0  }
0x7d: {  	[sflag:s30] =	ssyncset.done $0x0  }
0x7e: {  	[sflag:s30] =	ssyncadd.s32 $0xFFFFD120  }
0x7f: {  	[tilespmem:s6], [sflag:$0x2] =	stream.indirect.gather [hbm4b:s4+s2], $0x60, s9, s2, $0xb8;
	[tilespmem:$0x1FDC0] =	vst v63  }
0x80: {  	_ =	swait.ge [sflag:s7], $0x2EE0  }
0x81: {  	[sflag:s7] =	ssyncset.done $0x0  }
0x82: {  	[sflag:s7] =	ssyncadd.s32 $0xFFFFD120  }
0x83: {  	[spmem:s1] =	stream.indirect.scatter.add.f32 [tilespmem:s31], [sflag:$0x3], $0x60, s10, s2, $0xb8;
	[tilespmem:$0x1FDC0] =	vst v63  }
0x84: {  	_ =	swait.ge [sflag:s30], $0x2EE0  }
0x85: {  	[sflag:s30] =	ssyncset.done $0x0  }
0x86: {  	[sflag:s30] =	ssyncadd.s32 $0xFFFFD120  }
0x87: {  	_ =	swait.ge [sflag:s8], $0x2EE0  }
0x88: {  	[sflag:s8] =	ssyncset.done $0x0  }
0x89: {  	[sflag:s8] =	ssyncadd.s32 $0xFFFFD120  }
0x8a: {  	[spmem:s1] =	stream.indirect.scatter.add.f32 [tilespmem:s6], [sflag:$0x3], $0x60, s11, s2, $0xb8;
	[tilespmem:$0x1FDC0] =	vst v63  }
0x8b: {  	_ =	swait.ge [sflag:s30], $0x2EE0  }
0x8c: {  	[sflag:s30] =	ssyncset.done $0x0  }
0x8d: {  	[sflag:s30] =	ssyncadd.s32 $0xFFFFD120  }
0x8e: {  	[bflag:$0x0] =	sbarrier.arrive $0xFFFF  }
0x8f: {  	[tilespmem:s12], [sflag:$0x3] =	stream.linear.gather [spmem:s18], $0x3000, $0x38;
	[tilespmem:$0x1FDC0] =	vst v63  }
0x90: {  	_ =	swait.ge [sflag:s30], $0x3000  }
0x91: {  	[sflag:s30] =	ssyncset.done $0x0  }
0x92: {  	s14 =	simm.s32 $0x0;
	s17 =	rddreg [dreg:$0x3];
	[sflag:s30] =	ssyncadd.s32 $0xFFFFD000  }
0x93: {  	[hbm4b:s17+s14] =	stream.linear.scatter [tilespmem:s12], [sflag:$0x3], $0x3000, $0x38;
	[tilespmem:$0x1FDC0] =	vst v63  }
0x94: {  	_ =	swait.ge [sflag:s30], $0x3000  }
0x95: {  	[sflag:s30] =	ssyncset.done $0x0  }
0x96: {  	[sflag:s30] =	ssyncadd.s32 $0xFFFFD000  }
0x97: {  	[tilespmem:s12], [sflag:$0x3] =	stream.linear.gather [spmem:s25], $0x3000, $0x38;
	[tilespmem:$0x1FDC0] =	vst v63  }
0x98: {  	_ =	swait.ge [sflag:s30], $0x3000  }
0x99: {  	[sflag:s30] =	ssyncset.done $0x0  }
0x9a: {  	s19 =	rddreg [dreg:$0x4];
	[sflag:s30] =	ssyncadd.s32 $0xFFFFD000  }
0x9b: {  	[hbm4b:s19+s14] =	stream.linear.scatter [tilespmem:s12], [sflag:$0x3], $0x3000, $0x38;
	[tilespmem:$0x1FDC0] =	vst v63  }
0x9c: {  	_ =	swait.ge [sflag:s30], $0x3000  }
0x9d: {  	[sflag:s30] =	ssyncset.done $0x0  }
0x9e: {  	[sflag:s30] =	ssyncadd.s32 $0xFFFFD000  }
0x9f: {  	[tilespmem:s12], [sflag:$0x3] =	stream.linear.gather [spmem:s26], $0x3000, $0x38;
	[tilespmem:$0x1FDC0] =	vst v63  }
0xa0: {  	_ =	swait.ge [sflag:s30], $0x3000  }
0xa1: {  	[sflag:s30] =	ssyncset.done $0x0  }
0xa2: {  	s16 =	rddreg [dreg:$0x5];
	[sflag:s30] =	ssyncadd.s32 $0xFFFFD000  }
0xa3: {  	[hbm4b:s16+s14] =	stream.linear.scatter [tilespmem:s12], [sflag:$0x3], $0x3000, $0x38;
	[tilespmem:$0x1FDC0] =	vst v63  }
0xa4: {  	_ =	swait.ge [sflag:s30], $0x3000  }
0xa5: {  	[sflag:s30] =	ssyncset.done $0x0  }
0xa6: {  	[sflag:s30] =	ssyncadd.s32 $0xFFFFD000  }
0xa7: {  	[tilespmem:s12], [sflag:$0x3] =	stream.linear.gather [spmem:s28], $0x3000, $0x38;
	[tilespmem:$0x1FDC0] =	vst v63  }
0xa8: {  	_ =	swait.ge [sflag:s30], $0x3000  }
0xa9: {  	[sflag:s30] =	ssyncset.done $0x0  }
0xaa: {  	s17 =	rddreg [dreg:$0x6];
	[sflag:s30] =	ssyncadd.s32 $0xFFFFD000  }
0xab: {  	[hbm4b:s17+s14] =	stream.linear.scatter [tilespmem:s12], [sflag:$0x3], $0x3000, $0x38;
	[tilespmem:$0x1FDC0] =	vst v63  }
0xac: {  	_ =	swait.ge [sflag:s30], $0x3000  }
0xad: {  	[sflag:s30] =	ssyncset.done $0x0  }
0xae: {  	[sflag:s30] =	ssyncadd.s32 $0xFFFFD000  }
0xaf: {  	[tilespmem:s12], [sflag:$0x3] =	stream.linear.gather [spmem:s29], $0x3000, $0x38;
	[tilespmem:$0x1FDC0] =	vst v63  }
0xb0: {  	_ =	swait.ge [sflag:s30], $0x3000  }
0xb1: {  	[sflag:s30] =	ssyncset.done $0x0  }
0xb2: {  	s19 =	rddreg [dreg:$0x7];
	[sflag:s30] =	ssyncadd.s32 $0xFFFFD000  }
0xb3: {  	[hbm4b:s19+s14] =	stream.linear.scatter [tilespmem:s12], [sflag:$0x3], $0x3000, $0x38;
	[tilespmem:$0x1FDC0] =	vst v63  }
0xb4: {  	_ =	swait.ge [sflag:s30], $0x3000  }
0xb5: {  	[sflag:s30] =	ssyncset.done $0x0  }
0xb6: {  	[sflag:s30] =	ssyncadd.s32 $0xFFFFD000  }
0xb7: {  	[spmem:s20] =	stream.linear.scatter [tilespmem:s0], [sflag:$0x3], $0x3000, $0x38;
	[tilespmem:$0x1FDC0] =	vst v63  }
0xb8: {  	_ =	swait.ge [sflag:s30], $0x3000  }
0xb9: {  	[sflag:s30] =	ssyncset.done $0x0  }
0xba: {  	[sflag:s30] =	ssyncadd.s32 $0xFFFFD000  }
0xbb: {  	[spmem:s21] =	stream.linear.scatter [tilespmem:s0], [sflag:$0x3], $0x3000, $0x38;
	[tilespmem:$0x1FDC0] =	vst v63  }
0xbc: {  	_ =	swait.ge [sflag:s30], $0x3000  }
0xbd: {  	[sflag:s30] =	ssyncset.done $0x0  }
0xbe: {  	[sflag:s30] =	ssyncadd.s32 $0xFFFFD000  }
0xbf: {  	[spmem:s22] =	stream.linear.scatter [tilespmem:s0], [sflag:$0x3], $0x3000, $0x38;
	[tilespmem:$0x1FDC0] =	vst v63  }
0xc0: {  	_ =	swait.ge [sflag:s30], $0x3000  }
0xc1: {  	[sflag:s30] =	ssyncset.done $0x0  }
0xc2: {  	[sflag:s30] =	ssyncadd.s32 $0xFFFFD000  }
0xc3: {  	[spmem:s23] =	stream.linear.scatter [tilespmem:s0], [sflag:$0x3], $0x3000, $0x38;
	[tilespmem:$0x1FDC0] =	vst v63  }
0xc4: {  	_ =	swait.ge [sflag:s30], $0x3000  }
0xc5: {  	[sflag:s30] =	ssyncset.done $0x0  }
0xc6: {  	[sflag:s30] =	ssyncadd.s32 $0xFFFFD000  }
0xc7: {  	[spmem:s24] =	stream.linear.scatter [tilespmem:s0], [sflag:$0x3], $0x3000, $0x38;
	[tilespmem:$0x1FDC0] =	vst v63  }
0xc8: {  	_ =	swait.ge [sflag:s30], $0x3000  }
0xc9: {  	[sflag:s30] =	ssyncset.done $0x0  }
0xca: {  	[sflag:s30] =	ssyncadd.s32 $0xFFFFD000  }
0xcb: {  	[bflag:$0x0] =	sbarrier.arrive $0xFFFF  }
0xcc: {  	[tilespmem:s31], [sflag:$0x1] =	stream.indirect.gather [hbm4b:s5+s2], $0x60, s14, s2, $0xb8;
	[tilespmem:$0x1FDC0] =	vst v63  }
0xcd: {  	s15 =	simm.s32 $0x80  }
0xce: {  	[tilespmem:s6], [sflag:$0x2] =	stream.indirect.gather [hbm4b:s5+s2], $0x60, s15, s2, $0xb8;
	[tilespmem:$0x1FDC0] =	vst v63  }
0xcf: {  	_ =	swait.ge [sflag:s7], $0x2EE0  }
0xd0: {  	[sflag:s7] =	ssyncset.done $0x0  }
0xd1: {  	s16 =	simm.s32 $0x2800;
	[sflag:s7] =	ssyncadd.s32 $0xFFFFD120  }
0xd2: {  	[spmem:s1] =	stream.indirect.scatter.add.f32 [tilespmem:s31], [sflag:$0x3], $0x60, s16, s2, $0xb8;
	[tilespmem:$0x1FDC0] =	vst v63  }
0xd3: {  	_ =	swait.ge [sflag:s30], $0x2EE0  }
0xd4: {  	[sflag:s30] =	ssyncset.done $0x0  }
0xd5: {  	s17 =	simm.s32 $0x100;
	[sflag:s30] =	ssyncadd.s32 $0xFFFFD120  }
0xd6: {  	[tilespmem:s31], [sflag:$0x1] =	stream.indirect.gather [hbm4b:s5+s2], $0x60, s17, s2, $0xb8;
	[tilespmem:$0x1FDC0] =	vst v63  }
0xd7: {  	_ =	swait.ge [sflag:s8], $0x2EE0  }
0xd8: {  	[sflag:s8] =	ssyncset.done $0x0  }
0xd9: {  	s19 =	simm.s32 $0x2880;
	[sflag:s8] =	ssyncadd.s32 $0xFFFFD120  }
0xda: {  	[spmem:s1] =	stream.indirect.scatter.add.f32 [tilespmem:s6], [sflag:$0x3], $0x60, s19, s2, $0xb8;
	[tilespmem:$0x1FDC0] =	vst v63  }
0xdb: {  	_ =	swait.ge [sflag:s30], $0x2EE0  }
0xdc: {  	s14 =	simm.s32 $0x100;
	s15 =	simm.s32 $0x800;
	[sflag:s30] =	ssyncset.done $0x0  }
.LBB2_6:
0xdd: {  	s16 =	sadd.s32 $0x80, s14  }
0xde: {  	[sflag:s30] =	ssyncadd.s32 $0xFFFFD120;
	s17 =	smov.u32 s15;
	s19 =	sadd.s32 $0x400, s15  }
0xdf: {  	[tilespmem:s6], [sflag:$0x2] =	stream.indirect.gather [hbm4b:s5+s2], $0x60, s16, s2, $0xb8;
	[tilespmem:$0x1FDC0] =	vst v63  }
0xe0: {  	p0 =	sne.s32 s15, $0x9800;
	_ =	swait.ge [sflag:s7], $0x2EE0  }
0xe1: {  	[sflag:s7] =	ssyncset.done $0x0  }
0xe2: {  	s15 =	sadd.s32 $0x2800, s14;
	[sflag:s7] =	ssyncadd.s32 $0xFFFFD120  }
0xe3: {  	[spmem:s1] =	stream.indirect.scatter.add.f32 [tilespmem:s31], [sflag:$0x3], $0x60, s15, s2, $0xb8;
	[tilespmem:$0x1FDC0] =	vst v63  }
0xe4: {  	_ =	swait.ge [sflag:s30], $0x2EE0  }
0xe5: {  	[sflag:s30] =	ssyncset.done $0x0  }
0xe6: {  	s15 =	sadd.s32 $0x100, s14;
	[sflag:s30] =	ssyncadd.s32 $0xFFFFD120  }
0xe7: {  	[tilespmem:s31], [sflag:$0x1] =	stream.indirect.gather [hbm4b:s5+s2], $0x60, s15, s2, $0xb8;
	[tilespmem:$0x1FDC0] =	vst v63  }
0xe8: {  	_ =	swait.ge [sflag:s8], $0x2EE0  }
.Ltmp2:
0xe9: {  	[sflag:s8] =	ssyncset.done $0x0;
	(pc) =	sbr.rel @p0 .LBB2_6-.Ltmp2, $4  }
0xea: {  	s14 =	sadd.s32 $0x2880, s14;
	[sflag:s8] =	ssyncadd.s32 $0xFFFFD120  }
0xeb: {  	[spmem:s1] =	stream.indirect.scatter.add.f32 [tilespmem:s6], [sflag:$0x3], $0x60, s14, s2, $0xb8;
	[tilespmem:$0x1FDC0] =	vst v63  }
0xec: {  	_ =	swait.ge [sflag:s30], $0x2EE0  }
0xed: {  	s15 =	smov.u32 s19;
	s14 =	sshra.s32 s17, $0x2;
	[sflag:s30] =	ssyncset.done $0x0  }
0xee: {  	s15 =	sadd.s32 $0x80, s14;
	[sflag:s30] =	ssyncadd.s32 $0xFFFFD120  }
0xef: {  	[tilespmem:s6], [sflag:$0x2] =	stream.indirect.gather [hbm4b:s5+s2], $0x60, s15, s2, $0xb8;
	[tilespmem:$0x1FDC0] =	vst v63  }
0xf0: {  	_ =	swait.ge [sflag:s7], $0x2EE0  }
0xf1: {  	[sflag:s7] =	ssyncset.done $0x0  }
0xf2: {  	s17 =	sadd.s32 $0x2800, s14;
	[sflag:s7] =	ssyncadd.s32 $0xFFFFD120  }
0xf3: {  	[spmem:s1] =	stream.indirect.scatter.add.f32 [tilespmem:s31], [sflag:$0x3], $0x60, s17, s2, $0xb8;
	[tilespmem:$0x1FDC0] =	vst v63  }
0xf4: {  	_ =	swait.ge [sflag:s30], $0x2EE0  }
0xf5: {  	[sflag:s30] =	ssyncset.done $0x0  }
0xf6: {  	s19 =	sadd.s32 $0x100, s14;
	[sflag:s30] =	ssyncadd.s32 $0xFFFFD120  }
0xf7: {  	[tilespmem:s31], [sflag:$0x1] =	stream.indirect.gather [hbm4b:s5+s2], $0x60, s19, s2, $0xb8;
	[tilespmem:$0x1FDC0] =	vst v63  }
0xf8: {  	_ =	swait.ge [sflag:s8], $0x2EE0  }
0xf9: {  	[sflag:s8] =	ssyncset.done $0x0  }
0xfa: {  	s16 =	sadd.s32 $0x2880, s14;
	[sflag:s8] =	ssyncadd.s32 $0xFFFFD120  }
0xfb: {  	[spmem:s1] =	stream.indirect.scatter.add.f32 [tilespmem:s6], [sflag:$0x3], $0x60, s16, s2, $0xb8;
	[tilespmem:$0x1FDC0] =	vst v63  }
0xfc: {  	_ =	swait.ge [sflag:s30], $0x2EE0  }
0xfd: {  	[sflag:s30] =	ssyncset.done $0x0  }
0xfe: {  	[sflag:s30] =	ssyncadd.s32 $0xFFFFD120  }
0xff: {  	[tilespmem:s6], [sflag:$0x2] =	stream.indirect.gather [hbm4b:s5+s2], $0x60, s9, s2, $0xb8;
	[tilespmem:$0x1FDC0] =	vst v63  }
0x100: {  	_ =	swait.ge [sflag:s7], $0x2EE0  }
0x101: {  	[sflag:s7] =	ssyncset.done $0x0  }
0x102: {  	[sflag:s7] =	ssyncadd.s32 $0xFFFFD120  }
0x103: {  	[spmem:s1] =	stream.indirect.scatter.add.f32 [tilespmem:s31], [sflag:$0x3], $0x60, s10, s2, $0xb8;
	[tilespmem:$0x1FDC0] =	vst v63  }
0x104: {  	_ =	swait.ge [sflag:s30], $0x2EE0  }
0x105: {  	[sflag:s30] =	ssyncset.done $0x0  }
0x106: {  	[sflag:s30] =	ssyncadd.s32 $0xFFFFD120  }
0x107: {  	_ =	swait.ge [sflag:s8], $0x2EE0  }
0x108: {  	[sflag:s8] =	ssyncset.done $0x0  }
0x109: {  	[sflag:s8] =	ssyncadd.s32 $0xFFFFD120  }
0x10a: {  	[spmem:s1] =	stream.indirect.scatter.add.f32 [tilespmem:s6], [sflag:$0x3], $0x60, s11, s2, $0xb8;
	[tilespmem:$0x1FDC0] =	vst v63  }
0x10b: {  	_ =	swait.ge [sflag:s30], $0x2EE0  }
0x10c: {  	[sflag:s30] =	ssyncset.done $0x0  }
0x10d: {  	[sflag:s30] =	ssyncadd.s32 $0xFFFFD120  }
0x10e: {  	[bflag:$0x0] =	sbarrier.arrive $0xFFFF  }
0x10f: {  	[tilespmem:s12], [sflag:$0x3] =	stream.linear.gather [spmem:s18], $0x3000, $0x38;
	[tilespmem:$0x1FDC0] =	vst v63  }
0x110: {  	_ =	swait.ge [sflag:s30], $0x3000  }
0x111: {  	[sflag:s30] =	ssyncset.done $0x0  }
0x112: {  	s17 =	rddreg [dreg:$0x8];
	[sflag:s30] =	ssyncadd.s32 $0xFFFFD000  }
0x113: {  	[hbm4b:s17+s3] =	stream.linear.scatter [tilespmem:s12], [sflag:$0x3], $0x3000, $0x38;
	[tilespmem:$0x1FDC0] =	vst v63  }
0x114: {  	_ =	swait.ge [sflag:s30], $0x3000  }
0x115: {  	[sflag:s30] =	ssyncset.done $0x0  }
0x116: {  	[sflag:s30] =	ssyncadd.s32 $0xFFFFD000  }
0x117: {  	[tilespmem:s12], [sflag:$0x3] =	stream.linear.gather [spmem:s25], $0x3000, $0x38;
	[tilespmem:$0x1FDC0] =	vst v63  }
0x118: {  	_ =	swait.ge [sflag:s30], $0x3000  }
0x119: {  	[sflag:s30] =	ssyncset.done $0x0  }
0x11a: {  	s19 =	rddreg [dreg:$0x9];
	[sflag:s30] =	ssyncadd.s32 $0xFFFFD000  }
0x11b: {  	[hbm4b:s19+s3] =	stream.linear.scatter [tilespmem:s12], [sflag:$0x3], $0x3000, $0x38;
	[tilespmem:$0x1FDC0] =	vst v63  }
0x11c: {  	_ =	swait.ge [sflag:s30], $0x3000  }
0x11d: {  	[sflag:s30] =	ssyncset.done $0x0  }
0x11e: {  	[sflag:s30] =	ssyncadd.s32 $0xFFFFD000  }
0x11f: {  	[tilespmem:s12], [sflag:$0x3] =	stream.linear.gather [spmem:s26], $0x3000, $0x38;
	[tilespmem:$0x1FDC0] =	vst v63  }
0x120: {  	_ =	swait.ge [sflag:s30], $0x3000  }
0x121: {  	[sflag:s30] =	ssyncset.done $0x0  }
0x122: {  	s15 =	rddreg [dreg:$0xa];
	[sflag:s30] =	ssyncadd.s32 $0xFFFFD000  }
0x123: {  	[hbm4b:s15+s3] =	stream.linear.scatter [tilespmem:s12], [sflag:$0x3], $0x3000, $0x38;
	[tilespmem:$0x1FDC0] =	vst v63  }
0x124: {  	_ =	swait.ge [sflag:s30], $0x3000  }
0x125: {  	[sflag:s30] =	ssyncset.done $0x0  }
0x126: {  	[sflag:s30] =	ssyncadd.s32 $0xFFFFD000  }
0x127: {  	[tilespmem:s12], [sflag:$0x3] =	stream.linear.gather [spmem:s28], $0x3000, $0x38;
	[tilespmem:$0x1FDC0] =	vst v63  }
0x128: {  	_ =	swait.ge [sflag:s30], $0x3000  }
0x129: {  	[sflag:s30] =	ssyncset.done $0x0  }
0x12a: {  	s16 =	rddreg [dreg:$0xb];
	[sflag:s30] =	ssyncadd.s32 $0xFFFFD000  }
0x12b: {  	[hbm4b:s16+s3] =	stream.linear.scatter [tilespmem:s12], [sflag:$0x3], $0x3000, $0x38;
	[tilespmem:$0x1FDC0] =	vst v63  }
0x12c: {  	_ =	swait.ge [sflag:s30], $0x3000  }
0x12d: {  	[sflag:s30] =	ssyncset.done $0x0  }
0x12e: {  	[sflag:s30] =	ssyncadd.s32 $0xFFFFD000  }
0x12f: {  	[tilespmem:s12], [sflag:$0x3] =	stream.linear.gather [spmem:s29], $0x3000, $0x38;
	[tilespmem:$0x1FDC0] =	vst v63  }
0x130: {  	_ =	swait.ge [sflag:s30], $0x3000  }
0x131: {  	[sflag:s30] =	ssyncset.done $0x0  }
0x132: {  	s17 =	rddreg [dreg:$0xc];
	[sflag:s30] =	ssyncadd.s32 $0xFFFFD000  }
0x133: {  	[hbm4b:s17+s3] =	stream.linear.scatter [tilespmem:s12], [sflag:$0x3], $0x3000, $0x38;
	[tilespmem:$0x1FDC0] =	vst v63  }
0x134: {  	_ =	swait.ge [sflag:s30], $0x3000  }
0x135: {  	s13 =	sadd.s32 $0x1, s13;
	s19 =	rddreg [dreg:$0xf]  }
0x136: {  	p0 =	sne.s32 s13, s19  }
.Ltmp3:
0x137: {  	_ = 	snop;
	(pc) =	sbr.rel @p0 .LBB2_1-.Ltmp3, $3  }
0x138: {  	_ =	sdelay $0x1  }
0x139: {  	[sflag:s30] =	ssyncset.done $0x0  }
0x13a: {  	[sflag:s30] =	ssyncadd.s32 $0xFFFFD000  }
0x13b: {  	_ =	sfence.sel $0x180000  }
0x13c: {  	[bflag:$0x0] =	sbarrier.arrive $0xFFFF  }
0x13d: {  	_ =	strace $0x9000004A  }
0x13e: {  	s0 =	stileid.u32;
	[bflag:$0x2] =	sbarrier.arrive $0xFFFF  }
0x13f: {  	p0 =	sne.s32 s0, $0x0;
	s0 =	rddreg [dreg:$0x2]  }
0x140: {  	s0 =	sadd.s32 @!p0 $0x100000, s0  }
0x141: {  	[sflag:s0] =	ssyncadd.tile.s32 @!p0 $0x1;
	_ =	shalt  }
.Lfunc_end2:
_tile_overlayer_lowered:
.L_overlay_start_2:
0x142: {  	(tag) =	ssettag $0x2  }
0x143: {  	s0 =	rddreg [dreg:$0x0];
	s2 =	stileid.u32  }
0x144: {  	s1 =	rddreg [dreg:$0x1];
	p0 =	sne.s32 s2, $0x0  }
0x145: {  	s3 =	rddreg [dreg:$0x2];
	[bflag:$0x3] =	sbarrier.arrive $0xFFFF;
	s2 =	simm.s32 @!p0 $0x1C03  }
0x146: {  	[timem:s3], [sflag:s2] =	dma.local @!p0 [hbm:s0], s1  }
0x147: {  	s0 =	simm.s32 @!p0 $0x3  }
0x148: {  	_ =	swait.ge @!p0 [sflag:s0], s1  }
0x149: {  	s1 =	ssub.s32 @!p0 $0x0, s1;
	[sflag:s0] =	ssyncset.done @!p0 $0x0  }
0x14a: {  	[sflag:s0] =	ssyncadd.s32 @!p0 s1  }
0x14b: {  	[bflag:$0x3] =	sbarrier.arrive $0xFFFF  }
0x14c: {  	_ =	shalt  }

// kernel: kernel.14.cloned.1.call-start
scs
__scs_entry_jumppad:
0x0: {  	(pc) =	sbr.rel $0x88, $3  }
0x1: {  	(tag) =	ssettag $0x0;
	lr =	simm.s32 $0x1  }
0x2: {  	[smem:$0x3F90] =	sst lr;
	_ =	strace $0xD0000000  }
0x3: {  	_ = 	snop  }
0x4: {  	_ = 	snop  }
0x5: {  	_ = 	snop  }
0x6: {  	_ = 	snop  }
0x7: {  	_ = 	snop  }
__scs_overlays_trampoline_lowered:
0x8: {  	[smem:$0x3F9F] =	sst s0  }
0x9: {  	[smem:$0x3FA0] =	sst s1  }
0xa: {  	[smem:$0x3FA1] =	sst s2  }
0xb: {  	[smem:$0x3FA2] =	sst s3  }
0xc: {  	[smem:$0x3FA3] =	sst s4  }
0xd: {  	[smem:$0x3FA4] =	sst s5  }
0xe: {  	[smem:$0x3FA5] =	sst s6  }
0xf: {  	[smem:$0x3FA6] =	sst s7  }
0x10: {  	[smem:$0x3FA7] =	sst s8  }
0x11: {  	[smem:$0x3FA8] =	sst s9;
	s0 =	simm.s32 @!p0 $0x0  }
0x12: {  	s1 =	sld [smem:$0x3F8E];
	s0 =	simm.s32 @p0 $0x1  }
0x13: {  	[smem:$0x3FA9] =	sst s0;
	s0 =	simm.s32 @!p1 $0x0  }
0x14: {  	s2 =	sld [smem:$0x3F8D];
	s0 =	simm.s32 @p1 $0x1  }
0x15: {  	[smem:$0x3FAA] =	sst s0;
	s0 =	simm.s32 @!p2 $0x0  }
0x16: {  	s3 =	sld [smem:$0x3FDB];
	s0 =	simm.s32 @p2 $0x1  }
0x17: {  	s4 =	simm.s32 $0x1BF5;
	[smem:$0x3FAC] =	sst s0  }
0x18: {  	s0 =	sld [smem:$0x3F8F];
	_ =	swait.ge [sflag:s4], $0x0  }
0x19: {  	s7 =	sld [smem:$0x3F90]  }
0x1a: {  	s8 =	sadd.s32 $0xFFFFE003, lr  }
0x1b: {  	s9 =	sadd.s32 $0xFFFFFEF7, lr;
	s5 =	simm.s32 $0xFFFFFFFF;
	p2 =	slt.u32 s8, $0xFFFFF086  }
0x1c: {  	p1 =	slt.u32 s9, $0xF7A;
	s5 =	simm.s32 @!p2 $0x0  }
0x1d: {  	s5 =	simm.s32 @p1 $0x1;
	p0 =	seq.s32 s7, s2  }
0x1e: {  	s7 =	smul.u32 @!p0 $0xF7A, s2;
	p2 =	seq.s32 @!p0 s5, $0x0  }
0x1f: {  	s9 =	smul.u32 $0xF7A, s1;
	s8 =	simm.s32 @!p0 $0x1BF5;
	p2 =	por !p2, p0  }
0x20: {  	[sflag:s8] =	ssyncset.s32 @!p0 $0xFFFFF086;
	s6 =	sadd.s32 @!p0 s3, s7;
	s7 =	simm.s32 @!p0 $0x108  }
0x21: {  	s3 =	sadd.s32 s3, s9;
	s6 =	sadd.s32 @!p0 $0x88, s6;
	s7 =	simm.s32 @p2 $0x1082  }
0x22: {  	[simem:s7], [sflag:s8] =	dma.local @!p0 [hbm:s6], $0xF7A  }
0x23: {  	s9 =	sor.u32 $0xD0000000, s2;
	s6 =	simm.s32 $0x108;
	_ =	swait.ge @!p0 [sflag:s8], $0x0  }
0x24: {  	s3 =	sadd.s32 $0x88, s3;
	s6 =	simm.s32 @!p1 $0x1082;
	[sflag:s4] =	ssyncset.s32 $0xFFFFF086  }
0x25: {  	[simem:s6], [sflag:s4] =	dma.local [hbm:s3], $0xF7A  }
0x26: {  	[smem:$0x3F90] =	sst s1;
	(tag) =	ssettag s2;
	_ =	strace s9  }
0x27: {  	s1 =	sld [smem:$0x3FA0]  }
0x28: {  	s2 =	sld [smem:$0x3FA1]  }
0x29: {  	s4 =	sld [smem:$0x3FA3]  }
0x2a: {  	p0 =	seq.s32 s5, $0x0;
	s5 =	sld [smem:$0x3FA4]  }
0x2b: {  	s6 =	sld [smem:$0x3FA5]  }
0x2c: {  	s7 =	sld [smem:$0x3FA6]  }
0x2d: {  	s3 =	simm.s32 $0x108;
	s8 =	sld [smem:$0x3FA7]  }
0x2e: {  	s3 =	simm.s32 @!p0 $0x1082;
	s9 =	sld [smem:$0x3FA8]  }
0x2f: {  	lr =	sadd.s32 s0, s3;
	s0 =	sld [smem:$0x3F9F]  }
0x30: {  	s3 =	sld [smem:$0x3FA2]  }
0x31: {  	[smem:$0x3FAB] =	sst s10  }
0x32: {  	s10 =	sld [smem:$0x3FA9];
	_ =	sdelay $0x3  }
0x33: {  	p0 =	seq.s32 s10, $0x1;
	s10 =	sld [smem:$0x3FAB];
	_ =	sdelay $0x3  }
0x34: {  	[smem:$0x3FAB] =	sst s10  }
0x35: {  	s10 =	sld [smem:$0x3FAA];
	_ =	sdelay $0x3  }
0x36: {  	p1 =	seq.s32 s10, $0x1;
	s10 =	sld [smem:$0x3FAB];
	_ =	sdelay $0x3  }
0x37: {  	[smem:$0x3FAB] =	sst s10  }
0x38: {  	s10 =	sld [smem:$0x3FAC]  }
0x39: {  	_ = 	snop;
	(pc) =	sbr.ind lr, $3  }
0x3a: {  	_ = 	snop  }
0x3b: {  	_ = 	snop  }
0x3c: {  	p2 =	seq.s32 s10, $0x1;
	s10 =	sld [smem:$0x3FAB]  }
0x3d: {  	_ =	shalt  }
0x3e: {  	_ =	shalt  }
0x3f: {  	_ =	shalt  }
0x40: {  	_ =	shalt  }
0x41: {  	_ =	shalt  }
0x42: {  	_ =	shalt  }
0x43: {  	_ =	shalt  }
0x44: {  	_ =	shalt  }
0x45: {  	_ =	shalt  }
0x46: {  	_ =	shalt  }
0x47: {  	_ =	shalt  }
0x48: {  	_ =	shalt  }
0x49: {  	_ =	shalt  }
0x4a: {  	_ =	shalt  }
0x4b: {  	_ =	shalt  }
0x4c: {  	_ =	shalt  }
0x4d: {  	_ =	shalt  }
0x4e: {  	_ =	shalt  }
0x4f: {  	_ =	shalt  }
0x50: {  	_ =	shalt  }
0x51: {  	_ =	shalt  }
0x52: {  	_ =	shalt  }
0x53: {  	_ =	shalt  }
0x54: {  	_ =	shalt  }
0x55: {  	_ =	shalt  }
0x56: {  	_ =	shalt  }
0x57: {  	_ =	shalt  }
0x58: {  	_ =	shalt  }
0x59: {  	_ =	shalt  }
0x5a: {  	_ =	shalt  }
0x5b: {  	_ =	shalt  }
0x5c: {  	_ =	shalt  }
0x5d: {  	_ =	shalt  }
0x5e: {  	_ =	shalt  }
0x5f: {  	_ =	shalt  }
0x60: {  	_ =	shalt  }
0x61: {  	_ =	shalt  }
0x62: {  	_ =	shalt  }
0x63: {  	_ =	shalt  }
0x64: {  	_ =	shalt  }
0x65: {  	_ =	shalt  }
0x66: {  	_ =	shalt  }
0x67: {  	_ =	shalt  }
0x68: {  	_ =	shalt  }
0x69: {  	_ =	shalt  }
0x6a: {  	_ =	shalt  }
0x6b: {  	_ =	shalt  }
0x6c: {  	_ =	shalt  }
0x6d: {  	_ =	shalt  }
0x6e: {  	_ =	shalt  }
0x6f: {  	_ =	shalt  }
0x70: {  	_ =	shalt  }
0x71: {  	_ =	shalt  }
0x72: {  	_ =	shalt  }
0x73: {  	_ =	shalt  }
0x74: {  	_ =	shalt  }
0x75: {  	_ =	shalt  }
0x76: {  	_ =	shalt  }
0x77: {  	_ =	shalt  }
0x78: {  	_ =	shalt  }
0x79: {  	_ =	shalt  }
0x7a: {  	_ =	shalt  }
0x7b: {  	_ =	shalt  }
0x7c: {  	_ =	shalt  }
0x7d: {  	_ =	shalt  }
0x7e: {  	_ =	shalt  }
0x7f: {  	_ =	shalt  }
0x80: {  	_ =	shalt  }
0x81: {  	_ =	shalt  }
0x82: {  	_ =	shalt  }
0x83: {  	_ =	shalt  }
0x84: {  	_ =	shalt  }
0x85: {  	_ =	shalt  }
0x86: {  	_ =	shalt  }
0x87: {  	_ =	shalt  }
.Lfunc_end0:
.L_simem_size_0:
called_computation.2_lowered:
.L_overlay_start_0:
0x88: {  	s2 =	sld [smem:$0x3FD9]  }
0x89: {  	s3 =	sld [smem:$0x3FFE];
	_ =	sdelay $0x1  }
0x8a: {  	s1 =	srdreg.scid  }
0x8b: {  	s0 =	sand.u32 $0x1, s1  }
0x8c: {  	s16 =	sshll.u32 s0, $0xA;
	s2 =	sadd.s32 s3, s2  }
0x8d: {  	s2 =	sadd.s32 s2, s16  }
0x8e: {  	[smem:$0x3FB7] =	sst s2  }
0x8f: {  	_ = 	snop  }
0x90: {  	(tm) =	ssettm $0x1  }
0x91: {  	s17 =	sld [smem:$0x3FFB];
	_ =	sdelay $0x3  }
0x92: {  	_ =	strace s17  }
0x93: {  	s2 =	sld [smem:$0x3FFC];
	_ =	sdelay $0x3  }
0x94: {  	_ =	strace s2  }
0x95: {  	s2 =	sld [smem:$0x3FFD];
	_ =	sdelay $0x3  }
0x96: {  	_ =	strace s2  }
0x97: {  	_ =	strace $0x8FFFFFFF  }
0x98: {  	s18 =	sld [smem:$0x3FDB];
	_ =	sdelay $0x1  }
0x99: {  	s19 =	simm.s32 $_scs_section_size  }
0x9a: {  	s4 =	simm.s32 $_size__tile_overlayer_lowered;
	s5 =	simm.s32 $_tile_overlayer_lowered  }
0x9b: {  	s22 =	simm.s32 $0x1BFF;
	s21 =	sshll.u32 s5, $0x1;
	s2 =	sadd.s32 s19, s18  }
0x9c: {  	s6 =	simm.s32 $0x0;
	s20 =	sshll.u32 s4, $0x1;
	s4 =	sadd.s32 s21, s2  }
0x9d: {  	[timem:s6], [sflag:s22] =	dma.local [hbm:s4], s20  }
0x9e: {  	_ =	swait.ge [sflag:s22], s20  }
0x9f: {  	s3 =	ssub.s32 $0x0, s20;
	[sflag:s22] =	ssyncset.done $0x0  }
0xa0: {  	[sflag:s22] =	ssyncadd.s32 s3;
	_ =	sdelay $0x1  }
0xa1: {  	s23 =	simm.s32 $0x1B8B  }
0xa2: {  	_ =	swait.ge [sflag:s23], $0x1  }
0xa3: {  	[sflag:s23] =	ssyncset.done $0x0  }
0xa4: {  	s25 =	simm.s32 $0x1B8E;
	s24 =	sld [smem:$0x3FFE];
	[sflag:s23] =	ssyncadd.s32 $0xFFFFFFFF  }
0xa5: {  	s26 =	simm.s32 $execute0_lowered;
	[smem:$0x3FD2] =	sst s25  }
0xa6: {  	s4 =	sshll.u32 s26, $0x1;
	_ =	strace $0x8000004C;
	[dreg:$0x1] =	wrdreg $0xFFFFFFFF  }
0xa7: {  	s28 =	simm.s32 $_size_execute0_lowered;
	s2 =	sadd.s32 s2, s4;
	[dreg:$0x0] =	wrdreg $0x0  }
0xa8: {  	s4 =	sshll.u32 s28, $0x1;
	[dreg:$0x2] =	wrdreg s2  }
0xa9: {  	[dreg:$0x3] =	wrdreg s4  }
0xaa: {  	[dreg:$0x4] =	wrdreg $0xC0  }
0xab: {  	_ =	task [dreg:s6], $0x5FFFF  }
0xac: {  	[dreg:$0x1] =	wrdreg $0xFFFFFFFF  }
0xad: {  	[dreg:$0x0] =	wrdreg $0x60  }
0xae: {  	[dreg:$0x2] =	wrdreg s24  }
0xaf: {  	[dreg:$0x3] =	wrdreg $0x10DC00  }
0xb0: {  	[dreg:$0x4] =	wrdreg $0x9  }
0xb1: {  	_ =	task.clear_ibuf [dreg:s6], $0x5FFFF;
	_ =	strace $0x9000004C  }
0xb2: {  	s29 =	simm.s32 $0x9;
	_ =	strace $0x8000004E  }
0xb3: {  	_ =	swait.ge [sflag:s29], $0x1  }
0xb4: {  	[sflag:s29] =	ssyncadd.s32 $0xFFFFFFFF  }
0xb5: {  	_ =	strace $0x9000004E  }
0xb6: {  	_ =	sfence  }
0xb7: {  	s30 =	sld [smem:$0x0];
	_ =	sdelay $0x2  }
0xb8: {  	s31 =	sshll.u32 s1, $0xD;
	s1 =	sshrl.u32 s1, $0x2  }
0xb9: {  	s3 =	sand.u32 $0x4000, s31;
	s1 =	sadd.s32 s1, s30  }
0xba: {  	s0 =	sor.u32 s3, s0;
	s1 =	sshll.u32 s1, $0x11  }
0xbb: {  	s0 =	sor.u32 s1, s0  }
0xbc: {  	s0 =	sadd.s32 $0x8F2B, s0  }
0xbd: {  	[sflag:s0] =	ssyncadd.remote.s32 $0x1  }
0xbe: {  	_ =	sfence.sel $0xFFFF  }
0xbf: {  	[dreg:$0x0] =	wrdreg $0xFFFFFFFF;
	(pc) =	sbr.abs _section_cstart, $3  }
0xc0: {  	[dreg:$0x1] =	wrdreg $0xFFFFFFFF  }
0xc1: {  	_ =	task.clear_ibuf [dreg:s6], $0x2FFFF;
	_ =	strace $0x9FFFFFFF  }
0xc2: {  	(tm) =	ssettm $0x7FFFFFFF  }
0xc3: {  	_ =	shalt  }
tec
execute0_lowered:
.L_overlay_start_1:
0x0: {  	(tag) =	ssettag $0x1  }
0x1: {  	s0 =	rddreg [dreg:$0x0]  }
0x2: {  	s1 =	rddreg [dreg:$0x1];
	s14 =	stileid.u32  }
0x3: {  	s2 =	srdreg.scid;
	s3 =	simm.s32 $0x0;
	s7 =	smul.u32 $0x2800, s14  }
0x4: {  	s30 =	simm.s32 $0x3;
	s31 =	simm.s32 $0x5000;
	s8 =	smul.u32 $0x280, s14  }
0x5: {  	s2 =	sand.u32 $0x1, s2;
	[smem:$0x7FF] =	sst s3;
	s9 =	smul.u32 $0xF000, s14  }
0x6: {  	s4 =	sadd.s32 $0x8EA00, s0;
	s5 =	sadd.s32 $0x4A200, s0;
	s14 =	smul.u32 $0x3C000, s14  }
0x7: {  	s11 =	sadd.s32 $0xE8000, s0;
	s6 =	smul.u32 $0x28000, s2;
	_ =	strace $0x8000004D  }
0x8: {  	s23 =	smul.u32 $0xF0000, s2;
	s2 =	ssub.s32 $0x2, s2;
	s8 =	sadd.s32 $0x80, s8  }
0x9: {  	s12 =	sshrl.u32 s2, $0x1;
	s28 =	sadd.s32 $0x9000, s9;
	s29 =	sadd.s32 $0xC000, s9  }
0xa: {  	s22 =	sshrl.u32 s14, $0x2;
	s6 =	sadd.s32 s7, s6;
	s10 =	smul.u32 $0x60, s8  }
0xb: {  	s2 =	ssub.s32 s2, s12;
	s24 =	sadd.s32 s23, s9;
	s17 =	sadd.s32 s23, s28  }
0xc: {  	s7 =	sadd.s32 s23, s29;
	s21 =	smul.u32 $0x180, s8;
	s28 =	sadd.s32 s28, s1  }
0xd: {  	s29 =	sadd.s32 s29, s1;
	s8 =	simm.s32 $0x2;
	s6 =	sshrl.u32 s6, $0x3  }
0xe: {  	s12 =	sshrl.u32 s24, $0x3;
	s17 =	sshrl.u32 s17, $0x3;
	s7 =	sshrl.u32 s7, $0x3  }
0xf: {  	s2 =	smax.u32 s2, $0x1;
	s24 =	sadd.s32 $0x24000, s14;
	s6 =	sadd.s32 s6, s0  }
0x10: {  	s0 =	sadd.s32 $0xAC000, s0;
	s15 =	sadd.s32 s11, s12;
	[dreg:$0xf] =	wrdreg s2  }
0x11: {  	s13 =	sadd.s32 s23, s10;
	s26 =	sadd.s32 s11, s17;
	[dreg:$0x3] =	wrdreg s15  }
0x12: {  	s2 =	sshrl.u32 s24, $0x2;
	[dreg:$0x6] =	wrdreg s26;
	s12 =	sadd.s32 s0, s12  }
0x13: {  	s13 =	sshrl.u32 s13, $0x3;
	s19 =	sadd.s32 s0, s17;
	[dreg:$0x8] =	wrdreg s12  }
0x14: {  	s15 =	sadd.s32 $0x6000, s9;
	s20 =	sadd.s32 $0x19000, s6;
	[dreg:$0xb] =	wrdreg s19  }
0x15: {  	s6 =	sadd.s32 $0x5000, s6;
	s25 =	sadd.s32 s11, s13;
	[dreg:$0xd] =	wrdreg s20  }
0x16: {  	s16 =	sadd.s32 s23, s15;
	s13 =	sadd.s32 s0, s13;
	[dreg:$0xe] =	wrdreg s6  }
0x17: {  	s20 =	sadd.s32 s22, s1;
	s23 =	sadd.s32 $0x18000, s14;
	s6 =	simm.s32 $0x7EE0  }
0x18: {  	s12 =	simm.s32 $0xDDC0;
	[dreg:$0x4] =	wrdreg s25;
	s16 =	sshrl.u32 s16, $0x3  }
0x19: {  	[dreg:$0x9] =	wrdreg s13;
	s25 =	sadd.s32 $0x30000, s14;
	s13 =	simm.s32 $0x0  }
0x1a: {  	s18 =	sadd.s32 s11, s16;
	s11 =	sadd.s32 s11, s7;
	s26 =	sshrl.u32 s25, $0x2  }
0x1b: {  	s25 =	sadd.s32 s10, s1;
	s10 =	simm.s32 $0x4F00;
	[dreg:$0x5] =	wrdreg s18  }
0x1c: {  	[dreg:$0x7] =	wrdreg s11;
	s18 =	sadd.s32 s0, s16;
	s0 =	sadd.s32 s0, s7  }
0x1d: {  	s24 =	sadd.s32 s26, s1;
	s26 =	sadd.s32 s15, s1;
	[dreg:$0xa] =	wrdreg s18  }
0x1e: {  	s7 =	simm.s32 $0x1;
	s11 =	simm.s32 $0x4F80;
	[dreg:$0xc] =	wrdreg s0  }
0x1f: {  	s18 =	sadd.s32 s9, s1;
	s0 =	sshrl.u32 s21, $0x2;
	s9 =	simm.s32 $0x2780  }
0x20: {  	s21 =	sadd.s32 s0, s1;
	s0 =	sshrl.u32 s23, $0x2;
	s23 =	sadd.s32 s2, s1  }
0x21: {  	v0 =	vimm.f32 $0.0e+00;
	s2 =	simm.s32 $0x7D;
	s22 =	sadd.s32 s0, s1;
	s0 =	simm.s32 $0xADC0  }
.LBB2_1:
0x22: {  	s14 =	simm.s32 $0x0  }
0x23: {  	[tilespmem:s14+$0xAE10] =	vst v0  }
0x24: {  	[tilespmem:s14+$0xADC0] =	vst v0  }
0x25: {  	[tilespmem:s14+$0xADD0] =	vst v0  }
0x26: {  	[tilespmem:s14+$0xADE0] =	vst v0  }
0x27: {  	s15 =	simm.s32 $0x180;
	[tilespmem:s14+$0xADF0] =	vst v0  }
.LBB2_2:
0x28: {  	p0 =	sne.s32 s15, $0xBE80;
	[tilespmem:s14+$0xAE00] =	vst v0;
	s14 =	sshra.s32 s15, $0x2;
	s15 =	sadd.s32 $0x180, s15  }
.Ltmp0:
0x29: {  	[tilespmem:s14+$0xAE10] =	vst v0;
	(pc) =	sbr.rel @p0 .LBB2_2-.Ltmp0, $4  }
0x2a: {  	[tilespmem:s14+$0xADC0] =	vst v0  }
0x2b: {  	[tilespmem:s14+$0xADD0] =	vst v0  }
0x2c: {  	[tilespmem:s14+$0xADE0] =	vst v0  }
0x2d: {  	[tilespmem:s14+$0xADF0] =	vst v0  }
0x2e: {  	[tilespmem:s14+$0xAE00] =	vst v0;
	s17 =	simm.s32 $0x0;
	s15 =	rddreg [dreg:$0xd]  }
0x2f: {  	[tilespmem:s17], [sflag:$0x3] =	stream.linear.gather [hbm4b:s15+s17], $0x2800, $0x38;
	[tilespmem:$0x1FDC0] =	vst v63  }
0x30: {  	_ =	swait.ge [sflag:s30], $0x2800  }
0x31: {  	[sflag:s30] =	ssyncset.done $0x0  }
0x32: {  	s16 =	simm.s32 $0x2800;
	s19 =	rddreg [dreg:$0xe];
	[sflag:s30] =	ssyncadd.s32 $0xFFFFD800  }
0x33: {  	[tilespmem:s16], [sflag:$0x3] =	stream.linear.gather [hbm4b:s19+s17], $0x2800, $0x38;
	[tilespmem:$0x1FDC0] =	vst v63  }
0x34: {  	_ =	swait.ge [sflag:s30], $0x2800  }
0x35: {  	[sflag:s30] =	ssyncset.done $0x0  }
0x36: {  	[sflag:s30] =	ssyncadd.s32 $0xFFFFD800  }
0x37: {  	[spmem:s20] =	stream.linear.scatter [tilespmem:s0], [sflag:$0x3], $0x3000, $0x38;
	[tilespmem:$0x1FDC0] =	vst v63  }
0x38: {  	_ =	swait.ge [sflag:s30], $0x3000  }
0x39: {  	[sflag:s30] =	ssyncset.done $0x0  }
0x3a: {  	[sflag:s30] =	ssyncadd.s32 $0xFFFFD000  }
0x3b: {  	[spmem:s21] =	stream.linear.scatter [tilespmem:s0], [sflag:$0x3], $0x3000, $0x38;
	[tilespmem:$0x1FDC0] =	vst v63  }
0x3c: {  	_ =	swait.ge [sflag:s30], $0x3000  }
0x3d: {  	[sflag:s30] =	ssyncset.done $0x0  }
0x3e: {  	[sflag:s30] =	ssyncadd.s32 $0xFFFFD000  }
0x3f: {  	[spmem:s22] =	stream.linear.scatter [tilespmem:s0], [sflag:$0x3], $0x3000, $0x38;
	[tilespmem:$0x1FDC0] =	vst v63  }
0x40: {  	_ =	swait.ge [sflag:s30], $0x3000  }
0x41: {  	[sflag:s30] =	ssyncset.done $0x0  }
0x42: {  	[sflag:s30] =	ssyncadd.s32 $0xFFFFD000  }
0x43: {  	[spmem:s23] =	stream.linear.scatter [tilespmem:s0], [sflag:$0x3], $0x3000, $0x38;
	[tilespmem:$0x1FDC0] =	vst v63  }
0x44: {  	_ =	swait.ge [sflag:s30], $0x3000  }
0x45: {  	[sflag:s30] =	ssyncset.done $0x0  }
0x46: {  	[sflag:s30] =	ssyncadd.s32 $0xFFFFD000  }
0x47: {  	[spmem:s24] =	stream.linear.scatter [tilespmem:s0], [sflag:$0x3], $0x3000, $0x38;
	[tilespmem:$0x1FDC0] =	vst v63  }
0x48: {  	_ =	swait.ge [sflag:s30], $0x3000  }
0x49: {  	[sflag:s30] =	ssyncset.done $0x0  }
0x4a: {  	[sflag:s30] =	ssyncadd.s32 $0xFFFFD000  }
0x4b: {  	[bflag:$0x0] =	sbarrier.arrive $0xFFFF  }
0x4c: {  	[tilespmem:s31], [sflag:$0x1] =	stream.indirect.gather [hbm4b:s4+s2], $0x60, s17, s2, $0xb8;
	[tilespmem:$0x1FDC0] =	vst v63  }
0x4d: {  	s15 =	simm.s32 $0x80  }
0x4e: {  	[tilespmem:s6], [sflag:$0x2] =	stream.indirect.gather [hbm4b:s4+s2], $0x60, s15, s2, $0xb8;
	[tilespmem:$0x1FDC0] =	vst v63  }
0x4f: {  	_ =	swait.ge [sflag:s7], $0x2EE0  }
0x50: {  	[sflag:s7] =	ssyncset.done $0x0  }
0x51: {  	s16 =	simm.s32 $0x2800;
	[sflag:s7] =	ssyncadd.s32 $0xFFFFD120  }
0x52: {  	[spmem:s1] =	stream.indirect.scatter.add.f32 [tilespmem:s31], [sflag:$0x3], $0x60, s16, s2, $0xb8;
	[tilespmem:$0x1FDC0] =	vst v63  }
0x53: {  	_ =	swait.ge [sflag:s30], $0x2EE0  }
0x54: {  	[sflag:s30] =	ssyncset.done $0x0  }
0x55: {  	s17 =	simm.s32 $0x100;
	[sflag:s30] =	ssyncadd.s32 $0xFFFFD120  }
0x56: {  	[tilespmem:s31], [sflag:$0x1] =	stream.indirect.gather [hbm4b:s4+s2], $0x60, s17, s2, $0xb8;
	[tilespmem:$0x1FDC0] =	vst v63  }
0x57: {  	_ =	swait.ge [sflag:s8], $0x2EE0  }
0x58: {  	[sflag:s8] =	ssyncset.done $0x0  }
0x59: {  	s19 =	simm.s32 $0x2880;
	[sflag:s8] =	ssyncadd.s32 $0xFFFFD120  }
0x5a: {  	[spmem:s1] =	stream.indirect.scatter.add.f32 [tilespmem:s6], [sflag:$0x3], $0x60, s19, s2, $0xb8;
	[tilespmem:$0x1FDC0] =	vst v63  }
0x5b: {  	_ =	swait.ge [sflag:s30], $0x2EE0  }
0x5c: {  	s14 =	simm.s32 $0x100;
	s15 =	simm.s32 $0x800;
	[sflag:s30] =	ssyncset.done $0x0  }
.LBB2_4:
0x5d: {  	s16 =	sadd.s32 $0x80, s14  }
0x5e: {  	[sflag:s30] =	ssyncadd.s32 $0xFFFFD120;
	s17 =	smov.u32 s15;
	s19 =	sadd.s32 $0x400, s15  }
0x5f: {  	[tilespmem:s6], [sflag:$0x2] =	stream.indirect.gather [hbm4b:s4+s2], $0x60, s16, s2, $0xb8;
	[tilespmem:$0x1FDC0] =	vst v63  }
0x60: {  	p0 =	sne.s32 s15, $0x9800;
	_ =	swait.ge [sflag:s7], $0x2EE0  }
0x61: {  	[sflag:s7] =	ssyncset.done $0x0  }
0x62: {  	s15 =	sadd.s32 $0x2800, s14;
	[sflag:s7] =	ssyncadd.s32 $0xFFFFD120  }
0x63: {  	[spmem:s1] =	stream.indirect.scatter.add.f32 [tilespmem:s31], [sflag:$0x3], $0x60, s15, s2, $0xb8;
	[tilespmem:$0x1FDC0] =	vst v63  }
0x64: {  	_ =	swait.ge [sflag:s30], $0x2EE0  }
0x65: {  	[sflag:s30] =	ssyncset.done $0x0  }
0x66: {  	s15 =	sadd.s32 $0x100, s14;
	[sflag:s30] =	ssyncadd.s32 $0xFFFFD120  }
0x67: {  	[tilespmem:s31], [sflag:$0x1] =	stream.indirect.gather [hbm4b:s4+s2], $0x60, s15, s2, $0xb8;
	[tilespmem:$0x1FDC0] =	vst v63  }
0x68: {  	_ =	swait.ge [sflag:s8], $0x2EE0  }
.Ltmp1:
0x69: {  	[sflag:s8] =	ssyncset.done $0x0;
	(pc) =	sbr.rel @p0 .LBB2_4-.Ltmp1, $4  }
0x6a: {  	s14 =	sadd.s32 $0x2880, s14;
	[sflag:s8] =	ssyncadd.s32 $0xFFFFD120  }
0x6b: {  	[spmem:s1] =	stream.indirect.scatter.add.f32 [tilespmem:s6], [sflag:$0x3], $0x60, s14, s2, $0xb8;
	[tilespmem:$0x1FDC0] =	vst v63  }
0x6c: {  	_ =	swait.ge [sflag:s30], $0x2EE0  }
0x6d: {  	s15 =	smov.u32 s19;
	s14 =	sshra.s32 s17, $0x2;
	[sflag:s30] =	ssyncset.done $0x0  }
0x6e: {  	s15 =	sadd.s32 $0x80, s14;
	[sflag:s30] =	ssyncadd.s32 $0xFFFFD120  }
0x6f: {  	[tilespmem:s6], [sflag:$0x2] =	stream.indirect.gather [hbm4b:s4+s2], $0x60, s15, s2, $0xb8;
	[tilespmem:$0x1FDC0] =	vst v63  }
0x70: {  	_ =	swait.ge [sflag:s7], $0x2EE0  }
0x71: {  	[sflag:s7] =	ssyncset.done $0x0  }
0x72: {  	s17 =	sadd.s32 $0x2800, s14;
	[sflag:s7] =	ssyncadd.s32 $0xFFFFD120  }
0x73: {  	[spmem:s1] =	stream.indirect.scatter.add.f32 [tilespmem:s31], [sflag:$0x3], $0x60, s17, s2, $0xb8;
	[tilespmem:$0x1FDC0] =	vst v63  }
0x74: {  	_ =	swait.ge [sflag:s30], $0x2EE0  }
0x75: {  	[sflag:s30] =	ssyncset.done $0x0  }
0x76: {  	s19 =	sadd.s32 $0x100, s14;
	[sflag:s30] =	ssyncadd.s32 $0xFFFFD120  }
0x77: {  	[tilespmem:s31], [sflag:$0x1] =	stream.indirect.gather [hbm4b:s4+s2], $0x60, s19, s2, $0xb8;
	[tilespmem:$0x1FDC0] =	vst v63  }
0x78: {  	_ =	swait.ge [sflag:s8], $0x2EE0  }
0x79: {  	[sflag:s8] =	ssyncset.done $0x0  }
0x7a: {  	s16 =	sadd.s32 $0x2880, s14;
	[sflag:s8] =	ssyncadd.s32 $0xFFFFD120  }
0x7b: {  	[spmem:s1] =	stream.indirect.scatter.add.f32 [tilespmem:s6], [sflag:$0x3], $0x60, s16, s2, $0xb8;
	[tilespmem:$0x1FDC0] =	vst v63  }
0x7c: {  	_ =	swait.ge [sflag:s30], $0x2EE0  }
0x7d: {  	[sflag:s30] =	ssyncset.done $0x0  }
0x7e: {  	[sflag:s30] =	ssyncadd.s32 $0xFFFFD120  }
0x7f: {  	[tilespmem:s6], [sflag:$0x2] =	stream.indirect.gather [hbm4b:s4+s2], $0x60, s9, s2, $0xb8;
	[tilespmem:$0x1FDC0] =	vst v63  }
0x80: {  	_ =	swait.ge [sflag:s7], $0x2EE0  }
0x81: {  	[sflag:s7] =	ssyncset.done $0x0  }
0x82: {  	[sflag:s7] =	ssyncadd.s32 $0xFFFFD120  }
0x83: {  	[spmem:s1] =	stream.indirect.scatter.add.f32 [tilespmem:s31], [sflag:$0x3], $0x60, s10, s2, $0xb8;
	[tilespmem:$0x1FDC0] =	vst v63  }
0x84: {  	_ =	swait.ge [sflag:s30], $0x2EE0  }
0x85: {  	[sflag:s30] =	ssyncset.done $0x0  }
0x86: {  	[sflag:s30] =	ssyncadd.s32 $0xFFFFD120  }
0x87: {  	_ =	swait.ge [sflag:s8], $0x2EE0  }
0x88: {  	[sflag:s8] =	ssyncset.done $0x0  }
0x89: {  	[sflag:s8] =	ssyncadd.s32 $0xFFFFD120  }
0x8a: {  	[spmem:s1] =	stream.indirect.scatter.add.f32 [tilespmem:s6], [sflag:$0x3], $0x60, s11, s2, $0xb8;
	[tilespmem:$0x1FDC0] =	vst v63  }
0x8b: {  	_ =	swait.ge [sflag:s30], $0x2EE0  }
0x8c: {  	[sflag:s30] =	ssyncset.done $0x0  }
0x8d: {  	[sflag:s30] =	ssyncadd.s32 $0xFFFFD120  }
0x8e: {  	[bflag:$0x0] =	sbarrier.arrive $0xFFFF  }
0x8f: {  	[tilespmem:s12], [sflag:$0x3] =	stream.linear.gather [spmem:s18], $0x3000, $0x38;
	[tilespmem:$0x1FDC0] =	vst v63  }
0x90: {  	_ =	swait.ge [sflag:s30], $0x3000  }
0x91: {  	[sflag:s30] =	ssyncset.done $0x0  }
0x92: {  	s14 =	simm.s32 $0x0;
	s17 =	rddreg [dreg:$0x3];
	[sflag:s30] =	ssyncadd.s32 $0xFFFFD000  }
0x93: {  	[hbm4b:s17+s14] =	stream.linear.scatter [tilespmem:s12], [sflag:$0x3], $0x3000, $0x38;
	[tilespmem:$0x1FDC0] =	vst v63  }
0x94: {  	_ =	swait.ge [sflag:s30], $0x3000  }
0x95: {  	[sflag:s30] =	ssyncset.done $0x0  }
0x96: {  	[sflag:s30] =	ssyncadd.s32 $0xFFFFD000  }
0x97: {  	[tilespmem:s12], [sflag:$0x3] =	stream.linear.gather [spmem:s25], $0x3000, $0x38;
	[tilespmem:$0x1FDC0] =	vst v63  }
0x98: {  	_ =	swait.ge [sflag:s30], $0x3000  }
0x99: {  	[sflag:s30] =	ssyncset.done $0x0  }
0x9a: {  	s19 =	rddreg [dreg:$0x4];
	[sflag:s30] =	ssyncadd.s32 $0xFFFFD000  }
0x9b: {  	[hbm4b:s19+s14] =	stream.linear.scatter [tilespmem:s12], [sflag:$0x3], $0x3000, $0x38;
	[tilespmem:$0x1FDC0] =	vst v63  }
0x9c: {  	_ =	swait.ge [sflag:s30], $0x3000  }
0x9d: {  	[sflag:s30] =	ssyncset.done $0x0  }
0x9e: {  	[sflag:s30] =	ssyncadd.s32 $0xFFFFD000  }
0x9f: {  	[tilespmem:s12], [sflag:$0x3] =	stream.linear.gather [spmem:s26], $0x3000, $0x38;
	[tilespmem:$0x1FDC0] =	vst v63  }
0xa0: {  	_ =	swait.ge [sflag:s30], $0x3000  }
0xa1: {  	[sflag:s30] =	ssyncset.done $0x0  }
0xa2: {  	s16 =	rddreg [dreg:$0x5];
	[sflag:s30] =	ssyncadd.s32 $0xFFFFD000  }
0xa3: {  	[hbm4b:s16+s14] =	stream.linear.scatter [tilespmem:s12], [sflag:$0x3], $0x3000, $0x38;
	[tilespmem:$0x1FDC0] =	vst v63  }
0xa4: {  	_ =	swait.ge [sflag:s30], $0x3000  }
0xa5: {  	[sflag:s30] =	ssyncset.done $0x0  }
0xa6: {  	[sflag:s30] =	ssyncadd.s32 $0xFFFFD000  }
0xa7: {  	[tilespmem:s12], [sflag:$0x3] =	stream.linear.gather [spmem:s28], $0x3000, $0x38;
	[tilespmem:$0x1FDC0] =	vst v63  }
0xa8: {  	_ =	swait.ge [sflag:s30], $0x3000  }
0xa9: {  	[sflag:s30] =	ssyncset.done $0x0  }
0xaa: {  	s17 =	rddreg [dreg:$0x6];
	[sflag:s30] =	ssyncadd.s32 $0xFFFFD000  }
0xab: {  	[hbm4b:s17+s14] =	stream.linear.scatter [tilespmem:s12], [sflag:$0x3], $0x3000, $0x38;
	[tilespmem:$0x1FDC0] =	vst v63  }
0xac: {  	_ =	swait.ge [sflag:s30], $0x3000  }
0xad: {  	[sflag:s30] =	ssyncset.done $0x0  }
0xae: {  	[sflag:s30] =	ssyncadd.s32 $0xFFFFD000  }
0xaf: {  	[tilespmem:s12], [sflag:$0x3] =	stream.linear.gather [spmem:s29], $0x3000, $0x38;
	[tilespmem:$0x1FDC0] =	vst v63  }
0xb0: {  	_ =	swait.ge [sflag:s30], $0x3000  }
0xb1: {  	[sflag:s30] =	ssyncset.done $0x0  }
0xb2: {  	s19 =	rddreg [dreg:$0x7];
	[sflag:s30] =	ssyncadd.s32 $0xFFFFD000  }
0xb3: {  	[hbm4b:s19+s14] =	stream.linear.scatter [tilespmem:s12], [sflag:$0x3], $0x3000, $0x38;
	[tilespmem:$0x1FDC0] =	vst v63  }
0xb4: {  	_ =	swait.ge [sflag:s30], $0x3000  }
0xb5: {  	[sflag:s30] =	ssyncset.done $0x0  }
0xb6: {  	[sflag:s30] =	ssyncadd.s32 $0xFFFFD000  }
0xb7: {  	[spmem:s20] =	stream.linear.scatter [tilespmem:s0], [sflag:$0x3], $0x3000, $0x38;
	[tilespmem:$0x1FDC0] =	vst v63  }
0xb8: {  	_ =	swait.ge [sflag:s30], $0x3000  }
0xb9: {  	[sflag:s30] =	ssyncset.done $0x0  }
0xba: {  	[sflag:s30] =	ssyncadd.s32 $0xFFFFD000  }
0xbb: {  	[spmem:s21] =	stream.linear.scatter [tilespmem:s0], [sflag:$0x3], $0x3000, $0x38;
	[tilespmem:$0x1FDC0] =	vst v63  }
0xbc: {  	_ =	swait.ge [sflag:s30], $0x3000  }
0xbd: {  	[sflag:s30] =	ssyncset.done $0x0  }
0xbe: {  	[sflag:s30] =	ssyncadd.s32 $0xFFFFD000  }
0xbf: {  	[spmem:s22] =	stream.linear.scatter [tilespmem:s0], [sflag:$0x3], $0x3000, $0x38;
	[tilespmem:$0x1FDC0] =	vst v63  }
0xc0: {  	_ =	swait.ge [sflag:s30], $0x3000  }
0xc1: {  	[sflag:s30] =	ssyncset.done $0x0  }
0xc2: {  	[sflag:s30] =	ssyncadd.s32 $0xFFFFD000  }
0xc3: {  	[spmem:s23] =	stream.linear.scatter [tilespmem:s0], [sflag:$0x3], $0x3000, $0x38;
	[tilespmem:$0x1FDC0] =	vst v63  }
0xc4: {  	_ =	swait.ge [sflag:s30], $0x3000  }
0xc5: {  	[sflag:s30] =	ssyncset.done $0x0  }
0xc6: {  	[sflag:s30] =	ssyncadd.s32 $0xFFFFD000  }
0xc7: {  	[spmem:s24] =	stream.linear.scatter [tilespmem:s0], [sflag:$0x3], $0x3000, $0x38;
	[tilespmem:$0x1FDC0] =	vst v63  }
0xc8: {  	_ =	swait.ge [sflag:s30], $0x3000  }
0xc9: {  	[sflag:s30] =	ssyncset.done $0x0  }
0xca: {  	[sflag:s30] =	ssyncadd.s32 $0xFFFFD000  }
0xcb: {  	[bflag:$0x0] =	sbarrier.arrive $0xFFFF  }
0xcc: {  	[tilespmem:s31], [sflag:$0x1] =	stream.indirect.gather [hbm4b:s5+s2], $0x60, s14, s2, $0xb8;
	[tilespmem:$0x1FDC0] =	vst v63  }
0xcd: {  	s15 =	simm.s32 $0x80  }
0xce: {  	[tilespmem:s6], [sflag:$0x2] =	stream.indirect.gather [hbm4b:s5+s2], $0x60, s15, s2, $0xb8;
	[tilespmem:$0x1FDC0] =	vst v63  }
0xcf: {  	_ =	swait.ge [sflag:s7], $0x2EE0  }
0xd0: {  	[sflag:s7] =	ssyncset.done $0x0  }
0xd1: {  	s16 =	simm.s32 $0x2800;
	[sflag:s7] =	ssyncadd.s32 $0xFFFFD120  }
0xd2: {  	[spmem:s1] =	stream.indirect.scatter.add.f32 [tilespmem:s31], [sflag:$0x3], $0x60, s16, s2, $0xb8;
	[tilespmem:$0x1FDC0] =	vst v63  }
0xd3: {  	_ =	swait.ge [sflag:s30], $0x2EE0  }
0xd4: {  	[sflag:s30] =	ssyncset.done $0x0  }
0xd5: {  	s17 =	simm.s32 $0x100;
	[sflag:s30] =	ssyncadd.s32 $0xFFFFD120  }
0xd6: {  	[tilespmem:s31], [sflag:$0x1] =	stream.indirect.gather [hbm4b:s5+s2], $0x60, s17, s2, $0xb8;
	[tilespmem:$0x1FDC0] =	vst v63  }
0xd7: {  	_ =	swait.ge [sflag:s8], $0x2EE0  }
0xd8: {  	[sflag:s8] =	ssyncset.done $0x0  }
0xd9: {  	s19 =	simm.s32 $0x2880;
	[sflag:s8] =	ssyncadd.s32 $0xFFFFD120  }
0xda: {  	[spmem:s1] =	stream.indirect.scatter.add.f32 [tilespmem:s6], [sflag:$0x3], $0x60, s19, s2, $0xb8;
	[tilespmem:$0x1FDC0] =	vst v63  }
0xdb: {  	_ =	swait.ge [sflag:s30], $0x2EE0  }
0xdc: {  	s14 =	simm.s32 $0x100;
	s15 =	simm.s32 $0x800;
	[sflag:s30] =	ssyncset.done $0x0  }
.LBB2_6:
0xdd: {  	s16 =	sadd.s32 $0x80, s14  }
0xde: {  	[sflag:s30] =	ssyncadd.s32 $0xFFFFD120;
	s17 =	smov.u32 s15;
	s19 =	sadd.s32 $0x400, s15  }
0xdf: {  	[tilespmem:s6], [sflag:$0x2] =	stream.indirect.gather [hbm4b:s5+s2], $0x60, s16, s2, $0xb8;
	[tilespmem:$0x1FDC0] =	vst v63  }
0xe0: {  	p0 =	sne.s32 s15, $0x9800;
	_ =	swait.ge [sflag:s7], $0x2EE0  }
0xe1: {  	[sflag:s7] =	ssyncset.done $0x0  }
0xe2: {  	s15 =	sadd.s32 $0x2800, s14;
	[sflag:s7] =	ssyncadd.s32 $0xFFFFD120  }
0xe3: {  	[spmem:s1] =	stream.indirect.scatter.add.f32 [tilespmem:s31], [sflag:$0x3], $0x60, s15, s2, $0xb8;
	[tilespmem:$0x1FDC0] =	vst v63  }
0xe4: {  	_ =	swait.ge [sflag:s30], $0x2EE0  }
0xe5: {  	[sflag:s30] =	ssyncset.done $0x0  }
0xe6: {  	s15 =	sadd.s32 $0x100, s14;
	[sflag:s30] =	ssyncadd.s32 $0xFFFFD120  }
0xe7: {  	[tilespmem:s31], [sflag:$0x1] =	stream.indirect.gather [hbm4b:s5+s2], $0x60, s15, s2, $0xb8;
	[tilespmem:$0x1FDC0] =	vst v63  }
0xe8: {  	_ =	swait.ge [sflag:s8], $0x2EE0  }
.Ltmp2:
0xe9: {  	[sflag:s8] =	ssyncset.done $0x0;
	(pc) =	sbr.rel @p0 .LBB2_6-.Ltmp2, $4  }
0xea: {  	s14 =	sadd.s32 $0x2880, s14;
	[sflag:s8] =	ssyncadd.s32 $0xFFFFD120  }
0xeb: {  	[spmem:s1] =	stream.indirect.scatter.add.f32 [tilespmem:s6], [sflag:$0x3], $0x60, s14, s2, $0xb8;
	[tilespmem:$0x1FDC0] =	vst v63  }
0xec: {  	_ =	swait.ge [sflag:s30], $0x2EE0  }
0xed: {  	s15 =	smov.u32 s19;
	s14 =	sshra.s32 s17, $0x2;
	[sflag:s30] =	ssyncset.done $0x0  }
0xee: {  	s15 =	sadd.s32 $0x80, s14;
	[sflag:s30] =	ssyncadd.s32 $0xFFFFD120  }
0xef: {  	[tilespmem:s6], [sflag:$0x2] =	stream.indirect.gather [hbm4b:s5+s2], $0x60, s15, s2, $0xb8;
	[tilespmem:$0x1FDC0] =	vst v63  }
0xf0: {  	_ =	swait.ge [sflag:s7], $0x2EE0  }
0xf1: {  	[sflag:s7] =	ssyncset.done $0x0  }
0xf2: {  	s17 =	sadd.s32 $0x2800, s14;
	[sflag:s7] =	ssyncadd.s32 $0xFFFFD120  }
0xf3: {  	[spmem:s1] =	stream.indirect.scatter.add.f32 [tilespmem:s31], [sflag:$0x3], $0x60, s17, s2, $0xb8;
	[tilespmem:$0x1FDC0] =	vst v63  }
0xf4: {  	_ =	swait.ge [sflag:s30], $0x2EE0  }
0xf5: {  	[sflag:s30] =	ssyncset.done $0x0  }
0xf6: {  	s19 =	sadd.s32 $0x100, s14;
	[sflag:s30] =	ssyncadd.s32 $0xFFFFD120  }
0xf7: {  	[tilespmem:s31], [sflag:$0x1] =	stream.indirect.gather [hbm4b:s5+s2], $0x60, s19, s2, $0xb8;
	[tilespmem:$0x1FDC0] =	vst v63  }
0xf8: {  	_ =	swait.ge [sflag:s8], $0x2EE0  }
0xf9: {  	[sflag:s8] =	ssyncset.done $0x0  }
0xfa: {  	s16 =	sadd.s32 $0x2880, s14;
	[sflag:s8] =	ssyncadd.s32 $0xFFFFD120  }
0xfb: {  	[spmem:s1] =	stream.indirect.scatter.add.f32 [tilespmem:s6], [sflag:$0x3], $0x60, s16, s2, $0xb8;
	[tilespmem:$0x1FDC0] =	vst v63  }
0xfc: {  	_ =	swait.ge [sflag:s30], $0x2EE0  }
0xfd: {  	[sflag:s30] =	ssyncset.done $0x0  }
0xfe: {  	[sflag:s30] =	ssyncadd.s32 $0xFFFFD120  }
0xff: {  	[tilespmem:s6], [sflag:$0x2] =	stream.indirect.gather [hbm4b:s5+s2], $0x60, s9, s2, $0xb8;
	[tilespmem:$0x1FDC0] =	vst v63  }
0x100: {  	_ =	swait.ge [sflag:s7], $0x2EE0  }
0x101: {  	[sflag:s7] =	ssyncset.done $0x0  }
0x102: {  	[sflag:s7] =	ssyncadd.s32 $0xFFFFD120  }
0x103: {  	[spmem:s1] =	stream.indirect.scatter.add.f32 [tilespmem:s31], [sflag:$0x3], $0x60, s10, s2, $0xb8;
	[tilespmem:$0x1FDC0] =	vst v63  }
0x104: {  	_ =	swait.ge [sflag:s30], $0x2EE0  }
0x105: {  	[sflag:s30] =	ssyncset.done $0x0  }
0x106: {  	[sflag:s30] =	ssyncadd.s32 $0xFFFFD120  }
0x107: {  	_ =	swait.ge [sflag:s8], $0x2EE0  }
0x108: {  	[sflag:s8] =	ssyncset.done $0x0  }
0x109: {  	[sflag:s8] =	ssyncadd.s32 $0xFFFFD120  }
0x10a: {  	[spmem:s1] =	stream.indirect.scatter.add.f32 [tilespmem:s6], [sflag:$0x3], $0x60, s11, s2, $0xb8;
	[tilespmem:$0x1FDC0] =	vst v63  }
0x10b: {  	_ =	swait.ge [sflag:s30], $0x2EE0  }
0x10c: {  	[sflag:s30] =	ssyncset.done $0x0  }
0x10d: {  	[sflag:s30] =	ssyncadd.s32 $0xFFFFD120  }
0x10e: {  	[bflag:$0x0] =	sbarrier.arrive $0xFFFF  }
0x10f: {  	[tilespmem:s12], [sflag:$0x3] =	stream.linear.gather [spmem:s18], $0x3000, $0x38;
	[tilespmem:$0x1FDC0] =	vst v63  }
0x110: {  	_ =	swait.ge [sflag:s30], $0x3000  }
0x111: {  	[sflag:s30] =	ssyncset.done $0x0  }
0x112: {  	s17 =	rddreg [dreg:$0x8];
	[sflag:s30] =	ssyncadd.s32 $0xFFFFD000  }
0x113: {  	[hbm4b:s17+s3] =	stream.linear.scatter [tilespmem:s12], [sflag:$0x3], $0x3000, $0x38;
	[tilespmem:$0x1FDC0] =	vst v63  }
0x114: {  	_ =	swait.ge [sflag:s30], $0x3000  }
0x115: {  	[sflag:s30] =	ssyncset.done $0x0  }
0x116: {  	[sflag:s30] =	ssyncadd.s32 $0xFFFFD000  }
0x117: {  	[tilespmem:s12], [sflag:$0x3] =	stream.linear.gather [spmem:s25], $0x3000, $0x38;
	[tilespmem:$0x1FDC0] =	vst v63  }
0x118: {  	_ =	swait.ge [sflag:s30], $0x3000  }
0x119: {  	[sflag:s30] =	ssyncset.done $0x0  }
0x11a: {  	s19 =	rddreg [dreg:$0x9];
	[sflag:s30] =	ssyncadd.s32 $0xFFFFD000  }
0x11b: {  	[hbm4b:s19+s3] =	stream.linear.scatter [tilespmem:s12], [sflag:$0x3], $0x3000, $0x38;
	[tilespmem:$0x1FDC0] =	vst v63  }
0x11c: {  	_ =	swait.ge [sflag:s30], $0x3000  }
0x11d: {  	[sflag:s30] =	ssyncset.done $0x0  }
0x11e: {  	[sflag:s30] =	ssyncadd.s32 $0xFFFFD000  }
0x11f: {  	[tilespmem:s12], [sflag:$0x3] =	stream.linear.gather [spmem:s26], $0x3000, $0x38;
	[tilespmem:$0x1FDC0] =	vst v63  }
0x120: {  	_ =	swait.ge [sflag:s30], $0x3000  }
0x121: {  	[sflag:s30] =	ssyncset.done $0x0  }
0x122: {  	s15 =	rddreg [dreg:$0xa];
	[sflag:s30] =	ssyncadd.s32 $0xFFFFD000  }
0x123: {  	[hbm4b:s15+s3] =	stream.linear.scatter [tilespmem:s12], [sflag:$0x3], $0x3000, $0x38;
	[tilespmem:$0x1FDC0] =	vst v63  }
0x124: {  	_ =	swait.ge [sflag:s30], $0x3000  }
0x125: {  	[sflag:s30] =	ssyncset.done $0x0  }
0x126: {  	[sflag:s30] =	ssyncadd.s32 $0xFFFFD000  }
0x127: {  	[tilespmem:s12], [sflag:$0x3] =	stream.linear.gather [spmem:s28], $0x3000, $0x38;
	[tilespmem:$0x1FDC0] =	vst v63  }
0x128: {  	_ =	swait.ge [sflag:s30], $0x3000  }
0x129: {  	[sflag:s30] =	ssyncset.done $0x0  }
0x12a: {  	s16 =	rddreg [dreg:$0xb];
	[sflag:s30] =	ssyncadd.s32 $0xFFFFD000  }
0x12b: {  	[hbm4b:s16+s3] =	stream.linear.scatter [tilespmem:s12], [sflag:$0x3], $0x3000, $0x38;
	[tilespmem:$0x1FDC0] =	vst v63  }
0x12c: {  	_ =	swait.ge [sflag:s30], $0x3000  }
0x12d: {  	[sflag:s30] =	ssyncset.done $0x0  }
0x12e: {  	[sflag:s30] =	ssyncadd.s32 $0xFFFFD000  }
0x12f: {  	[tilespmem:s12], [sflag:$0x3] =	stream.linear.gather [spmem:s29], $0x3000, $0x38;
	[tilespmem:$0x1FDC0] =	vst v63  }
0x130: {  	_ =	swait.ge [sflag:s30], $0x3000  }
0x131: {  	[sflag:s30] =	ssyncset.done $0x0  }
0x132: {  	s17 =	rddreg [dreg:$0xc];
	[sflag:s30] =	ssyncadd.s32 $0xFFFFD000  }
0x133: {  	[hbm4b:s17+s3] =	stream.linear.scatter [tilespmem:s12], [sflag:$0x3], $0x3000, $0x38;
	[tilespmem:$0x1FDC0] =	vst v63  }
0x134: {  	_ =	swait.ge [sflag:s30], $0x3000  }
0x135: {  	s13 =	sadd.s32 $0x1, s13;
	s19 =	rddreg [dreg:$0xf]  }
0x136: {  	p0 =	sne.s32 s13, s19  }
.Ltmp3:
0x137: {  	_ = 	snop;
	(pc) =	sbr.rel @p0 .LBB2_1-.Ltmp3, $3  }
0x138: {  	_ =	sdelay $0x1  }
0x139: {  	[sflag:s30] =	ssyncset.done $0x0  }
0x13a: {  	[sflag:s30] =	ssyncadd.s32 $0xFFFFD000  }
0x13b: {  	_ =	sfence.sel $0x180000  }
0x13c: {  	[bflag:$0x0] =	sbarrier.arrive $0xFFFF  }
0x13d: {  	_ =	strace $0x9000004D  }
0x13e: {  	s0 =	stileid.u32;
	[bflag:$0x2] =	sbarrier.arrive $0xFFFF  }
0x13f: {  	p0 =	sne.s32 s0, $0x0;
	s0 =	rddreg [dreg:$0x2]  }
0x140: {  	s0 =	sadd.s32 @!p0 $0x100000, s0  }
0x141: {  	[sflag:s0] =	ssyncadd.tile.s32 @!p0 $0x1;
	_ =	shalt  }
.Lfunc_end2:
_tile_overlayer_lowered:
.L_overlay_start_2:
0x142: {  	(tag) =	ssettag $0x2  }
0x143: {  	s0 =	rddreg [dreg:$0x0];
	s2 =	stileid.u32  }
0x144: {  	s1 =	rddreg [dreg:$0x1];
	p0 =	sne.s32 s2, $0x0  }
0x145: {  	s3 =	rddreg [dreg:$0x2];
	[bflag:$0x3] =	sbarrier.arrive $0xFFFF;
	s2 =	simm.s32 @!p0 $0x1C03  }
0x146: {  	[timem:s3], [sflag:s2] =	dma.local @!p0 [hbm:s0], s1  }
0x147: {  	s0 =	simm.s32 @!p0 $0x3  }
0x148: {  	_ =	swait.ge @!p0 [sflag:s0], s1  }
0x149: {  	s1 =	ssub.s32 @!p0 $0x0, s1;
	[sflag:s0] =	ssyncset.done @!p0 $0x0  }
0x14a: {  	[sflag:s0] =	ssyncadd.s32 @!p0 s1  }
0x14b: {  	[bflag:$0x3] =	sbarrier.arrive $0xFFFF  }
0x14c: {  	_ =	shalt  }

// kernel: kernel.8.cloned.1.call-start
scs
__scs_entry_jumppad:
0x0: {  	(pc) =	sbr.rel $0x88, $3  }
0x1: {  	(tag) =	ssettag $0x0;
	lr =	simm.s32 $0x1  }
0x2: {  	[smem:$0x3F90] =	sst lr;
	_ =	strace $0xD0000000  }
0x3: {  	_ = 	snop  }
0x4: {  	_ = 	snop  }
0x5: {  	_ = 	snop  }
0x6: {  	_ = 	snop  }
0x7: {  	_ = 	snop  }
__scs_overlays_trampoline_lowered:
0x8: {  	[smem:$0x3F9F] =	sst s0  }
0x9: {  	[smem:$0x3FA0] =	sst s1  }
0xa: {  	[smem:$0x3FA1] =	sst s2  }
0xb: {  	[smem:$0x3FA2] =	sst s3  }
0xc: {  	[smem:$0x3FA3] =	sst s4  }
0xd: {  	[smem:$0x3FA4] =	sst s5  }
0xe: {  	[smem:$0x3FA5] =	sst s6  }
0xf: {  	[smem:$0x3FA6] =	sst s7  }
0x10: {  	[smem:$0x3FA7] =	sst s8  }
0x11: {  	[smem:$0x3FA8] =	sst s9;
	s0 =	simm.s32 @!p0 $0x0  }
0x12: {  	s1 =	sld [smem:$0x3F8E];
	s0 =	simm.s32 @p0 $0x1  }
0x13: {  	[smem:$0x3FA9] =	sst s0;
	s0 =	simm.s32 @!p1 $0x0  }
0x14: {  	s2 =	sld [smem:$0x3F8D];
	s0 =	simm.s32 @p1 $0x1  }
0x15: {  	[smem:$0x3FAA] =	sst s0;
	s0 =	simm.s32 @!p2 $0x0  }
0x16: {  	s3 =	sld [smem:$0x3FDB];
	s0 =	simm.s32 @p2 $0x1  }
0x17: {  	s4 =	simm.s32 $0x1BF5;
	[smem:$0x3FAC] =	sst s0  }
0x18: {  	s0 =	sld [smem:$0x3F8F];
	_ =	swait.ge [sflag:s4], $0x0  }
0x19: {  	s7 =	sld [smem:$0x3F90]  }
0x1a: {  	s8 =	sadd.s32 $0xFFFFE003, lr  }
0x1b: {  	s9 =	sadd.s32 $0xFFFFFEF7, lr;
	s5 =	simm.s32 $0xFFFFFFFF;
	p2 =	slt.u32 s8, $0xFFFFF086  }
0x1c: {  	p1 =	slt.u32 s9, $0xF7A;
	s5 =	simm.s32 @!p2 $0x0  }
0x1d: {  	s5 =	simm.s32 @p1 $0x1;
	p0 =	seq.s32 s7, s2  }
0x1e: {  	s7 =	smul.u32 @!p0 $0xF7A, s2;
	p2 =	seq.s32 @!p0 s5, $0x0  }
0x1f: {  	s9 =	smul.u32 $0xF7A, s1;
	s8 =	simm.s32 @!p0 $0x1BF5;
	p2 =	por !p2, p0  }
0x20: {  	[sflag:s8] =	ssyncset.s32 @!p0 $0xFFFFF086;
	s6 =	sadd.s32 @!p0 s3, s7;
	s7 =	simm.s32 @!p0 $0x108  }
0x21: {  	s3 =	sadd.s32 s3, s9;
	s6 =	sadd.s32 @!p0 $0x88, s6;
	s7 =	simm.s32 @p2 $0x1082  }
0x22: {  	[simem:s7], [sflag:s8] =	dma.local @!p0 [hbm:s6], $0xF7A  }
0x23: {  	s9 =	sor.u32 $0xD0000000, s2;
	s6 =	simm.s32 $0x108;
	_ =	swait.ge @!p0 [sflag:s8], $0x0  }
0x24: {  	s3 =	sadd.s32 $0x88, s3;
	s6 =	simm.s32 @!p1 $0x1082;
	[sflag:s4] =	ssyncset.s32 $0xFFFFF086  }
0x25: {  	[simem:s6], [sflag:s4] =	dma.local [hbm:s3], $0xF7A  }
0x26: {  	[smem:$0x3F90] =	sst s1;
	(tag) =	ssettag s2;
	_ =	strace s9  }
0x27: {  	s1 =	sld [smem:$0x3FA0]  }
0x28: {  	s2 =	sld [smem:$0x3FA1]  }
0x29: {  	s4 =	sld [smem:$0x3FA3]  }
0x2a: {  	p0 =	seq.s32 s5, $0x0;
	s5 =	sld [smem:$0x3FA4]  }
0x2b: {  	s6 =	sld [smem:$0x3FA5]  }
0x2c: {  	s7 =	sld [smem:$0x3FA6]  }
0x2d: {  	s3 =	simm.s32 $0x108;
	s8 =	sld [smem:$0x3FA7]  }
0x2e: {  	s3 =	simm.s32 @!p0 $0x1082;
	s9 =	sld [smem:$0x3FA8]  }
0x2f: {  	lr =	sadd.s32 s0, s3;
	s0 =	sld [smem:$0x3F9F]  }
0x30: {  	s3 =	sld [smem:$0x3FA2]  }
0x31: {  	[smem:$0x3FAB] =	sst s10  }
0x32: {  	s10 =	sld [smem:$0x3FA9];
	_ =	sdelay $0x3  }
0x33: {  	p0 =	seq.s32 s10, $0x1;
	s10 =	sld [smem:$0x3FAB];
	_ =	sdelay $0x3  }
0x34: {  	[smem:$0x3FAB] =	sst s10  }
0x35: {  	s10 =	sld [smem:$0x3FAA];
	_ =	sdelay $0x3  }
0x36: {  	p1 =	seq.s32 s10, $0x1;
	s10 =	sld [smem:$0x3FAB];
	_ =	sdelay $0x3  }
0x37: {  	[smem:$0x3FAB] =	sst s10  }
0x38: {  	s10 =	sld [smem:$0x3FAC]  }
0x39: {  	_ = 	snop;
	(pc) =	sbr.ind lr, $3  }
0x3a: {  	_ = 	snop  }
0x3b: {  	_ = 	snop  }
0x3c: {  	p2 =	seq.s32 s10, $0x1;
	s10 =	sld [smem:$0x3FAB]  }
0x3d: {  	_ =	shalt  }
0x3e: {  	_ =	shalt  }
0x3f: {  	_ =	shalt  }
0x40: {  	_ =	shalt  }
0x41: {  	_ =	shalt  }
0x42: {  	_ =	shalt  }
0x43: {  	_ =	shalt  }
0x44: {  	_ =	shalt  }
0x45: {  	_ =	shalt  }
0x46: {  	_ =	shalt  }
0x47: {  	_ =	shalt  }
0x48: {  	_ =	shalt  }
0x49: {  	_ =	shalt  }
0x4a: {  	_ =	shalt  }
0x4b: {  	_ =	shalt  }
0x4c: {  	_ =	shalt  }
0x4d: {  	_ =	shalt  }
0x4e: {  	_ =	shalt  }
0x4f: {  	_ =	shalt  }
0x50: {  	_ =	shalt  }
0x51: {  	_ =	shalt  }
0x52: {  	_ =	shalt  }
0x53: {  	_ =	shalt  }
0x54: {  	_ =	shalt  }
0x55: {  	_ =	shalt  }
0x56: {  	_ =	shalt  }
0x57: {  	_ =	shalt  }
0x58: {  	_ =	shalt  }
0x59: {  	_ =	shalt  }
0x5a: {  	_ =	shalt  }
0x5b: {  	_ =	shalt  }
0x5c: {  	_ =	shalt  }
0x5d: {  	_ =	shalt  }
0x5e: {  	_ =	shalt  }
0x5f: {  	_ =	shalt  }
0x60: {  	_ =	shalt  }
0x61: {  	_ =	shalt  }
0x62: {  	_ =	shalt  }
0x63: {  	_ =	shalt  }
0x64: {  	_ =	shalt  }
0x65: {  	_ =	shalt  }
0x66: {  	_ =	shalt  }
0x67: {  	_ =	shalt  }
0x68: {  	_ =	shalt  }
0x69: {  	_ =	shalt  }
0x6a: {  	_ =	shalt  }
0x6b: {  	_ =	shalt  }
0x6c: {  	_ =	shalt  }
0x6d: {  	_ =	shalt  }
0x6e: {  	_ =	shalt  }
0x6f: {  	_ =	shalt  }
0x70: {  	_ =	shalt  }
0x71: {  	_ =	shalt  }
0x72: {  	_ =	shalt  }
0x73: {  	_ =	shalt  }
0x74: {  	_ =	shalt  }
0x75: {  	_ =	shalt  }
0x76: {  	_ =	shalt  }
0x77: {  	_ =	shalt  }
0x78: {  	_ =	shalt  }
0x79: {  	_ =	shalt  }
0x7a: {  	_ =	shalt  }
0x7b: {  	_ =	shalt  }
0x7c: {  	_ =	shalt  }
0x7d: {  	_ =	shalt  }
0x7e: {  	_ =	shalt  }
0x7f: {  	_ =	shalt  }
0x80: {  	_ =	shalt  }
0x81: {  	_ =	shalt  }
0x82: {  	_ =	shalt  }
0x83: {  	_ =	shalt  }
0x84: {  	_ =	shalt  }
0x85: {  	_ =	shalt  }
0x86: {  	_ =	shalt  }
0x87: {  	_ =	shalt  }
.Lfunc_end0:
.L_simem_size_0:
called_computation_lowered:
.L_overlay_start_0:
0x88: {  	s2 =	sld [smem:$0x3FD9]  }
0x89: {  	s3 =	sld [smem:$0x3FFE];
	_ =	sdelay $0x1  }
0x8a: {  	s1 =	srdreg.scid  }
0x8b: {  	s0 =	sand.u32 $0x1, s1  }
0x8c: {  	s16 =	sshll.u32 s0, $0xA;
	s2 =	sadd.s32 s3, s2  }
0x8d: {  	s2 =	sadd.s32 s2, s16  }
0x8e: {  	[smem:$0x3FB7] =	sst s2  }
0x8f: {  	_ = 	snop  }
0x90: {  	(tm) =	ssettm $0x1  }
0x91: {  	s17 =	sld [smem:$0x3FFB];
	_ =	sdelay $0x3  }
0x92: {  	_ =	strace s17  }
0x93: {  	s2 =	sld [smem:$0x3FFC];
	_ =	sdelay $0x3  }
0x94: {  	_ =	strace s2  }
0x95: {  	s2 =	sld [smem:$0x3FFD];
	_ =	sdelay $0x3  }
0x96: {  	_ =	strace s2  }
0x97: {  	_ =	strace $0x8FFFFFFF  }
0x98: {  	s18 =	sld [smem:$0x3FDB];
	_ =	sdelay $0x1  }
0x99: {  	s19 =	simm.s32 $_scs_section_size  }
0x9a: {  	s4 =	simm.s32 $_size__tile_overlayer_lowered;
	s5 =	simm.s32 $_tile_overlayer_lowered  }
0x9b: {  	s22 =	simm.s32 $0x1BFF;
	s21 =	sshll.u32 s5, $0x1;
	s2 =	sadd.s32 s19, s18  }
0x9c: {  	s6 =	simm.s32 $0x0;
	s20 =	sshll.u32 s4, $0x1;
	s4 =	sadd.s32 s21, s2  }
0x9d: {  	[timem:s6], [sflag:s22] =	dma.local [hbm:s4], s20  }
0x9e: {  	_ =	swait.ge [sflag:s22], s20  }
0x9f: {  	s3 =	ssub.s32 $0x0, s20;
	[sflag:s22] =	ssyncset.done $0x0  }
0xa0: {  	[sflag:s22] =	ssyncadd.s32 s3;
	_ =	sdelay $0x1  }
0xa1: {  	s23 =	simm.s32 $0x1B8B  }
0xa2: {  	_ =	swait.ge [sflag:s23], $0x1  }
0xa3: {  	[sflag:s23] =	ssyncset.done $0x0  }
0xa4: {  	s25 =	simm.s32 $0x1B8E;
	s24 =	sld [smem:$0x3FFE];
	[sflag:s23] =	ssyncadd.s32 $0xFFFFFFFF  }
0xa5: {  	s26 =	simm.s32 $execute0_lowered;
	[smem:$0x3FD2] =	sst s25  }
0xa6: {  	s4 =	sshll.u32 s26, $0x1;
	_ =	strace $0x80000046;
	[dreg:$0x1] =	wrdreg $0xFFFFFFFF  }
0xa7: {  	s28 =	simm.s32 $_size_execute0_lowered;
	s2 =	sadd.s32 s2, s4;
	[dreg:$0x0] =	wrdreg $0x0  }
0xa8: {  	s4 =	sshll.u32 s28, $0x1;
	[dreg:$0x2] =	wrdreg s2  }
0xa9: {  	[dreg:$0x3] =	wrdreg s4  }
0xaa: {  	[dreg:$0x4] =	wrdreg $0xC0  }
0xab: {  	_ =	task [dreg:s6], $0x5FFFF  }
0xac: {  	[dreg:$0x1] =	wrdreg $0xFFFFFFFF  }
0xad: {  	[dreg:$0x0] =	wrdreg $0x60  }
0xae: {  	[dreg:$0x2] =	wrdreg s24  }
0xaf: {  	[dreg:$0x3] =	wrdreg $0x37D00  }
0xb0: {  	[dreg:$0x4] =	wrdreg $0x9  }
0xb1: {  	_ =	task.clear_ibuf [dreg:s6], $0x5FFFF;
	_ =	strace $0x90000046  }
0xb2: {  	s29 =	simm.s32 $0x9;
	_ =	strace $0x80000048  }
0xb3: {  	_ =	swait.ge [sflag:s29], $0x1  }
0xb4: {  	[sflag:s29] =	ssyncadd.s32 $0xFFFFFFFF  }
0xb5: {  	_ =	strace $0x90000048  }
0xb6: {  	_ =	sfence  }
0xb7: {  	s30 =	sld [smem:$0x0];
	_ =	sdelay $0x2  }
0xb8: {  	s31 =	sshll.u32 s1, $0xD;
	s1 =	sshrl.u32 s1, $0x2  }
0xb9: {  	s3 =	sand.u32 $0x4000, s31;
	s1 =	sadd.s32 s1, s30  }
0xba: {  	s0 =	sor.u32 s3, s0;
	s1 =	sshll.u32 s1, $0x11  }
0xbb: {  	s0 =	sor.u32 s1, s0  }
0xbc: {  	s0 =	sadd.s32 $0x8F2B, s0  }
0xbd: {  	[sflag:s0] =	ssyncadd.remote.s32 $0x1  }
0xbe: {  	_ =	sfence.sel $0xFFFF  }
0xbf: {  	[dreg:$0x0] =	wrdreg $0xFFFFFFFF;
	(pc) =	sbr.abs _section_cstart, $3  }
0xc0: {  	[dreg:$0x1] =	wrdreg $0xFFFFFFFF  }
0xc1: {  	_ =	task.clear_ibuf [dreg:s6], $0x2FFFF;
	_ =	strace $0x9FFFFFFF  }
0xc2: {  	(tm) =	ssettm $0x7FFFFFFF  }
0xc3: {  	_ =	shalt  }
tec
execute0_lowered:
.L_overlay_start_1:
0x0: {  	(tag) =	ssettag $0x1  }
0x1: {  	s4 =	rddreg [dreg:$0x0]  }
0x2: {  	s0 =	srdreg.scid;
	s2 =	rddreg [dreg:$0x1]  }
0x3: {  	s1 =	rddreg [dreg:$0x2];
	s3 =	simm.s32 $0x0;
	s5 =	sand.u32 $0x1, s0  }
0x4: {  	s23 =	simm.s32 $0x7D;
	s0 =	stileid.u32;
	s18 =	smul.u32 $0x28000, s5  }
0x5: {  	s24 =	simm.s32 $0x2800;
	s25 =	simm.s32 $0x0;
	s17 =	smul.u32 $0x2800, s0  }
0x6: {  	[smem:$0x7FF] =	sst s3;
	s7 =	smul.u32 $0xA000, s0;
	s5 =	ssub.s32 $0x2, s5  }
0x7: {  	s20 =	sadd.s32 $0xF000, s4;
	_ =	strace $0x80000047;
	s8 =	sshrl.u32 s5, $0x1  }
0x8: {  	s6 =	sadd.s32 s17, s18;
	s7 =	sshrl.u32 s7, $0x2;
	s8 =	ssub.s32 s5, s8  }
0x9: {  	s13 =	sadd.s32 $0x800, s17;
	s15 =	sadd.s32 $0x1000, s17;
	s19 =	sadd.s32 $0x1800, s17  }
0xa: {  	s22 =	sadd.s32 $0x2000, s17;
	s12 =	sshrl.u32 s6, $0x3;
	s14 =	sadd.s32 s18, s13  }
0xb: {  	s13 =	sadd.s32 s13, s2;
	s16 =	sadd.s32 s18, s15;
	s15 =	sadd.s32 s15, s2  }
0xc: {  	s21 =	sadd.s32 s18, s19;
	s31 =	sadd.s32 s18, s22;
	s6 =	sadd.s32 s12, s4  }
0xd: {  	s4 =	sadd.s32 s7, s2;
	s7 =	smax.u32 s8, $0x1;
	s12 =	sadd.s32 s20, s12  }
0xe: {  	s14 =	sshrl.u32 s14, $0x3;
	s16 =	sshrl.u32 s16, $0x3;
	s30 =	sshrl.u32 s21, $0x3  }
0xf: {  	s21 =	sshrl.u32 s31, $0x3;
	s5 =	sadd.s32 $0x5000, s6;
	s6 =	sadd.s32 s17, s2  }
0x10: {  	s8 =	sadd.s32 $0x800, s4;
	s9 =	sadd.s32 $0x1000, s4;
	s10 =	sadd.s32 $0x1800, s4  }
0x11: {  	s11 =	sadd.s32 $0x2000, s4;
	s14 =	sadd.s32 s20, s14;
	s16 =	sadd.s32 s20, s16  }
0x12: {  	s17 =	sadd.s32 s19, s2;
	s18 =	sadd.s32 s20, s30;
	s19 =	sadd.s32 s22, s2  }
0x13: {  	v0 =	vimm.f32 $1.000000000e+00;
	v1 =	vimm.f32 $0.0e+00;
	s20 =	sadd.s32 s20, s21;
	s21 =	simm.s32 $0x2FD0;
	s22 =	simm.s32 $0x1  }
.LBB2_1:
0x14: {  	s26 =	simm.s32 $0x0  }
.LBB2_2:
0x15: {  	p0 =	sne.s32 s26, $0x1F00  }
.Ltmp0:
0x16: {  	_ = 	snop;
	(pc) =	sbr.rel @p0 .LBB2_2-.Ltmp0, $3  }
0x17: {  	_ =	sdelay $0x1  }
0x18: {  	s28 =	sshra.s32 s26, $0x2  }
0x19: {  	s26 =	sadd.s32 $0x40, s26;
	[tilespmem:s28+$0x2800] =	vst v0  }
0x1a: {  	s26 =	simm.s32 $0x40;
	s28 =	simm.s32 $0x0  }
.LBB2_4:
0x1b: {  	p0 =	sne.s32 s26, $0x1FC0;
	[tilespmem:s28+$0x2FD0] =	vst v1;
	s28 =	smov.u32 s26;
	s26 =	sadd.s32 $0x40, s26  }
.Ltmp1:
0x1c: {  	(pc) =	sbr.rel @p0 .LBB2_4-.Ltmp1, $2  }
0x1d: {  	_ =	sdelay $0x2  }
0x1e: {  	s28 =	sshra.s32 s28, $0x2  }
0x1f: {  	[tilespmem:s28+$0x2FD0] =	vst v1  }
0x20: {  	[spmem:s4] =	stream.linear.scatter [tilespmem:s21], [sflag:$0x1], $0x800, $0x38;
	[tilespmem:$0x5FD0] =	vst v63  }
0x21: {  	_ =	swait.ge [sflag:s22], $0x800  }
0x22: {  	[sflag:s22] =	ssyncset.done $0x0  }
0x23: {  	[sflag:s22] =	ssyncadd.s32 $0xFFFFF800  }
0x24: {  	[spmem:s8] =	stream.linear.scatter [tilespmem:s21], [sflag:$0x1], $0x800, $0x38;
	[tilespmem:$0x5FD0] =	vst v63  }
0x25: {  	_ =	swait.ge [sflag:s22], $0x800  }
0x26: {  	[sflag:s22] =	ssyncset.done $0x0  }
0x27: {  	[sflag:s22] =	ssyncadd.s32 $0xFFFFF800  }
0x28: {  	[spmem:s9] =	stream.linear.scatter [tilespmem:s21], [sflag:$0x1], $0x800, $0x38;
	[tilespmem:$0x5FD0] =	vst v63  }
0x29: {  	_ =	swait.ge [sflag:s22], $0x800  }
0x2a: {  	[sflag:s22] =	ssyncset.done $0x0  }
0x2b: {  	[sflag:s22] =	ssyncadd.s32 $0xFFFFF800  }
0x2c: {  	[spmem:s10] =	stream.linear.scatter [tilespmem:s21], [sflag:$0x1], $0x800, $0x38;
	[tilespmem:$0x5FD0] =	vst v63  }
0x2d: {  	_ =	swait.ge [sflag:s22], $0x800  }
0x2e: {  	[sflag:s22] =	ssyncset.done $0x0  }
0x2f: {  	[sflag:s22] =	ssyncadd.s32 $0xFFFFF800  }
0x30: {  	[spmem:s11] =	stream.linear.scatter [tilespmem:s21], [sflag:$0x1], $0x800, $0x38;
	[tilespmem:$0x5FD0] =	vst v63  }
0x31: {  	_ =	swait.ge [sflag:s22], $0x800  }
0x32: {  	[sflag:s22] =	ssyncset.done $0x0  }
0x33: {  	[sflag:s22] =	ssyncadd.s32 $0xFFFFF800  }
0x34: {  	s26 =	simm.s32 $0x0;
	[bflag:$0x0] =	sbarrier.arrive $0xFFFF  }
0x35: {  	[tilespmem:s26], [sflag:$0x1] =	stream.linear.gather [hbm4b:s5+s26], $0x2800, $0x38;
	[tilespmem:$0x5FD0] =	vst v63  }
0x36: {  	_ =	swait.ge [sflag:s22], $0x2800  }
0x37: {  	[sflag:s22] =	ssyncset.done $0x0  }
0x38: {  	s31 =	simm.s32 $0x0;
	[sflag:s22] =	ssyncadd.s32 $0xFFFFD800  }
0x39: {  	[spmem:s2] =	stream.indirect.scatter.add.f32 [tilespmem:s24], [sflag:$0x1], $0x10, s31, s23, $0xb8;
	[tilespmem:$0x5FD0] =	vst v63  }
0x3a: {  	_ =	swait.ge [sflag:s22], $0x7D0  }
0x3b: {  	s26 =	simm.s32 $0x200;
	[sflag:s22] =	ssyncset.done $0x0  }
.LBB2_6:
0x3c: {  	s28 =	sshra.s32 s26, $0x2;
	[sflag:s22] =	ssyncadd.s32 $0xFFFFF830;
	p0 =	sne.s32 s26, $0x9E00  }
0x3d: {  	[spmem:s2] =	stream.indirect.scatter.add.f32 [tilespmem:s24], [sflag:$0x1], $0x10, s28, s23, $0xb8;
	[tilespmem:$0x5FD0] =	vst v63  }
.Ltmp2:
0x3e: {  	_ = 	snop;
	(pc) =	sbr.rel @p0 .LBB2_6-.Ltmp2, $4  }
0x3f: {  	_ = 	snop  }
0x40: {  	s26 =	sadd.s32 $0x200, s26  }
0x41: {  	_ =	swait.ge [sflag:s22], $0x7D0  }
0x42: {  	[sflag:s22] =	ssyncset.done $0x0  }
0x43: {  	[sflag:s22] =	ssyncadd.s32 $0xFFFFF830  }
0x44: {  	[bflag:$0x0] =	sbarrier.arrive $0xFFFF  }
0x45: {  	[tilespmem:s21], [sflag:$0x1] =	stream.linear.gather [spmem:s6], $0x800, $0x38;
	[tilespmem:$0x5FD0] =	vst v63  }
0x46: {  	_ =	swait.ge [sflag:s22], $0x800  }
0x47: {  	[sflag:s22] =	ssyncset.done $0x0  }
0x48: {  	[sflag:s22] =	ssyncadd.s32 $0xFFFFF800  }
0x49: {  	[hbm4b:s12+s3] =	stream.linear.scatter [tilespmem:s21], [sflag:$0x1], $0x800, $0x38;
	[tilespmem:$0x5FD0] =	vst v63  }
0x4a: {  	_ =	swait.ge [sflag:s22], $0x800  }
0x4b: {  	[sflag:s22] =	ssyncset.done $0x0  }
0x4c: {  	[sflag:s22] =	ssyncadd.s32 $0xFFFFF800  }
0x4d: {  	[tilespmem:s21], [sflag:$0x1] =	stream.linear.gather [spmem:s13], $0x800, $0x38;
	[tilespmem:$0x5FD0] =	vst v63  }
0x4e: {  	_ =	swait.ge [sflag:s22], $0x800  }
0x4f: {  	[sflag:s22] =	ssyncset.done $0x0  }
0x50: {  	[sflag:s22] =	ssyncadd.s32 $0xFFFFF800  }
0x51: {  	[hbm4b:s14+s3] =	stream.linear.scatter [tilespmem:s21], [sflag:$0x1], $0x800, $0x38;
	[tilespmem:$0x5FD0] =	vst v63  }
0x52: {  	_ =	swait.ge [sflag:s22], $0x800  }
0x53: {  	[sflag:s22] =	ssyncset.done $0x0  }
0x54: {  	[sflag:s22] =	ssyncadd.s32 $0xFFFFF800  }
0x55: {  	[tilespmem:s21], [sflag:$0x1] =	stream.linear.gather [spmem:s15], $0x800, $0x38;
	[tilespmem:$0x5FD0] =	vst v63  }
0x56: {  	_ =	swait.ge [sflag:s22], $0x800  }
0x57: {  	[sflag:s22] =	ssyncset.done $0x0  }
0x58: {  	[sflag:s22] =	ssyncadd.s32 $0xFFFFF800  }
0x59: {  	[hbm4b:s16+s3] =	stream.linear.scatter [tilespmem:s21], [sflag:$0x1], $0x800, $0x38;
	[tilespmem:$0x5FD0] =	vst v63  }
0x5a: {  	_ =	swait.ge [sflag:s22], $0x800  }
0x5b: {  	[sflag:s22] =	ssyncset.done $0x0  }
0x5c: {  	[sflag:s22] =	ssyncadd.s32 $0xFFFFF800  }
0x5d: {  	[tilespmem:s21], [sflag:$0x1] =	stream.linear.gather [spmem:s17], $0x800, $0x38;
	[tilespmem:$0x5FD0] =	vst v63  }
0x5e: {  	_ =	swait.ge [sflag:s22], $0x800  }
0x5f: {  	[sflag:s22] =	ssyncset.done $0x0  }
0x60: {  	[sflag:s22] =	ssyncadd.s32 $0xFFFFF800  }
0x61: {  	[hbm4b:s18+s3] =	stream.linear.scatter [tilespmem:s21], [sflag:$0x1], $0x800, $0x38;
	[tilespmem:$0x5FD0] =	vst v63  }
0x62: {  	_ =	swait.ge [sflag:s22], $0x800  }
0x63: {  	[sflag:s22] =	ssyncset.done $0x0  }
0x64: {  	[sflag:s22] =	ssyncadd.s32 $0xFFFFF800  }
0x65: {  	[tilespmem:s21], [sflag:$0x1] =	stream.linear.gather [spmem:s19], $0x800, $0x38;
	[tilespmem:$0x5FD0] =	vst v63  }
0x66: {  	s25 =	sadd.s32 $0x1, s25;
	_ =	swait.ge [sflag:s22], $0x800  }
0x67: {  	p0 =	sne.s32 s25, s7;
	[sflag:s22] =	ssyncset.done $0x0  }
.Ltmp3:
0x68: {  	[sflag:s22] =	ssyncadd.s32 $0xFFFFF800;
	(pc) =	sbr.rel @p0 .LBB2_1-.Ltmp3, $4  }
0x69: {  	[hbm4b:s20+s3] =	stream.linear.scatter [tilespmem:s21], [sflag:$0x1], $0x800, $0x38;
	[tilespmem:$0x5FD0] =	vst v63  }
0x6a: {  	_ =	swait.ge [sflag:s22], $0x800  }
0x6b: {  	[sflag:s22] =	ssyncset.done $0x0  }
0x6c: {  	[sflag:s22] =	ssyncadd.s32 $0xFFFFF800  }
0x6d: {  	_ =	sfence.sel $0x180000  }
0x6e: {  	[bflag:$0x0] =	sbarrier.arrive $0xFFFF  }
0x6f: {  	p0 =	sne.s32 s0, $0x0;
	_ =	strace $0x90000047  }
0x70: {  	s0 =	sadd.s32 @!p0 $0x100000, s1;
	[bflag:$0x2] =	sbarrier.arrive $0xFFFF  }
0x71: {  	[sflag:s0] =	ssyncadd.tile.s32 @!p0 $0x1;
	_ =	shalt  }
.Lfunc_end2:
_tile_overlayer_lowered:
.L_overlay_start_2:
0x72: {  	(tag) =	ssettag $0x2  }
0x73: {  	s0 =	rddreg [dreg:$0x0];
	s2 =	stileid.u32  }
0x74: {  	s1 =	rddreg [dreg:$0x1];
	p0 =	sne.s32 s2, $0x0  }
0x75: {  	s3 =	rddreg [dreg:$0x2];
	[bflag:$0x3] =	sbarrier.arrive $0xFFFF;
	s2 =	simm.s32 @!p0 $0x1C01  }
0x76: {  	[timem:s3], [sflag:s2] =	dma.local @!p0 [hbm:s0], s1  }
0x77: {  	s0 =	simm.s32 @!p0 $0x1  }
0x78: {  	_ =	swait.ge @!p0 [sflag:s0], s1  }
0x79: {  	s1 =	ssub.s32 @!p0 $0x0, s1;
	[sflag:s0] =	ssyncset.done @!p0 $0x0  }
0x7a: {  	[sflag:s0] =	ssyncadd.s32 @!p0 s1  }
0x7b: {  	[bflag:$0x3] =	sbarrier.arrive $0xFFFF  }
0x7c: {  	_ =	shalt  }

</sc_bundles>
